<compile_context>
chip_gen: v7x
topology: tpu7x:2x2x1
jax: 0.10.2.dev20260603
libtpu: 0.0.44.dev20260713+nightly
codegen_flags: <defaults>
</compile_context>

<pallas_src>
import dataclasses
import functools

import jax
import jax.numpy as jnp
from jax import lax
from jax.experimental import pallas as pl
from jax.experimental.pallas import tpu as pltpu
from jax.experimental.pallas import tpu_sc as plsc

NC = 2
NS = 16
S = 11
D = 128
DW = D // 2
LANES = 16
C = 32
N0 = 88
N1 = 12
PER_W0 = N0 * C
PER_W1 = N1 * C
CORE0_ROWS = NS * PER_W0
B_PAD = NS * (PER_W0 + PER_W1)
def _sc_mean_aggregate(idx_flat, feat_pk):
    mesh = plsc.VectorSubcoreMesh(core_axis_name="c", subcore_axis_name="s")
    cp = pltpu.CompilerParams()
    if "needs_layout_passes" in pltpu.CompilerParams.__dataclass_fields__:
        cp = dataclasses.replace(cp, needs_layout_passes=False)
    cp = dataclasses.replace(cp, use_tc_tiling_on_sc=False)

    @functools.partial(
        pl.kernel,
        out_type=jax.ShapeDtypeStruct((B_PAD, DW), jnp.int32),
        mesh=mesh,
        compiler_params=cp,
        scratch_types=[
            pltpu.VMEM((PER_W0 * S,), jnp.int32),
            pltpu.VMEM((C * S, DW), jnp.int32),
            pltpu.VMEM((C * S, DW), jnp.int32),
            pltpu.VMEM((C, DW), jnp.int32),
            pltpu.VMEM((C, DW), jnp.int32),
            pltpu.SemaphoreType.DMA,
            pltpu.SemaphoreType.DMA,
            pltpu.SemaphoreType.DMA,
            pltpu.SemaphoreType.DMA,
        ],
    )
    def k(idx_hbm, feat_hbm, out_hbm, idxall, rows0, rows1, out0, out1,
          sg0, sg1, so0, so1):
        c = lax.axis_index("c")
        s = lax.axis_index("s")
        row0 = jnp.where(c == 0, s * PER_W0, CORE0_ROWS + s * PER_W1)
        my_chunks = jnp.where(c == 0, N0, N1)

        @pl.when(c == 0)
        def _():
            pltpu.sync_copy(idx_hbm.at[pl.ds(row0 * S, PER_W0 * S)], idxall)

        @pl.when(c == 1)
        def _():
            off = jnp.minimum(row0 * S, idx_flat.shape[0] - PER_W1 * S)
            pltpu.sync_copy(idx_hbm.at[pl.ds(off, PER_W1 * S)],
                            idxall.at[pl.ds(0, PER_W1 * S)])

        def islice(g):
            return idxall.at[pl.ds(g * (C * S), C * S)]

        def gather(g, rb, sem):
            pltpu.async_copy(feat_hbm.at[islice(g)], rb, sem)

        def gwait(g, rb, sem):
            pltpu.make_async_copy(feat_hbm.at[islice(g)], rb, sem).wait()

        def oslice(g):
            return out_hbm.at[pl.ds(row0 + g * C, C)]

        def compute(rb, ob):
            @pl.loop(0, C)
            def _item(i):
                base = i * S
                for l in range(DW // LANES):
                    sl = pl.ds(l * LANES, LANES)
                    v = [plsc.bitcast(rb[base + s_, sl], jnp.bfloat16)
                         for s_ in range(S)]
                    while len(v) > 1:
                        nxt = [v[j] + v[j + 1] for j in range(0, len(v) - 1, 2)]
                        if len(v) % 2:
                            nxt.append(v[-1])
                        v = nxt
                    mean = v[0] * jnp.bfloat16(1.0 / S)
                    ob[i, sl] = plsc.bitcast(mean, jnp.int32)

        gather(0, rows0, sg0)
        gather(1, rows1, sg1)

        @pl.loop(0, my_chunks - 2, step=2)
        def _g(g):
            gwait(g, rows0, sg0)

            @pl.when(g >= 2)
            def _():
                pltpu.make_async_copy(out0, oslice(g - 2), so0).wait()

            compute(rows0, out0)
            pltpu.async_copy(out0, oslice(g), so0)
            gather(g + 2, rows0, sg0)

            gwait(g + 1, rows1, sg1)

            @pl.when(g >= 2)
            def _():
                pltpu.make_async_copy(out1, oslice(g - 1), so1).wait()

            compute(rows1, out1)
            pltpu.async_copy(out1, oslice(g + 1), so1)
            gather(g + 3, rows1, sg1)

        gwait(my_chunks - 2, rows0, sg0)
        pltpu.make_async_copy(out0, oslice(my_chunks - 4), so0).wait()
        compute(rows0, out0)
        pltpu.async_copy(out0, oslice(my_chunks - 2), so0)

        gwait(my_chunks - 1, rows1, sg1)
        pltpu.make_async_copy(out1, oslice(my_chunks - 3), so1).wait()
        compute(rows1, out1)
        pltpu.async_copy(out1, oslice(my_chunks - 1), so1)

        pltpu.make_async_copy(out0, oslice(my_chunks - 2), so0).wait()
        pltpu.make_async_copy(out1, oslice(my_chunks - 1), so1).wait()

    return k(idx_flat, feat_pk)


def _pack_bf16_pairs(features):
    u = lax.bitcast_convert_type(features, jnp.uint32)
    r = (u + jnp.uint32(0x7FFF) + ((u >> 16) & jnp.uint32(1))) >> 16
    lo, hi = r[:, :DW], r[:, DW:]
    return lax.bitcast_convert_type(lo | (hi << 16), jnp.int32)


def _unpack_bf16_pairs(packed):
    u = lax.bitcast_convert_type(packed, jnp.uint32)
    lo = lax.bitcast_convert_type(u << 16, jnp.float32)
    hi = lax.bitcast_convert_type(u & jnp.uint32(0xFFFF0000), jnp.float32)
    return jnp.concatenate([lo, hi], axis=1)


def kernel(nodes, neighbours_full, features):
    b = nodes.shape[0]
    all_idx = jnp.concatenate([nodes[:, None], neighbours_full], axis=1)
    idx_flat = all_idx.reshape(-1)
    pad_rows = (-b % C) + PER_W1
    idx_flat = jnp.pad(idx_flat, (0, pad_rows * S))
    out_pk = _sc_mean_aggregate(idx_flat, _pack_bf16_pairs(features))
    return _unpack_bf16_pairs(out_pk)[:b]

# --- scband reference (transcript-rebuilt; emitter-appended) ---
"""Pipeline reference for scband-mean-aggregator-40613210751310 (READ-ONLY COPY).

The authoritative reference and input builder live on the scoring server;
editing this copy changes nothing except your own understanding.
"""

import jax, jax.numpy as jnp
import numpy as np

N_NODES = 50000
D_FEAT = 128
BATCH = 50000
NUM_SAMPLE = 10


def setup_inputs(seed: int = 0) -> dict:
    key = jax.random.key(seed)
    k1, k2, k3 = jax.random.split(key, 3)
    nodes = jax.random.randint(k1, (BATCH,), 0, N_NODES, dtype=jnp.int64 if jax.config.jax_enable_x64 else jnp.int32).astype(jnp.int32)
    neighbours_full = jax.random.randint(k2, (BATCH, NUM_SAMPLE), 0, N_NODES).astype(jnp.int32)
    features = jax.random.normal(k3, (N_NODES, D_FEAT), dtype=jnp.float32)
    return {"nodes": nodes, "neighbours_full": neighbours_full, "features": features}


def reference(nodes, neighbours_full, features):
    # Tensorized translation of MeanAggregator.forward:
    # 1. uniform_sample: neighbours_full already holds num_sample sampled neighbours per node.
    # 2. set union with self: append the node's own id to its neighbourhood.
    # 3. _build + weight.mm(feat_neighbours): row-normalized 0/1 mask times gathered
    #    feature rows == mean of the gathered neighbourhood feature vectors.
    all_idx = jnp.concatenate([nodes[:, None], neighbours_full], axis=1)  # [B, S+1]
    feat_neighbours = jnp.take(features, all_idx, axis=0)                 # [B, S+1, d] gather
    num_neigh = jnp.full((all_idx.shape[0], 1), all_idx.shape[1], dtype=features.dtype)
    feat_self = jnp.sum(feat_neighbours, axis=1) / num_neigh              # mean aggregation
    return feat_self

if __name__ == "__main__":
    import jax
    _d = setup_inputs()
    print(jax.jit(kernel)(*tuple(_d.values())))

</pallas_src>

<mosaic_0001>
#map = affine_map<(d0, d1) -> (0)>
#map1 = affine_map<(d0, d1) -> (0, 0)>
module attributes {stable_mosaic.version = 14 : i64} {
  func.func @k(%arg0: i32, %arg1: i32, %arg2: memref<554400xi32, #tpu.memory_space<hbm>>, %arg3: memref<50000x64xi32, #tpu.memory_space<hbm>>, %arg4: memref<51200x64xi32, #tpu.memory_space<hbm>>, %arg5: memref<30976xi32, #tpu.memory_space<vmem>>, %arg6: memref<352x64xi32, #tpu.memory_space<vmem>>, %arg7: memref<352x64xi32, #tpu.memory_space<vmem>>, %arg8: memref<32x64xi32, #tpu.memory_space<vmem>>, %arg9: memref<32x64xi32, #tpu.memory_space<vmem>>, %arg10: memref<!tpu.dma_semaphore, #tpu.memory_space<semaphore_mem>>, %arg11: memref<!tpu.dma_semaphore, #tpu.memory_space<semaphore_mem>>, %arg12: memref<!tpu.dma_semaphore, #tpu.memory_space<semaphore_mem>>, %arg13: memref<!tpu.dma_semaphore, #tpu.memory_space<semaphore_mem>>) attributes {dimension_semantics = [#tpu.dimension_semantics<core_parallel>, #tpu.dimension_semantics<subcore_parallel>], iteration_bounds = array<i64: 2, 16>, scalar_prefetch = 0 : i64, scratch_operands = 9 : i64, tpu.core_type = #tpu.core_type<sc_vector_subcore>, window_params = [{transform_indices = #map}, {transform_indices = #map1}, {transform_indices = #map1}]} {
    %eq3A = arith.constant 0 : i32
    %eq3A_0 = arith.cmpi eq, %arg0, %eq3A : i32
    %mul3A = arith.constant 2816 : i32
    %mul3A_1 = arith.muli %arg1, %mul3A : i32
    %mul3A_2 = arith.constant 384 : i32
    %mul3A_3 = arith.muli %arg1, %mul3A_2 : i32
    %add3A = arith.constant 45056 : i32
    %add3A_4 = arith.addi %add3A, %mul3A_3 : i32
    %select_n3A = arith.select %eq3A_0, %mul3A_1, %add3A_4 : i32
    %eq3A_5 = arith.constant 0 : i32
    %eq3A_6 = arith.cmpi eq, %arg0, %eq3A_5 : i32
    %jit3A = arith.constant 88 : i32
    %jit3A_7 = arith.constant 12 : i32
    %select_n3A_8 = arith.select %eq3A_6, %jit3A, %jit3A_7 : i32
    %eq3A_9 = arith.constant 0 : i32
    %eq3A_10 = arith.cmpi eq, %arg0, %eq3A_9 : i32
    %convert_element_type3A = arith.extui %eq3A_10 : i1 to i32
    %cond3A = arith.constant 0 : i32
    %cond3A_11 = arith.cmpi ne, %convert_element_type3A, %cond3A : i32
    scf.if %cond3A_11 {
      %mul3A_122 = arith.constant 11 : i32
      %mul3A_123 = arith.muli %select_n3A, %mul3A_122 : i32
      "tpu.region"() ({
        %run_scoped3A = tpu.sem_alloc : memref<!tpu.dma_semaphore, #tpu.memory_space<semaphore_mem>>
        %dma_start3A_124 = tpu.memref_slice %arg2[%mul3A_123] : memref<554400xi32, #tpu.memory_space<hbm>> -> memref<30976xi32, #tpu.memory_space<hbm>>
        %dma_start3A_125 = tpu.memref_slice %arg2[%mul3A_123] : memref<554400xi32, #tpu.memory_space<hbm>> -> memref<30976xi32, #tpu.memory_space<hbm>>
        tpu.enqueue_dma source(%dma_start3A_125 : memref<30976xi32, #tpu.memory_space<hbm>>) target(%arg5 : memref<30976xi32, #tpu.memory_space<vmem>>) target_semaphore(%run_scoped3A : memref<!tpu.dma_semaphore, #tpu.memory_space<semaphore_mem>>)
        %dma_wait3A_126 = tpu.memref_slice %arg2[%mul3A_123] : memref<554400xi32, #tpu.memory_space<hbm>> -> memref<30976xi32, #tpu.memory_space<hbm>>
        %dma_wait3A_127 = tpu.memref_slice %arg2[%mul3A_123] : memref<554400xi32, #tpu.memory_space<hbm>> -> memref<30976xi32, #tpu.memory_space<hbm>>
        tpu.wait_dma2 semaphore(%run_scoped3A : memref<!tpu.dma_semaphore, #tpu.memory_space<semaphore_mem>>) src(%dma_wait3A_127 : memref<30976xi32, #tpu.memory_space<hbm>>) dst(%arg5 : memref<30976xi32, #tpu.memory_space<vmem>>)
        tpu.yield
      }) : () -> ()
    } else {
    }
    %eq3A_12 = arith.constant 1 : i32
    %eq3A_13 = arith.cmpi eq, %arg0, %eq3A_12 : i32
    %convert_element_type3A_14 = arith.extui %eq3A_13 : i1 to i32
    %cond3A_15 = arith.constant 0 : i32
    %cond3A_16 = arith.cmpi ne, %convert_element_type3A_14, %cond3A_15 : i32
    scf.if %cond3A_16 {
      %mul3A_122 = arith.constant 11 : i32
      %mul3A_123 = arith.muli %select_n3A, %mul3A_122 : i32
      %min3A = arith.constant 550176 : i32
      %min3A_124 = arith.minsi %mul3A_123, %min3A : i32
      "tpu.region"() ({
        %run_scoped3A = tpu.sem_alloc : memref<!tpu.dma_semaphore, #tpu.memory_space<semaphore_mem>>
        %dma_start3A_125 = arith.constant 0 : i32
        %dma_start3A_126 = tpu.memref_slice %arg5[%dma_start3A_125] : memref<30976xi32, #tpu.memory_space<vmem>> -> memref<4224xi32, #tpu.memory_space<vmem>>
        %dma_start3A_127 = tpu.memref_slice %arg2[%min3A_124] : memref<554400xi32, #tpu.memory_space<hbm>> -> memref<4224xi32, #tpu.memory_space<hbm>>
        %dma_start3A_128 = arith.constant 0 : i32
        %dma_start3A_129 = tpu.memref_slice %arg5[%dma_start3A_128] : memref<30976xi32, #tpu.memory_space<vmem>> -> memref<4224xi32, #tpu.memory_space<vmem>>
        %dma_start3A_130 = tpu.memref_slice %arg2[%min3A_124] : memref<554400xi32, #tpu.memory_space<hbm>> -> memref<4224xi32, #tpu.memory_space<hbm>>
        tpu.enqueue_dma source(%dma_start3A_130 : memref<4224xi32, #tpu.memory_space<hbm>>) target(%dma_start3A_129 : memref<4224xi32, #tpu.memory_space<vmem>>) target_semaphore(%run_scoped3A : memref<!tpu.dma_semaphore, #tpu.memory_space<semaphore_mem>>)
        %dma_wait3A_131 = arith.constant 0 : i32
        %dma_wait3A_132 = tpu.memref_slice %arg5[%dma_wait3A_131] : memref<30976xi32, #tpu.memory_space<vmem>> -> memref<4224xi32, #tpu.memory_space<vmem>>
        %dma_wait3A_133 = tpu.memref_slice %arg2[%min3A_124] : memref<554400xi32, #tpu.memory_space<hbm>> -> memref<4224xi32, #tpu.memory_space<hbm>>
        %dma_wait3A_134 = arith.constant 0 : i32
        %dma_wait3A_135 = tpu.memref_slice %arg5[%dma_wait3A_134] : memref<30976xi32, #tpu.memory_space<vmem>> -> memref<4224xi32, #tpu.memory_space<vmem>>
        %dma_wait3A_136 = tpu.memref_slice %arg2[%min3A_124] : memref<554400xi32, #tpu.memory_space<hbm>> -> memref<4224xi32, #tpu.memory_space<hbm>>
        tpu.wait_dma2 semaphore(%run_scoped3A : memref<!tpu.dma_semaphore, #tpu.memory_space<semaphore_mem>>) src(%dma_wait3A_136 : memref<4224xi32, #tpu.memory_space<hbm>>) dst(%dma_wait3A_135 : memref<4224xi32, #tpu.memory_space<vmem>>)
        tpu.yield
      }) : () -> ()
    } else {
    }
    %dma_start3A = arith.constant 0 : i32
    %dma_start3A_17 = tpu.memref_slice %arg5[%dma_start3A] : memref<30976xi32, #tpu.memory_space<vmem>> -> memref<352xi32, #tpu.memory_space<vmem>>
    %dma_start3A_18 = arith.constant 0 : i32
    %dma_start3A_19 = arith.constant 0 : i32
    %dma_start3A_20 = tpu.memref_slice %arg3[%dma_start3A_18, %dma_start3A_19] : memref<50000x64xi32, #tpu.memory_space<hbm>> -> memref<50000x64xi32, #tpu.memory_space<hbm>>
    tpu.enqueue_indirect_dma source(%dma_start3A_20 : memref<50000x64xi32, #tpu.memory_space<hbm>>) target(%arg6 : memref<352x64xi32, #tpu.memory_space<vmem>>) offsets(%dma_start3A_17 : memref<352xi32, #tpu.memory_space<vmem>>) semaphore(%arg10 : memref<!tpu.dma_semaphore, #tpu.memory_space<semaphore_mem>>)
    %dma_start3A_21 = arith.constant 352 : i32
    %dma_start3A_22 = tpu.memref_slice %arg5[%dma_start3A_21] : memref<30976xi32, #tpu.memory_space<vmem>> -> memref<352xi32, #tpu.memory_space<vmem>>
    %dma_start3A_23 = arith.constant 0 : i32
    %dma_start3A_24 = arith.constant 0 : i32
    %dma_start3A_25 = tpu.memref_slice %arg3[%dma_start3A_23, %dma_start3A_24] : memref<50000x64xi32, #tpu.memory_space<hbm>> -> memref<50000x64xi32, #tpu.memory_space<hbm>>
    tpu.enqueue_indirect_dma source(%dma_start3A_25 : memref<50000x64xi32, #tpu.memory_space<hbm>>) target(%arg7 : memref<352x64xi32, #tpu.memory_space<vmem>>) offsets(%dma_start3A_22 : memref<352xi32, #tpu.memory_space<vmem>>) semaphore(%arg11 : memref<!tpu.dma_semaphore, #tpu.memory_space<semaphore_mem>>)
    %sub3A = arith.constant 2 : i32
    %sub3A_26 = arith.subi %select_n3A_8, %sub3A : i32
    %sub3A_27 = arith.constant 0 : i32
    %sub3A_28 = arith.subi %sub3A_26, %sub3A_27 : i32
    %sub3A_29 = arith.constant 2 : i32
    %sub3A_30 = arith.constant 1 : i32
    %sub3A_31 = arith.subi %sub3A_29, %sub3A_30 : i32
    %add3A_32 = arith.addi %sub3A_28, %sub3A_31 : i32
    %div3A = arith.constant 2 : i32
    %div3A_33 = arith.divsi %add3A_32, %div3A : i32
    %while3A = arith.constant 2 : i32
    %while3A_34 = arith.constant 0 : i32
    %while3A_35 = arith.constant 0 : i32
    %while3A_36 = arith.subi %div3A_33, %while3A_35 : i32
    %while3A_37 = arith.addi %while3A_35, %while3A_36 : i32
    %while3A_38 = arith.constant 1 : i32
    %while3A_39 = arith.divsi %while3A_36, %while3A_38 : i32
    %while3A_40 = arith.muli %while3A_39, %while3A_38 : i32
    %while3A_41 = arith.addi %while3A_35, %while3A_40 : i32
    %while3A_42 = arith.constant 1 : i32
    scf.for %while3A_122 = %while3A_35 to %while3A_41 step %while3A_42  : i32 {
      %mul3A_123 = arith.muli %while3A_122, %while3A : i32
      %add3A_124 = arith.addi %while3A_34, %mul3A_123 : i32
      %mul3A_125 = arith.constant 352 : i32
      %mul3A_126 = arith.muli %add3A_124, %mul3A_125 : i32
      %dma_wait3A_127 = tpu.memref_slice %arg5[%mul3A_126] : memref<30976xi32, #tpu.memory_space<vmem>> -> memref<352xi32, #tpu.memory_space<vmem>>
      %dma_wait3A_128 = arith.constant 0 : i32
      %dma_wait3A_129 = arith.constant 0 : i32
      %dma_wait3A_130 = tpu.memref_slice %arg3[%dma_wait3A_128, %dma_wait3A_129] : memref<50000x64xi32, #tpu.memory_space<hbm>> -> memref<50000x64xi32, #tpu.memory_space<hbm>>
      tpu.wait_indirect_dma semaphore(%arg10 : memref<!tpu.dma_semaphore, #tpu.memory_space<semaphore_mem>>) src(%dma_wait3A_130 : memref<50000x64xi32, #tpu.memory_space<hbm>>) dst(%arg6 : memref<352x64xi32, #tpu.memory_space<vmem>>)
      %ge3A = arith.constant 2 : i32
      %ge3A_131 = arith.cmpi sge, %add3A_124, %ge3A : i32
      %convert_element_type3A_132 = arith.extui %ge3A_131 : i1 to i32
      %cond3A_133 = arith.constant 0 : i32
      %cond3A_134 = arith.cmpi ne, %convert_element_type3A_132, %cond3A_133 : i32
      scf.if %cond3A_134 {
        %sub3A_190 = arith.constant 2 : i32
        %sub3A_191 = arith.subi %add3A_124, %sub3A_190 : i32
        %mul3A_192 = arith.constant 32 : i32
        %mul3A_193 = arith.muli %sub3A_191, %mul3A_192 : i32
        %add3A_194 = arith.addi %select_n3A, %mul3A_193 : i32
        %dma_wait3A_195 = arith.constant 0 : i32
        %dma_wait3A_196 = tpu.memref_slice %arg4[%add3A_194, %dma_wait3A_195] : memref<51200x64xi32, #tpu.memory_space<hbm>> -> memref<32x64xi32, #tpu.memory_space<hbm>>
        %dma_wait3A_197 = arith.constant 0 : i32
        %dma_wait3A_198 = tpu.memref_slice %arg4[%add3A_194, %dma_wait3A_197] : memref<51200x64xi32, #tpu.memory_space<hbm>> -> memref<32x64xi32, #tpu.memory_space<hbm>>
        tpu.wait_dma2 semaphore(%arg12 : memref<!tpu.dma_semaphore, #tpu.memory_space<semaphore_mem>>) src(%arg8 : memref<32x64xi32, #tpu.memory_space<vmem>>) dst(%dma_wait3A_198 : memref<32x64xi32, #tpu.memory_space<hbm>>)
      } else {
      }
      %scan3A_135 = arith.constant 0 : i32
      %scan3A_136 = arith.constant 32 : i32
      %scan3A_137 = arith.addi %scan3A_135, %scan3A_136 : i32
      %scan3A_138 = arith.constant 1 : i32
      scf.for %scan3A_190 = %scan3A_135 to %scan3A_137 step %scan3A_138  : i32 {
        %mul3A_191 = arith.constant 1 : i32
        %mul3A_192 = arith.muli %scan3A_190, %mul3A_191 : i32
        %add3A_193 = arith.constant 0 : i32
        %add3A_194 = arith.addi %add3A_193, %mul3A_192 : i32
        %mul3A_195 = arith.constant 11 : i32
        %mul3A_196 = arith.muli %add3A_194, %mul3A_195 : i32
        %add3A_197 = arith.constant 0 : i32
        %add3A_198 = arith.addi %mul3A_196, %add3A_197 : i32
        %get3A = arith.index_cast %add3A_198 : i32 to index
        %get3A_199 = arith.constant 0 : index
        %get3A_200 = tpu.vector_load %arg6[%get3A, %get3A_199] {strides = array<i32>} : memref<352x64xi32, #tpu.memory_space<vmem>>, vector<16xi32>,
        %bitcast3A = vector.bitcast %get3A_200 : vector<16xi32> to vector<32xbf16>
        %add3A_201 = arith.constant 1 : i32
        %add3A_202 = arith.addi %mul3A_196, %add3A_201 : i32
        %get3A_203 = arith.index_cast %add3A_202 : i32 to index
        %get3A_204 = arith.constant 0 : index
        %get3A_205 = tpu.vector_load %arg6[%get3A_203, %get3A_204] {strides = array<i32>} : memref<352x64xi32, #tpu.memory_space<vmem>>, vector<16xi32>,
        %bitcast3A_206 = vector.bitcast %get3A_205 : vector<16xi32> to vector<32xbf16>
        %add3A_207 = arith.constant 2 : i32
        %add3A_208 = arith.addi %mul3A_196, %add3A_207 : i32
        %get3A_209 = arith.index_cast %add3A_208 : i32 to index
        %get3A_210 = arith.constant 0 : index
        %get3A_211 = tpu.vector_load %arg6[%get3A_209, %get3A_210] {strides = array<i32>} : memref<352x64xi32, #tpu.memory_space<vmem>>, vector<16xi32>,
        %bitcast3A_212 = vector.bitcast %get3A_211 : vector<16xi32> to vector<32xbf16>
        %add3A_213 = arith.constant 3 : i32
        %add3A_214 = arith.addi %mul3A_196, %add3A_213 : i32
        %get3A_215 = arith.index_cast %add3A_214 : i32 to index
        %get3A_216 = arith.constant 0 : index
        %get3A_217 = tpu.vector_load %arg6[%get3A_215, %get3A_216] {strides = array<i32>} : memref<352x64xi32, #tpu.memory_space<vmem>>, vector<16xi32>,
        %bitcast3A_218 = vector.bitcast %get3A_217 : vector<16xi32> to vector<32xbf16>
        %add3A_219 = arith.constant 4 : i32
        %add3A_220 = arith.addi %mul3A_196, %add3A_219 : i32
        %get3A_221 = arith.index_cast %add3A_220 : i32 to index
        %get3A_222 = arith.constant 0 : index
        %get3A_223 = tpu.vector_load %arg6[%get3A_221, %get3A_222] {strides = array<i32>} : memref<352x64xi32, #tpu.memory_space<vmem>>, vector<16xi32>,
        %bitcast3A_224 = vector.bitcast %get3A_223 : vector<16xi32> to vector<32xbf16>
        %add3A_225 = arith.constant 5 : i32
        %add3A_226 = arith.addi %mul3A_196, %add3A_225 : i32
        %get3A_227 = arith.index_cast %add3A_226 : i32 to index
        %get3A_228 = arith.constant 0 : index
        %get3A_229 = tpu.vector_load %arg6[%get3A_227, %get3A_228] {strides = array<i32>} : memref<352x64xi32, #tpu.memory_space<vmem>>, vector<16xi32>,
        %bitcast3A_230 = vector.bitcast %get3A_229 : vector<16xi32> to vector<32xbf16>
        %add3A_231 = arith.constant 6 : i32
        %add3A_232 = arith.addi %mul3A_196, %add3A_231 : i32
        %get3A_233 = arith.index_cast %add3A_232 : i32 to index
        %get3A_234 = arith.constant 0 : index
        %get3A_235 = tpu.vector_load %arg6[%get3A_233, %get3A_234] {strides = array<i32>} : memref<352x64xi32, #tpu.memory_space<vmem>>, vector<16xi32>,
        %bitcast3A_236 = vector.bitcast %get3A_235 : vector<16xi32> to vector<32xbf16>
        %add3A_237 = arith.constant 7 : i32
        %add3A_238 = arith.addi %mul3A_196, %add3A_237 : i32
        %get3A_239 = arith.index_cast %add3A_238 : i32 to index
        %get3A_240 = arith.constant 0 : index
        %get3A_241 = tpu.vector_load %arg6[%get3A_239, %get3A_240] {strides = array<i32>} : memref<352x64xi32, #tpu.memory_space<vmem>>, vector<16xi32>,
        %bitcast3A_242 = vector.bitcast %get3A_241 : vector<16xi32> to vector<32xbf16>
        %add3A_243 = arith.constant 8 : i32
        %add3A_244 = arith.addi %mul3A_196, %add3A_243 : i32
        %get3A_245 = arith.index_cast %add3A_244 : i32 to index
        %get3A_246 = arith.constant 0 : index
        %get3A_247 = tpu.vector_load %arg6[%get3A_245, %get3A_246] {strides = array<i32>} : memref<352x64xi32, #tpu.memory_space<vmem>>, vector<16xi32>,
        %bitcast3A_248 = vector.bitcast %get3A_247 : vector<16xi32> to vector<32xbf16>
        %add3A_249 = arith.constant 9 : i32
        %add3A_250 = arith.addi %mul3A_196, %add3A_249 : i32
        %get3A_251 = arith.index_cast %add3A_250 : i32 to index
        %get3A_252 = arith.constant 0 : index
        %get3A_253 = tpu.vector_load %arg6[%get3A_251, %get3A_252] {strides = array<i32>} : memref<352x64xi32, #tpu.memory_space<vmem>>, vector<16xi32>,
        %bitcast3A_254 = vector.bitcast %get3A_253 : vector<16xi32> to vector<32xbf16>
        %add3A_255 = arith.constant 10 : i32
        %add3A_256 = arith.addi %mul3A_196, %add3A_255 : i32
        %get3A_257 = arith.index_cast %add3A_256 : i32 to index
        %get3A_258 = arith.constant 0 : index
        %get3A_259 = tpu.vector_load %arg6[%get3A_257, %get3A_258] {strides = array<i32>} : memref<352x64xi32, #tpu.memory_space<vmem>>, vector<16xi32>,
        %bitcast3A_260 = vector.bitcast %get3A_259 : vector<16xi32> to vector<32xbf16>
        %add3A_261 = arith.addf %bitcast3A, %bitcast3A_206 : vector<32xbf16>
        %add3A_262 = arith.addf %bitcast3A_212, %bitcast3A_218 : vector<32xbf16>
        %add3A_263 = arith.addf %bitcast3A_224, %bitcast3A_230 : vector<32xbf16>
        %add3A_264 = arith.addf %bitcast3A_236, %bitcast3A_242 : vector<32xbf16>
        %add3A_265 = arith.addf %bitcast3A_248, %bitcast3A_254 : vector<32xbf16>
        %add3A_266 = arith.addf %add3A_261, %add3A_262 : vector<32xbf16>
        %add3A_267 = arith.addf %add3A_263, %add3A_264 : vector<32xbf16>
        %add3A_268 = arith.addf %add3A_265, %bitcast3A_260 : vector<32xbf16>
        %add3A_269 = arith.addf %add3A_266, %add3A_267 : vector<32xbf16>
        %add3A_270 = arith.addf %add3A_269, %add3A_268 : vector<32xbf16>
        %mul3A_271 = arith.constant 9.082030e-02 : bf16
        %mul3A_272 = vector.broadcast %mul3A_271 : bf16 to vector<32xbf16>
        %mul3A_273 = arith.mulf %add3A_270, %mul3A_272 : vector<32xbf16>
        %bitcast3A_274 = vector.bitcast %mul3A_273 : vector<32xbf16> to vector<16xi32>
        %swap3A = arith.index_cast %add3A_194 : i32 to index
        %swap3A_275 = arith.constant 0 : index
        %swap3A_276 = tpu.vector_load %arg8[%swap3A, %swap3A_275] {strides = array<i32>} : memref<32x64xi32, #tpu.memory_space<vmem>>, vector<16xi32>,
        tpu.vector_store %arg8[%swap3A, %swap3A_275], %bitcast3A_274 {strides = array<i32>} : memref<32x64xi32, #tpu.memory_space<vmem>>, vector<16xi32>,
        %add3A_277 = arith.constant 0 : i32
        %add3A_278 = arith.addi %mul3A_196, %add3A_277 : i32
        %get3A_279 = arith.index_cast %add3A_278 : i32 to index
        %get3A_280 = arith.constant 16 : index
        %get3A_281 = tpu.vector_load %arg6[%get3A_279, %get3A_280] {strides = array<i32>} : memref<352x64xi32, #tpu.memory_space<vmem>>, vector<16xi32>,
        %bitcast3A_282 = vector.bitcast %get3A_281 : vector<16xi32> to vector<32xbf16>
        %add3A_283 = arith.constant 1 : i32
        %add3A_284 = arith.addi %mul3A_196, %add3A_283 : i32
        %get3A_285 = arith.index_cast %add3A_284 : i32 to index
        %get3A_286 = arith.constant 16 : index
        %get3A_287 = tpu.vector_load %arg6[%get3A_285, %get3A_286] {strides = array<i32>} : memref<352x64xi32, #tpu.memory_space<vmem>>, vector<16xi32>,
        %bitcast3A_288 = vector.bitcast %get3A_287 : vector<16xi32> to vector<32xbf16>
        %add3A_289 = arith.constant 2 : i32
        %add3A_290 = arith.addi %mul3A_196, %add3A_289 : i32
        %get3A_291 = arith.index_cast %add3A_290 : i32 to index
        %get3A_292 = arith.constant 16 : index
        %get3A_293 = tpu.vector_load %arg6[%get3A_291, %get3A_292] {strides = array<i32>} : memref<352x64xi32, #tpu.memory_space<vmem>>, vector<16xi32>,
        %bitcast3A_294 = vector.bitcast %get3A_293 : vector<16xi32> to vector<32xbf16>
        %add3A_295 = arith.constant 3 : i32
        %add3A_296 = arith.addi %mul3A_196, %add3A_295 : i32
        %get3A_297 = arith.index_cast %add3A_296 : i32 to index
        %get3A_298 = arith.constant 16 : index
        %get3A_299 = tpu.vector_load %arg6[%get3A_297, %get3A_298] {strides = array<i32>} : memref<352x64xi32, #tpu.memory_space<vmem>>, vector<16xi32>,
        %bitcast3A_300 = vector.bitcast %get3A_299 : vector<16xi32> to vector<32xbf16>
        %add3A_301 = arith.constant 4 : i32
        %add3A_302 = arith.addi %mul3A_196, %add3A_301 : i32
        %get3A_303 = arith.index_cast %add3A_302 : i32 to index
        %get3A_304 = arith.constant 16 : index
        %get3A_305 = tpu.vector_load %arg6[%get3A_303, %get3A_304] {strides = array<i32>} : memref<352x64xi32, #tpu.memory_space<vmem>>, vector<16xi32>,
        %bitcast3A_306 = vector.bitcast %get3A_305 : vector<16xi32> to vector<32xbf16>
        %add3A_307 = arith.constant 5 : i32
        %add3A_308 = arith.addi %mul3A_196, %add3A_307 : i32
        %get3A_309 = arith.index_cast %add3A_308 : i32 to index
        %get3A_310 = arith.constant 16 : index
        %get3A_311 = tpu.vector_load %arg6[%get3A_309, %get3A_310] {strides = array<i32>} : memref<352x64xi32, #tpu.memory_space<vmem>>, vector<16xi32>,
        %bitcast3A_312 = vector.bitcast %get3A_311 : vector<16xi32> to vector<32xbf16>
        %add3A_313 = arith.constant 6 : i32
        %add3A_314 = arith.addi %mul3A_196, %add3A_313 : i32
        %get3A_315 = arith.index_cast %add3A_314 : i32 to index
        %get3A_316 = arith.constant 16 : index
        %get3A_317 = tpu.vector_load %arg6[%get3A_315, %get3A_316] {strides = array<i32>} : memref<352x64xi32, #tpu.memory_space<vmem>>, vector<16xi32>,
        %bitcast3A_318 = vector.bitcast %get3A_317 : vector<16xi32> to vector<32xbf16>
        %add3A_319 = arith.constant 7 : i32
        %add3A_320 = arith.addi %mul3A_196, %add3A_319 : i32
        %get3A_321 = arith.index_cast %add3A_320 : i32 to index
        %get3A_322 = arith.constant 16 : index
        %get3A_323 = tpu.vector_load %arg6[%get3A_321, %get3A_322] {strides = array<i32>} : memref<352x64xi32, #tpu.memory_space<vmem>>, vector<16xi32>,
        %bitcast3A_324 = vector.bitcast %get3A_323 : vector<16xi32> to vector<32xbf16>
        %add3A_325 = arith.constant 8 : i32
        %add3A_326 = arith.addi %mul3A_196, %add3A_325 : i32
        %get3A_327 = arith.index_cast %add3A_326 : i32 to index
        %get3A_328 = arith.constant 16 : index
        %get3A_329 = tpu.vector_load %arg6[%get3A_327, %get3A_328] {strides = array<i32>} : memref<352x64xi32, #tpu.memory_space<vmem>>, vector<16xi32>,
        %bitcast3A_330 = vector.bitcast %get3A_329 : vector<16xi32> to vector<32xbf16>
        %add3A_331 = arith.constant 9 : i32
        %add3A_332 = arith.addi %mul3A_196, %add3A_331 : i32
        %get3A_333 = arith.index_cast %add3A_332 : i32 to index
        %get3A_334 = arith.constant 16 : index
        %get3A_335 = tpu.vector_load %arg6[%get3A_333, %get3A_334] {strides = array<i32>} : memref<352x64xi32, #tpu.memory_space<vmem>>, vector<16xi32>,
        %bitcast3A_336 = vector.bitcast %get3A_335 : vector<16xi32> to vector<32xbf16>
        %add3A_337 = arith.constant 10 : i32
        %add3A_338 = arith.addi %mul3A_196, %add3A_337 : i32
        %get3A_339 = arith.index_cast %add3A_338 : i32 to index
        %get3A_340 = arith.constant 16 : index
        %get3A_341 = tpu.vector_load %arg6[%get3A_339, %get3A_340] {strides = array<i32>} : memref<352x64xi32, #tpu.memory_space<vmem>>, vector<16xi32>,
        %bitcast3A_342 = vector.bitcast %get3A_341 : vector<16xi32> to vector<32xbf16>
        %add3A_343 = arith.addf %bitcast3A_282, %bitcast3A_288 : vector<32xbf16>
        %add3A_344 = arith.addf %bitcast3A_294, %bitcast3A_300 : vector<32xbf16>
        %add3A_345 = arith.addf %bitcast3A_306, %bitcast3A_312 : vector<32xbf16>
        %add3A_346 = arith.addf %bitcast3A_318, %bitcast3A_324 : vector<32xbf16>
        %add3A_347 = arith.addf %bitcast3A_330, %bitcast3A_336 : vector<32xbf16>
        %add3A_348 = arith.addf %add3A_343, %add3A_344 : vector<32xbf16>
        %add3A_349 = arith.addf %add3A_345, %add3A_346 : vector<32xbf16>
        %add3A_350 = arith.addf %add3A_347, %bitcast3A_342 : vector<32xbf16>
        %add3A_351 = arith.addf %add3A_348, %add3A_349 : vector<32xbf16>
        %add3A_352 = arith.addf %add3A_351, %add3A_350 : vector<32xbf16>
        %mul3A_353 = arith.constant 9.082030e-02 : bf16
        %mul3A_354 = vector.broadcast %mul3A_353 : bf16 to vector<32xbf16>
        %mul3A_355 = arith.mulf %add3A_352, %mul3A_354 : vector<32xbf16>
        %bitcast3A_356 = vector.bitcast %mul3A_355 : vector<32xbf16> to vector<16xi32>
        %swap3A_357 = arith.index_cast %add3A_194 : i32 to index
        %swap3A_358 = arith.constant 16 : index
        %swap3A_359 = tpu.vector_load %arg8[%swap3A_357, %swap3A_358] {strides = array<i32>} : memref<32x64xi32, #tpu.memory_space<vmem>>, vector<16xi32>,
        tpu.vector_store %arg8[%swap3A_357, %swap3A_358], %bitcast3A_356 {strides = array<i32>} : memref<32x64xi32, #tpu.memory_space<vmem>>, vector<16xi32>,
        %add3A_360 = arith.constant 0 : i32
        %add3A_361 = arith.addi %mul3A_196, %add3A_360 : i32
        %get3A_362 = arith.index_cast %add3A_361 : i32 to index
        %get3A_363 = arith.constant 32 : index
        %get3A_364 = tpu.vector_load %arg6[%get3A_362, %get3A_363] {strides = array<i32>} : memref<352x64xi32, #tpu.memory_space<vmem>>, vector<16xi32>,
        %bitcast3A_365 = vector.bitcast %get3A_364 : vector<16xi32> to vector<32xbf16>
        %add3A_366 = arith.constant 1 : i32
        %add3A_367 = arith.addi %mul3A_196, %add3A_366 : i32
        %get3A_368 = arith.index_cast %add3A_367 : i32 to index
        %get3A_369 = arith.constant 32 : index
        %get3A_370 = tpu.vector_load %arg6[%get3A_368, %get3A_369] {strides = array<i32>} : memref<352x64xi32, #tpu.memory_space<vmem>>, vector<16xi32>,
        %bitcast3A_371 = vector.bitcast %get3A_370 : vector<16xi32> to vector<32xbf16>
        %add3A_372 = arith.constant 2 : i32
        %add3A_373 = arith.addi %mul3A_196, %add3A_372 : i32
        %get3A_374 = arith.index_cast %add3A_373 : i32 to index
        %get3A_375 = arith.constant 32 : index
        %get3A_376 = tpu.vector_load %arg6[%get3A_374, %get3A_375] {strides = array<i32>} : memref<352x64xi32, #tpu.memory_space<vmem>>, vector<16xi32>,
        %bitcast3A_377 = vector.bitcast %get3A_376 : vector<16xi32> to vector<32xbf16>
        %add3A_378 = arith.constant 3 : i32
        %add3A_379 = arith.addi %mul3A_196, %add3A_378 : i32
        %get3A_380 = arith.index_cast %add3A_379 : i32 to index
        %get3A_381 = arith.constant 32 : index
        %get3A_382 = tpu.vector_load %arg6[%get3A_380, %get3A_381] {strides = array<i32>} : memref<352x64xi32, #tpu.memory_space<vmem>>, vector<16xi32>,
        %bitcast3A_383 = vector.bitcast %get3A_382 : vector<16xi32> to vector<32xbf16>
        %add3A_384 = arith.constant 4 : i32
        %add3A_385 = arith.addi %mul3A_196, %add3A_384 : i32
        %get3A_386 = arith.index_cast %add3A_385 : i32 to index
        %get3A_387 = arith.constant 32 : index
        %get3A_388 = tpu.vector_load %arg6[%get3A_386, %get3A_387] {strides = array<i32>} : memref<352x64xi32, #tpu.memory_space<vmem>>, vector<16xi32>,
        %bitcast3A_389 = vector.bitcast %get3A_388 : vector<16xi32> to vector<32xbf16>
        %add3A_390 = arith.constant 5 : i32
        %add3A_391 = arith.addi %mul3A_196, %add3A_390 : i32
        %get3A_392 = arith.index_cast %add3A_391 : i32 to index
        %get3A_393 = arith.constant 32 : index
        %get3A_394 = tpu.vector_load %arg6[%get3A_392, %get3A_393] {strides = array<i32>} : memref<352x64xi32, #tpu.memory_space<vmem>>, vector<16xi32>,
        %bitcast3A_395 = vector.bitcast %get3A_394 : vector<16xi32> to vector<32xbf16>
        %add3A_396 = arith.constant 6 : i32
        %add3A_397 = arith.addi %mul3A_196, %add3A_396 : i32
        %get3A_398 = arith.index_cast %add3A_397 : i32 to index
        %get3A_399 = arith.constant 32 : index
        %get3A_400 = tpu.vector_load %arg6[%get3A_398, %get3A_399] {strides = array<i32>} : memref<352x64xi32, #tpu.memory_space<vmem>>, vector<16xi32>,
        %bitcast3A_401 = vector.bitcast %get3A_400 : vector<16xi32> to vector<32xbf16>
        %add3A_402 = arith.constant 7 : i32
        %add3A_403 = arith.addi %mul3A_196, %add3A_402 : i32
        %get3A_404 = arith.index_cast %add3A_403 : i32 to index
        %get3A_405 = arith.constant 32 : index
        %get3A_406 = tpu.vector_load %arg6[%get3A_404, %get3A_405] {strides = array<i32>} : memref<352x64xi32, #tpu.memory_space<vmem>>, vector<16xi32>,
        %bitcast3A_407 = vector.bitcast %get3A_406 : vector<16xi32> to vector<32xbf16>
        %add3A_408 = arith.constant 8 : i32
        %add3A_409 = arith.addi %mul3A_196, %add3A_408 : i32
        %get3A_410 = arith.index_cast %add3A_409 : i32 to index
        %get3A_411 = arith.constant 32 : index
        %get3A_412 = tpu.vector_load %arg6[%get3A_410, %get3A_411] {strides = array<i32>} : memref<352x64xi32, #tpu.memory_space<vmem>>, vector<16xi32>,
        %bitcast3A_413 = vector.bitcast %get3A_412 : vector<16xi32> to vector<32xbf16>
        %add3A_414 = arith.constant 9 : i32
        %add3A_415 = arith.addi %mul3A_196, %add3A_414 : i32
        %get3A_416 = arith.index_cast %add3A_415 : i32 to index
        %get3A_417 = arith.constant 32 : index
        %get3A_418 = tpu.vector_load %arg6[%get3A_416, %get3A_417] {strides = array<i32>} : memref<352x64xi32, #tpu.memory_space<vmem>>, vector<16xi32>,
        %bitcast3A_419 = vector.bitcast %get3A_418 : vector<16xi32> to vector<32xbf16>
        %add3A_420 = arith.constant 10 : i32
        %add3A_421 = arith.addi %mul3A_196, %add3A_420 : i32
        %get3A_422 = arith.index_cast %add3A_421 : i32 to index
        %get3A_423 = arith.constant 32 : index
        %get3A_424 = tpu.vector_load %arg6[%get3A_422, %get3A_423] {strides = array<i32>} : memref<352x64xi32, #tpu.memory_space<vmem>>, vector<16xi32>,
        %bitcast3A_425 = vector.bitcast %get3A_424 : vector<16xi32> to vector<32xbf16>
        %add3A_426 = arith.addf %bitcast3A_365, %bitcast3A_371 : vector<32xbf16>
        %add3A_427 = arith.addf %bitcast3A_377, %bitcast3A_383 : vector<32xbf16>
        %add3A_428 = arith.addf %bitcast3A_389, %bitcast3A_395 : vector<32xbf16>
        %add3A_429 = arith.addf %bitcast3A_401, %bitcast3A_407 : vector<32xbf16>
        %add3A_430 = arith.addf %bitcast3A_413, %bitcast3A_419 : vector<32xbf16>
        %add3A_431 = arith.addf %add3A_426, %add3A_427 : vector<32xbf16>
        %add3A_432 = arith.addf %add3A_428, %add3A_429 : vector<32xbf16>
        %add3A_433 = arith.addf %add3A_430, %bitcast3A_425 : vector<32xbf16>
        %add3A_434 = arith.addf %add3A_431, %add3A_432 : vector<32xbf16>
        %add3A_435 = arith.addf %add3A_434, %add3A_433 : vector<32xbf16>
        %mul3A_436 = arith.constant 9.082030e-02 : bf16
        %mul3A_437 = vector.broadcast %mul3A_436 : bf16 to vector<32xbf16>
        %mul3A_438 = arith.mulf %add3A_435, %mul3A_437 : vector<32xbf16>
        %bitcast3A_439 = vector.bitcast %mul3A_438 : vector<32xbf16> to vector<16xi32>
        %swap3A_440 = arith.index_cast %add3A_194 : i32 to index
        %swap3A_441 = arith.constant 32 : index
        %swap3A_442 = tpu.vector_load %arg8[%swap3A_440, %swap3A_441] {strides = array<i32>} : memref<32x64xi32, #tpu.memory_space<vmem>>, vector<16xi32>,
        tpu.vector_store %arg8[%swap3A_440, %swap3A_441], %bitcast3A_439 {strides = array<i32>} : memref<32x64xi32, #tpu.memory_space<vmem>>, vector<16xi32>,
        %add3A_443 = arith.constant 0 : i32
        %add3A_444 = arith.addi %mul3A_196, %add3A_443 : i32
        %get3A_445 = arith.index_cast %add3A_444 : i32 to index
        %get3A_446 = arith.constant 48 : index
        %get3A_447 = tpu.vector_load %arg6[%get3A_445, %get3A_446] {strides = array<i32>} : memref<352x64xi32, #tpu.memory_space<vmem>>, vector<16xi32>,
        %bitcast3A_448 = vector.bitcast %get3A_447 : vector<16xi32> to vector<32xbf16>
        %add3A_449 = arith.constant 1 : i32
        %add3A_450 = arith.addi %mul3A_196, %add3A_449 : i32
        %get3A_451 = arith.index_cast %add3A_450 : i32 to index
        %get3A_452 = arith.constant 48 : index
        %get3A_453 = tpu.vector_load %arg6[%get3A_451, %get3A_452] {strides = array<i32>} : memref<352x64xi32, #tpu.memory_space<vmem>>, vector<16xi32>,
        %bitcast3A_454 = vector.bitcast %get3A_453 : vector<16xi32> to vector<32xbf16>
        %add3A_455 = arith.constant 2 : i32
        %add3A_456 = arith.addi %mul3A_196, %add3A_455 : i32
        %get3A_457 = arith.index_cast %add3A_456 : i32 to index
        %get3A_458 = arith.constant 48 : index
        %get3A_459 = tpu.vector_load %arg6[%get3A_457, %get3A_458] {strides = array<i32>} : memref<352x64xi32, #tpu.memory_space<vmem>>, vector<16xi32>,
        %bitcast3A_460 = vector.bitcast %get3A_459 : vector<16xi32> to vector<32xbf16>
        %add3A_461 = arith.constant 3 : i32
        %add3A_462 = arith.addi %mul3A_196, %add3A_461 : i32
        %get3A_463 = arith.index_cast %add3A_462 : i32 to index
        %get3A_464 = arith.constant 48 : index
        %get3A_465 = tpu.vector_load %arg6[%get3A_463, %get3A_464] {strides = array<i32>} : memref<352x64xi32, #tpu.memory_space<vmem>>, vector<16xi32>,
        %bitcast3A_466 = vector.bitcast %get3A_465 : vector<16xi32> to vector<32xbf16>
        %add3A_467 = arith.constant 4 : i32
        %add3A_468 = arith.addi %mul3A_196, %add3A_467 : i32
        %get3A_469 = arith.index_cast %add3A_468 : i32 to index
        %get3A_470 = arith.constant 48 : index
        %get3A_471 = tpu.vector_load %arg6[%get3A_469, %get3A_470] {strides = array<i32>} : memref<352x64xi32, #tpu.memory_space<vmem>>, vector<16xi32>,
        %bitcast3A_472 = vector.bitcast %get3A_471 : vector<16xi32> to vector<32xbf16>
        %add3A_473 = arith.constant 5 : i32
        %add3A_474 = arith.addi %mul3A_196, %add3A_473 : i32
        %get3A_475 = arith.index_cast %add3A_474 : i32 to index
        %get3A_476 = arith.constant 48 : index
        %get3A_477 = tpu.vector_load %arg6[%get3A_475, %get3A_476] {strides = array<i32>} : memref<352x64xi32, #tpu.memory_space<vmem>>, vector<16xi32>,
        %bitcast3A_478 = vector.bitcast %get3A_477 : vector<16xi32> to vector<32xbf16>
        %add3A_479 = arith.constant 6 : i32
        %add3A_480 = arith.addi %mul3A_196, %add3A_479 : i32
        %get3A_481 = arith.index_cast %add3A_480 : i32 to index
        %get3A_482 = arith.constant 48 : index
        %get3A_483 = tpu.vector_load %arg6[%get3A_481, %get3A_482] {strides = array<i32>} : memref<352x64xi32, #tpu.memory_space<vmem>>, vector<16xi32>,
        %bitcast3A_484 = vector.bitcast %get3A_483 : vector<16xi32> to vector<32xbf16>
        %add3A_485 = arith.constant 7 : i32
        %add3A_486 = arith.addi %mul3A_196, %add3A_485 : i32
        %get3A_487 = arith.index_cast %add3A_486 : i32 to index
        %get3A_488 = arith.constant 48 : index
        %get3A_489 = tpu.vector_load %arg6[%get3A_487, %get3A_488] {strides = array<i32>} : memref<352x64xi32, #tpu.memory_space<vmem>>, vector<16xi32>,
        %bitcast3A_490 = vector.bitcast %get3A_489 : vector<16xi32> to vector<32xbf16>
        %add3A_491 = arith.constant 8 : i32
        %add3A_492 = arith.addi %mul3A_196, %add3A_491 : i32
        %get3A_493 = arith.index_cast %add3A_492 : i32 to index
        %get3A_494 = arith.constant 48 : index
        %get3A_495 = tpu.vector_load %arg6[%get3A_493, %get3A_494] {strides = array<i32>} : memref<352x64xi32, #tpu.memory_space<vmem>>, vector<16xi32>,
        %bitcast3A_496 = vector.bitcast %get3A_495 : vector<16xi32> to vector<32xbf16>
        %add3A_497 = arith.constant 9 : i32
        %add3A_498 = arith.addi %mul3A_196, %add3A_497 : i32
        %get3A_499 = arith.index_cast %add3A_498 : i32 to index
        %get3A_500 = arith.constant 48 : index
        %get3A_501 = tpu.vector_load %arg6[%get3A_499, %get3A_500] {strides = array<i32>} : memref<352x64xi32, #tpu.memory_space<vmem>>, vector<16xi32>,
        %bitcast3A_502 = vector.bitcast %get3A_501 : vector<16xi32> to vector<32xbf16>
        %add3A_503 = arith.constant 10 : i32
        %add3A_504 = arith.addi %mul3A_196, %add3A_503 : i32
        %get3A_505 = arith.index_cast %add3A_504 : i32 to index
        %get3A_506 = arith.constant 48 : index
        %get3A_507 = tpu.vector_load %arg6[%get3A_505, %get3A_506] {strides = array<i32>} : memref<352x64xi32, #tpu.memory_space<vmem>>, vector<16xi32>,
        %bitcast3A_508 = vector.bitcast %get3A_507 : vector<16xi32> to vector<32xbf16>
        %add3A_509 = arith.addf %bitcast3A_448, %bitcast3A_454 : vector<32xbf16>
        %add3A_510 = arith.addf %bitcast3A_460, %bitcast3A_466 : vector<32xbf16>
        %add3A_511 = arith.addf %bitcast3A_472, %bitcast3A_478 : vector<32xbf16>
        %add3A_512 = arith.addf %bitcast3A_484, %bitcast3A_490 : vector<32xbf16>
        %add3A_513 = arith.addf %bitcast3A_496, %bitcast3A_502 : vector<32xbf16>
        %add3A_514 = arith.addf %add3A_509, %add3A_510 : vector<32xbf16>
        %add3A_515 = arith.addf %add3A_511, %add3A_512 : vector<32xbf16>
        %add3A_516 = arith.addf %add3A_513, %bitcast3A_508 : vector<32xbf16>
        %add3A_517 = arith.addf %add3A_514, %add3A_515 : vector<32xbf16>
        %add3A_518 = arith.addf %add3A_517, %add3A_516 : vector<32xbf16>
        %mul3A_519 = arith.constant 9.082030e-02 : bf16
        %mul3A_520 = vector.broadcast %mul3A_519 : bf16 to vector<32xbf16>
        %mul3A_521 = arith.mulf %add3A_518, %mul3A_520 : vector<32xbf16>
        %bitcast3A_522 = vector.bitcast %mul3A_521 : vector<32xbf16> to vector<16xi32>
        %swap3A_523 = arith.index_cast %add3A_194 : i32 to index
        %swap3A_524 = arith.constant 48 : index
        %swap3A_525 = tpu.vector_load %arg8[%swap3A_523, %swap3A_524] {strides = array<i32>} : memref<32x64xi32, #tpu.memory_space<vmem>>, vector<16xi32>,
        tpu.vector_store %arg8[%swap3A_523, %swap3A_524], %bitcast3A_522 {strides = array<i32>} : memref<32x64xi32, #tpu.memory_space<vmem>>, vector<16xi32>,
      }
      %scan3A_139 = arith.constant 32 : i32
      %mul3A_140 = arith.constant 32 : i32
      %mul3A_141 = arith.muli %add3A_124, %mul3A_140 : i32
      %add3A_142 = arith.addi %select_n3A, %mul3A_141 : i32
      %dma_start3A_143 = arith.constant 0 : i32
      %dma_start3A_144 = tpu.memref_slice %arg4[%add3A_142, %dma_start3A_143] : memref<51200x64xi32, #tpu.memory_space<hbm>> -> memref<32x64xi32, #tpu.memory_space<hbm>>
      %dma_start3A_145 = arith.constant 0 : i32
      %dma_start3A_146 = tpu.memref_slice %arg4[%add3A_142, %dma_start3A_145] : memref<51200x64xi32, #tpu.memory_space<hbm>> -> memref<32x64xi32, #tpu.memory_space<hbm>>
      tpu.enqueue_dma source(%arg8 : memref<32x64xi32, #tpu.memory_space<vmem>>) target(%dma_start3A_146 : memref<32x64xi32, #tpu.memory_space<hbm>>) target_semaphore(%arg12 : memref<!tpu.dma_semaphore, #tpu.memory_space<semaphore_mem>>)
      %add3A_147 = arith.constant 2 : i32
      %add3A_148 = arith.addi %add3A_124, %add3A_147 : i32
      %mul3A_149 = arith.constant 352 : i32
      %mul3A_150 = arith.muli %add3A_148, %mul3A_149 : i32
      %dma_start3A_151 = tpu.memref_slice %arg5[%mul3A_150] : memref<30976xi32, #tpu.memory_space<vmem>> -> memref<352xi32, #tpu.memory_space<vmem>>
      %dma_start3A_152 = arith.constant 0 : i32
      %dma_start3A_153 = arith.constant 0 : i32
      %dma_start3A_154 = tpu.memref_slice %arg3[%dma_start3A_152, %dma_start3A_153] : memref<50000x64xi32, #tpu.memory_space<hbm>> -> memref<50000x64xi32, #tpu.memory_space<hbm>>
      tpu.enqueue_indirect_dma source(%dma_start3A_154 : memref<50000x64xi32, #tpu.memory_space<hbm>>) target(%arg6 : memref<352x64xi32, #tpu.memory_space<vmem>>) offsets(%dma_start3A_151 : memref<352xi32, #tpu.memory_space<vmem>>) semaphore(%arg10 : memref<!tpu.dma_semaphore, #tpu.memory_space<semaphore_mem>>)
      %add3A_155 = arith.constant 1 : i32
      %add3A_156 = arith.addi %add3A_124, %add3A_155 : i32
      %mul3A_157 = arith.constant 352 : i32
      %mul3A_158 = arith.muli %add3A_156, %mul3A_157 : i32
      %dma_wait3A_159 = tpu.memref_slice %arg5[%mul3A_158] : memref<30976xi32, #tpu.memory_space<vmem>> -> memref<352xi32, #tpu.memory_space<vmem>>
      %dma_wait3A_160 = arith.constant 0 : i32
      %dma_wait3A_161 = arith.constant 0 : i32
      %dma_wait3A_162 = tpu.memref_slice %arg3[%dma_wait3A_160, %dma_wait3A_161] : memref<50000x64xi32, #tpu.memory_space<hbm>> -> memref<50000x64xi32, #tpu.memory_space<hbm>>
      tpu.wait_indirect_dma semaphore(%arg11 : memref<!tpu.dma_semaphore, #tpu.memory_space<semaphore_mem>>) src(%dma_wait3A_162 : memref<50000x64xi32, #tpu.memory_space<hbm>>) dst(%arg7 : memref<352x64xi32, #tpu.memory_space<vmem>>)
      %ge3A_163 = arith.constant 2 : i32
      %ge3A_164 = arith.cmpi sge, %add3A_124, %ge3A_163 : i32
      %convert_element_type3A_165 = arith.extui %ge3A_164 : i1 to i32
      %cond3A_166 = arith.constant 0 : i32
      %cond3A_167 = arith.cmpi ne, %convert_element_type3A_165, %cond3A_166 : i32
      scf.if %cond3A_167 {
        %sub3A_190 = arith.constant 1 : i32
        %sub3A_191 = arith.subi %add3A_124, %sub3A_190 : i32
        %mul3A_192 = arith.constant 32 : i32
        %mul3A_193 = arith.muli %sub3A_191, %mul3A_192 : i32
        %add3A_194 = arith.addi %select_n3A, %mul3A_193 : i32
        %dma_wait3A_195 = arith.constant 0 : i32
        %dma_wait3A_196 = tpu.memref_slice %arg4[%add3A_194, %dma_wait3A_195] : memref<51200x64xi32, #tpu.memory_space<hbm>> -> memref<32x64xi32, #tpu.memory_space<hbm>>
        %dma_wait3A_197 = arith.constant 0 : i32
        %dma_wait3A_198 = tpu.memref_slice %arg4[%add3A_194, %dma_wait3A_197] : memref<51200x64xi32, #tpu.memory_space<hbm>> -> memref<32x64xi32, #tpu.memory_space<hbm>>
        tpu.wait_dma2 semaphore(%arg13 : memref<!tpu.dma_semaphore, #tpu.memory_space<semaphore_mem>>) src(%arg9 : memref<32x64xi32, #tpu.memory_space<vmem>>) dst(%dma_wait3A_198 : memref<32x64xi32, #tpu.memory_space<hbm>>)
      } else {
      }
      %scan3A_168 = arith.constant 0 : i32
      %scan3A_169 = arith.constant 32 : i32
      %scan3A_170 = arith.addi %scan3A_168, %scan3A_169 : i32
      %scan3A_171 = arith.constant 1 : i32
      scf.for %scan3A_190 = %scan3A_168 to %scan3A_170 step %scan3A_171  : i32 {
        %mul3A_191 = arith.constant 1 : i32
        %mul3A_192 = arith.muli %scan3A_190, %mul3A_191 : i32
        %add3A_193 = arith.constant 0 : i32
        %add3A_194 = arith.addi %add3A_193, %mul3A_192 : i32
        %mul3A_195 = arith.constant 11 : i32
        %mul3A_196 = arith.muli %add3A_194, %mul3A_195 : i32
        %add3A_197 = arith.constant 0 : i32
        %add3A_198 = arith.addi %mul3A_196, %add3A_197 : i32
        %get3A = arith.index_cast %add3A_198 : i32 to index
        %get3A_199 = arith.constant 0 : index
        %get3A_200 = tpu.vector_load %arg7[%get3A, %get3A_199] {strides = array<i32>} : memref<352x64xi32, #tpu.memory_space<vmem>>, vector<16xi32>,
        %bitcast3A = vector.bitcast %get3A_200 : vector<16xi32> to vector<32xbf16>
        %add3A_201 = arith.constant 1 : i32
        %add3A_202 = arith.addi %mul3A_196, %add3A_201 : i32
        %get3A_203 = arith.index_cast %add3A_202 : i32 to index
        %get3A_204 = arith.constant 0 : index
        %get3A_205 = tpu.vector_load %arg7[%get3A_203, %get3A_204] {strides = array<i32>} : memref<352x64xi32, #tpu.memory_space<vmem>>, vector<16xi32>,
        %bitcast3A_206 = vector.bitcast %get3A_205 : vector<16xi32> to vector<32xbf16>
        %add3A_207 = arith.constant 2 : i32
        %add3A_208 = arith.addi %mul3A_196, %add3A_207 : i32
        %get3A_209 = arith.index_cast %add3A_208 : i32 to index
        %get3A_210 = arith.constant 0 : index
        %get3A_211 = tpu.vector_load %arg7[%get3A_209, %get3A_210] {strides = array<i32>} : memref<352x64xi32, #tpu.memory_space<vmem>>, vector<16xi32>,
        %bitcast3A_212 = vector.bitcast %get3A_211 : vector<16xi32> to vector<32xbf16>
        %add3A_213 = arith.constant 3 : i32
        %add3A_214 = arith.addi %mul3A_196, %add3A_213 : i32
        %get3A_215 = arith.index_cast %add3A_214 : i32 to index
        %get3A_216 = arith.constant 0 : index
        %get3A_217 = tpu.vector_load %arg7[%get3A_215, %get3A_216] {strides = array<i32>} : memref<352x64xi32, #tpu.memory_space<vmem>>, vector<16xi32>,
        %bitcast3A_218 = vector.bitcast %get3A_217 : vector<16xi32> to vector<32xbf16>
        %add3A_219 = arith.constant 4 : i32
        %add3A_220 = arith.addi %mul3A_196, %add3A_219 : i32
        %get3A_221 = arith.index_cast %add3A_220 : i32 to index
        %get3A_222 = arith.constant 0 : index
        %get3A_223 = tpu.vector_load %arg7[%get3A_221, %get3A_222] {strides = array<i32>} : memref<352x64xi32, #tpu.memory_space<vmem>>, vector<16xi32>,
        %bitcast3A_224 = vector.bitcast %get3A_223 : vector<16xi32> to vector<32xbf16>
        %add3A_225 = arith.constant 5 : i32
        %add3A_226 = arith.addi %mul3A_196, %add3A_225 : i32
        %get3A_227 = arith.index_cast %add3A_226 : i32 to index
        %get3A_228 = arith.constant 0 : index
        %get3A_229 = tpu.vector_load %arg7[%get3A_227, %get3A_228] {strides = array<i32>} : memref<352x64xi32, #tpu.memory_space<vmem>>, vector<16xi32>,
        %bitcast3A_230 = vector.bitcast %get3A_229 : vector<16xi32> to vector<32xbf16>
        %add3A_231 = arith.constant 6 : i32
        %add3A_232 = arith.addi %mul3A_196, %add3A_231 : i32
        %get3A_233 = arith.index_cast %add3A_232 : i32 to index
        %get3A_234 = arith.constant 0 : index
        %get3A_235 = tpu.vector_load %arg7[%get3A_233, %get3A_234] {strides = array<i32>} : memref<352x64xi32, #tpu.memory_space<vmem>>, vector<16xi32>,
        %bitcast3A_236 = vector.bitcast %get3A_235 : vector<16xi32> to vector<32xbf16>
        %add3A_237 = arith.constant 7 : i32
        %add3A_238 = arith.addi %mul3A_196, %add3A_237 : i32
        %get3A_239 = arith.index_cast %add3A_238 : i32 to index
        %get3A_240 = arith.constant 0 : index
        %get3A_241 = tpu.vector_load %arg7[%get3A_239, %get3A_240] {strides = array<i32>} : memref<352x64xi32, #tpu.memory_space<vmem>>, vector<16xi32>,
        %bitcast3A_242 = vector.bitcast %get3A_241 : vector<16xi32> to vector<32xbf16>
        %add3A_243 = arith.constant 8 : i32
        %add3A_244 = arith.addi %mul3A_196, %add3A_243 : i32
        %get3A_245 = arith.index_cast %add3A_244 : i32 to index
        %get3A_246 = arith.constant 0 : index
        %get3A_247 = tpu.vector_load %arg7[%get3A_245, %get3A_246] {strides = array<i32>} : memref<352x64xi32, #tpu.memory_space<vmem>>, vector<16xi32>,
        %bitcast3A_248 = vector.bitcast %get3A_247 : vector<16xi32> to vector<32xbf16>
        %add3A_249 = arith.constant 9 : i32
        %add3A_250 = arith.addi %mul3A_196, %add3A_249 : i32
        %get3A_251 = arith.index_cast %add3A_250 : i32 to index
        %get3A_252 = arith.constant 0 : index
        %get3A_253 = tpu.vector_load %arg7[%get3A_251, %get3A_252] {strides = array<i32>} : memref<352x64xi32, #tpu.memory_space<vmem>>, vector<16xi32>,
        %bitcast3A_254 = vector.bitcast %get3A_253 : vector<16xi32> to vector<32xbf16>
        %add3A_255 = arith.constant 10 : i32
        %add3A_256 = arith.addi %mul3A_196, %add3A_255 : i32
        %get3A_257 = arith.index_cast %add3A_256 : i32 to index
        %get3A_258 = arith.constant 0 : index
        %get3A_259 = tpu.vector_load %arg7[%get3A_257, %get3A_258] {strides = array<i32>} : memref<352x64xi32, #tpu.memory_space<vmem>>, vector<16xi32>,
        %bitcast3A_260 = vector.bitcast %get3A_259 : vector<16xi32> to vector<32xbf16>
        %add3A_261 = arith.addf %bitcast3A, %bitcast3A_206 : vector<32xbf16>
        %add3A_262 = arith.addf %bitcast3A_212, %bitcast3A_218 : vector<32xbf16>
        %add3A_263 = arith.addf %bitcast3A_224, %bitcast3A_230 : vector<32xbf16>
        %add3A_264 = arith.addf %bitcast3A_236, %bitcast3A_242 : vector<32xbf16>
        %add3A_265 = arith.addf %bitcast3A_248, %bitcast3A_254 : vector<32xbf16>
        %add3A_266 = arith.addf %add3A_261, %add3A_262 : vector<32xbf16>
        %add3A_267 = arith.addf %add3A_263, %add3A_264 : vector<32xbf16>
        %add3A_268 = arith.addf %add3A_265, %bitcast3A_260 : vector<32xbf16>
        %add3A_269 = arith.addf %add3A_266, %add3A_267 : vector<32xbf16>
        %add3A_270 = arith.addf %add3A_269, %add3A_268 : vector<32xbf16>
        %mul3A_271 = arith.constant 9.082030e-02 : bf16
        %mul3A_272 = vector.broadcast %mul3A_271 : bf16 to vector<32xbf16>
        %mul3A_273 = arith.mulf %add3A_270, %mul3A_272 : vector<32xbf16>
        %bitcast3A_274 = vector.bitcast %mul3A_273 : vector<32xbf16> to vector<16xi32>
        %swap3A = arith.index_cast %add3A_194 : i32 to index
        %swap3A_275 = arith.constant 0 : index
        %swap3A_276 = tpu.vector_load %arg9[%swap3A, %swap3A_275] {strides = array<i32>} : memref<32x64xi32, #tpu.memory_space<vmem>>, vector<16xi32>,
        tpu.vector_store %arg9[%swap3A, %swap3A_275], %bitcast3A_274 {strides = array<i32>} : memref<32x64xi32, #tpu.memory_space<vmem>>, vector<16xi32>,
        %add3A_277 = arith.constant 0 : i32
        %add3A_278 = arith.addi %mul3A_196, %add3A_277 : i32
        %get3A_279 = arith.index_cast %add3A_278 : i32 to index
        %get3A_280 = arith.constant 16 : index
        %get3A_281 = tpu.vector_load %arg7[%get3A_279, %get3A_280] {strides = array<i32>} : memref<352x64xi32, #tpu.memory_space<vmem>>, vector<16xi32>,
        %bitcast3A_282 = vector.bitcast %get3A_281 : vector<16xi32> to vector<32xbf16>
        %add3A_283 = arith.constant 1 : i32
        %add3A_284 = arith.addi %mul3A_196, %add3A_283 : i32
        %get3A_285 = arith.index_cast %add3A_284 : i32 to index
        %get3A_286 = arith.constant 16 : index
        %get3A_287 = tpu.vector_load %arg7[%get3A_285, %get3A_286] {strides = array<i32>} : memref<352x64xi32, #tpu.memory_space<vmem>>, vector<16xi32>,
        %bitcast3A_288 = vector.bitcast %get3A_287 : vector<16xi32> to vector<32xbf16>
        %add3A_289 = arith.constant 2 : i32
        %add3A_290 = arith.addi %mul3A_196, %add3A_289 : i32
        %get3A_291 = arith.index_cast %add3A_290 : i32 to index
        %get3A_292 = arith.constant 16 : index
        %get3A_293 = tpu.vector_load %arg7[%get3A_291, %get3A_292] {strides = array<i32>} : memref<352x64xi32, #tpu.memory_space<vmem>>, vector<16xi32>,
        %bitcast3A_294 = vector.bitcast %get3A_293 : vector<16xi32> to vector<32xbf16>
        %add3A_295 = arith.constant 3 : i32
        %add3A_296 = arith.addi %mul3A_196, %add3A_295 : i32
        %get3A_297 = arith.index_cast %add3A_296 : i32 to index
        %get3A_298 = arith.constant 16 : index
        %get3A_299 = tpu.vector_load %arg7[%get3A_297, %get3A_298] {strides = array<i32>} : memref<352x64xi32, #tpu.memory_space<vmem>>, vector<16xi32>,
        %bitcast3A_300 = vector.bitcast %get3A_299 : vector<16xi32> to vector<32xbf16>
        %add3A_301 = arith.constant 4 : i32
        %add3A_302 = arith.addi %mul3A_196, %add3A_301 : i32
        %get3A_303 = arith.index_cast %add3A_302 : i32 to index
        %get3A_304 = arith.constant 16 : index
        %get3A_305 = tpu.vector_load %arg7[%get3A_303, %get3A_304] {strides = array<i32>} : memref<352x64xi32, #tpu.memory_space<vmem>>, vector<16xi32>,
        %bitcast3A_306 = vector.bitcast %get3A_305 : vector<16xi32> to vector<32xbf16>
        %add3A_307 = arith.constant 5 : i32
        %add3A_308 = arith.addi %mul3A_196, %add3A_307 : i32
        %get3A_309 = arith.index_cast %add3A_308 : i32 to index
        %get3A_310 = arith.constant 16 : index
        %get3A_311 = tpu.vector_load %arg7[%get3A_309, %get3A_310] {strides = array<i32>} : memref<352x64xi32, #tpu.memory_space<vmem>>, vector<16xi32>,
        %bitcast3A_312 = vector.bitcast %get3A_311 : vector<16xi32> to vector<32xbf16>
        %add3A_313 = arith.constant 6 : i32
        %add3A_314 = arith.addi %mul3A_196, %add3A_313 : i32
        %get3A_315 = arith.index_cast %add3A_314 : i32 to index
        %get3A_316 = arith.constant 16 : index
        %get3A_317 = tpu.vector_load %arg7[%get3A_315, %get3A_316] {strides = array<i32>} : memref<352x64xi32, #tpu.memory_space<vmem>>, vector<16xi32>,
        %bitcast3A_318 = vector.bitcast %get3A_317 : vector<16xi32> to vector<32xbf16>
        %add3A_319 = arith.constant 7 : i32
        %add3A_320 = arith.addi %mul3A_196, %add3A_319 : i32
        %get3A_321 = arith.index_cast %add3A_320 : i32 to index
        %get3A_322 = arith.constant 16 : index
        %get3A_323 = tpu.vector_load %arg7[%get3A_321, %get3A_322] {strides = array<i32>} : memref<352x64xi32, #tpu.memory_space<vmem>>, vector<16xi32>,
        %bitcast3A_324 = vector.bitcast %get3A_323 : vector<16xi32> to vector<32xbf16>
        %add3A_325 = arith.constant 8 : i32
        %add3A_326 = arith.addi %mul3A_196, %add3A_325 : i32
        %get3A_327 = arith.index_cast %add3A_326 : i32 to index
        %get3A_328 = arith.constant 16 : index
        %get3A_329 = tpu.vector_load %arg7[%get3A_327, %get3A_328] {strides = array<i32>} : memref<352x64xi32, #tpu.memory_space<vmem>>, vector<16xi32>,
        %bitcast3A_330 = vector.bitcast %get3A_329 : vector<16xi32> to vector<32xbf16>
        %add3A_331 = arith.constant 9 : i32
        %add3A_332 = arith.addi %mul3A_196, %add3A_331 : i32
        %get3A_333 = arith.index_cast %add3A_332 : i32 to index
        %get3A_334 = arith.constant 16 : index
        %get3A_335 = tpu.vector_load %arg7[%get3A_333, %get3A_334] {strides = array<i32>} : memref<352x64xi32, #tpu.memory_space<vmem>>, vector<16xi32>,
        %bitcast3A_336 = vector.bitcast %get3A_335 : vector<16xi32> to vector<32xbf16>
        %add3A_337 = arith.constant 10 : i32
        %add3A_338 = arith.addi %mul3A_196, %add3A_337 : i32
        %get3A_339 = arith.index_cast %add3A_338 : i32 to index
        %get3A_340 = arith.constant 16 : index
        %get3A_341 = tpu.vector_load %arg7[%get3A_339, %get3A_340] {strides = array<i32>} : memref<352x64xi32, #tpu.memory_space<vmem>>, vector<16xi32>,
        %bitcast3A_342 = vector.bitcast %get3A_341 : vector<16xi32> to vector<32xbf16>
        %add3A_343 = arith.addf %bitcast3A_282, %bitcast3A_288 : vector<32xbf16>
        %add3A_344 = arith.addf %bitcast3A_294, %bitcast3A_300 : vector<32xbf16>
        %add3A_345 = arith.addf %bitcast3A_306, %bitcast3A_312 : vector<32xbf16>
        %add3A_346 = arith.addf %bitcast3A_318, %bitcast3A_324 : vector<32xbf16>
        %add3A_347 = arith.addf %bitcast3A_330, %bitcast3A_336 : vector<32xbf16>
        %add3A_348 = arith.addf %add3A_343, %add3A_344 : vector<32xbf16>
        %add3A_349 = arith.addf %add3A_345, %add3A_346 : vector<32xbf16>
        %add3A_350 = arith.addf %add3A_347, %bitcast3A_342 : vector<32xbf16>
        %add3A_351 = arith.addf %add3A_348, %add3A_349 : vector<32xbf16>
        %add3A_352 = arith.addf %add3A_351, %add3A_350 : vector<32xbf16>
        %mul3A_353 = arith.constant 9.082030e-02 : bf16
        %mul3A_354 = vector.broadcast %mul3A_353 : bf16 to vector<32xbf16>
        %mul3A_355 = arith.mulf %add3A_352, %mul3A_354 : vector<32xbf16>
        %bitcast3A_356 = vector.bitcast %mul3A_355 : vector<32xbf16> to vector<16xi32>
        %swap3A_357 = arith.index_cast %add3A_194 : i32 to index
        %swap3A_358 = arith.constant 16 : index
        %swap3A_359 = tpu.vector_load %arg9[%swap3A_357, %swap3A_358] {strides = array<i32>} : memref<32x64xi32, #tpu.memory_space<vmem>>, vector<16xi32>,
        tpu.vector_store %arg9[%swap3A_357, %swap3A_358], %bitcast3A_356 {strides = array<i32>} : memref<32x64xi32, #tpu.memory_space<vmem>>, vector<16xi32>,
        %add3A_360 = arith.constant 0 : i32
        %add3A_361 = arith.addi %mul3A_196, %add3A_360 : i32
        %get3A_362 = arith.index_cast %add3A_361 : i32 to index
        %get3A_363 = arith.constant 32 : index
        %get3A_364 = tpu.vector_load %arg7[%get3A_362, %get3A_363] {strides = array<i32>} : memref<352x64xi32, #tpu.memory_space<vmem>>, vector<16xi32>,
        %bitcast3A_365 = vector.bitcast %get3A_364 : vector<16xi32> to vector<32xbf16>
        %add3A_366 = arith.constant 1 : i32
        %add3A_367 = arith.addi %mul3A_196, %add3A_366 : i32
        %get3A_368 = arith.index_cast %add3A_367 : i32 to index
        %get3A_369 = arith.constant 32 : index
        %get3A_370 = tpu.vector_load %arg7[%get3A_368, %get3A_369] {strides = array<i32>} : memref<352x64xi32, #tpu.memory_space<vmem>>, vector<16xi32>,
        %bitcast3A_371 = vector.bitcast %get3A_370 : vector<16xi32> to vector<32xbf16>
        %add3A_372 = arith.constant 2 : i32
        %add3A_373 = arith.addi %mul3A_196, %add3A_372 : i32
        %get3A_374 = arith.index_cast %add3A_373 : i32 to index
        %get3A_375 = arith.constant 32 : index
        %get3A_376 = tpu.vector_load %arg7[%get3A_374, %get3A_375] {strides = array<i32>} : memref<352x64xi32, #tpu.memory_space<vmem>>, vector<16xi32>,
        %bitcast3A_377 = vector.bitcast %get3A_376 : vector<16xi32> to vector<32xbf16>
        %add3A_378 = arith.constant 3 : i32
        %add3A_379 = arith.addi %mul3A_196, %add3A_378 : i32
        %get3A_380 = arith.index_cast %add3A_379 : i32 to index
        %get3A_381 = arith.constant 32 : index
        %get3A_382 = tpu.vector_load %arg7[%get3A_380, %get3A_381] {strides = array<i32>} : memref<352x64xi32, #tpu.memory_space<vmem>>, vector<16xi32>,
        %bitcast3A_383 = vector.bitcast %get3A_382 : vector<16xi32> to vector<32xbf16>
        %add3A_384 = arith.constant 4 : i32
        %add3A_385 = arith.addi %mul3A_196, %add3A_384 : i32
        %get3A_386 = arith.index_cast %add3A_385 : i32 to index
        %get3A_387 = arith.constant 32 : index
        %get3A_388 = tpu.vector_load %arg7[%get3A_386, %get3A_387] {strides = array<i32>} : memref<352x64xi32, #tpu.memory_space<vmem>>, vector<16xi32>,
        %bitcast3A_389 = vector.bitcast %get3A_388 : vector<16xi32> to vector<32xbf16>
        %add3A_390 = arith.constant 5 : i32
        %add3A_391 = arith.addi %mul3A_196, %add3A_390 : i32
        %get3A_392 = arith.index_cast %add3A_391 : i32 to index
        %get3A_393 = arith.constant 32 : index
        %get3A_394 = tpu.vector_load %arg7[%get3A_392, %get3A_393] {strides = array<i32>} : memref<352x64xi32, #tpu.memory_space<vmem>>, vector<16xi32>,
        %bitcast3A_395 = vector.bitcast %get3A_394 : vector<16xi32> to vector<32xbf16>
        %add3A_396 = arith.constant 6 : i32
        %add3A_397 = arith.addi %mul3A_196, %add3A_396 : i32
        %get3A_398 = arith.index_cast %add3A_397 : i32 to index
        %get3A_399 = arith.constant 32 : index
        %get3A_400 = tpu.vector_load %arg7[%get3A_398, %get3A_399] {strides = array<i32>} : memref<352x64xi32, #tpu.memory_space<vmem>>, vector<16xi32>,
        %bitcast3A_401 = vector.bitcast %get3A_400 : vector<16xi32> to vector<32xbf16>
        %add3A_402 = arith.constant 7 : i32
        %add3A_403 = arith.addi %mul3A_196, %add3A_402 : i32
        %get3A_404 = arith.index_cast %add3A_403 : i32 to index
        %get3A_405 = arith.constant 32 : index
        %get3A_406 = tpu.vector_load %arg7[%get3A_404, %get3A_405] {strides = array<i32>} : memref<352x64xi32, #tpu.memory_space<vmem>>, vector<16xi32>,
        %bitcast3A_407 = vector.bitcast %get3A_406 : vector<16xi32> to vector<32xbf16>
        %add3A_408 = arith.constant 8 : i32
        %add3A_409 = arith.addi %mul3A_196, %add3A_408 : i32
        %get3A_410 = arith.index_cast %add3A_409 : i32 to index
        %get3A_411 = arith.constant 32 : index
        %get3A_412 = tpu.vector_load %arg7[%get3A_410, %get3A_411] {strides = array<i32>} : memref<352x64xi32, #tpu.memory_space<vmem>>, vector<16xi32>,
        %bitcast3A_413 = vector.bitcast %get3A_412 : vector<16xi32> to vector<32xbf16>
        %add3A_414 = arith.constant 9 : i32
        %add3A_415 = arith.addi %mul3A_196, %add3A_414 : i32
        %get3A_416 = arith.index_cast %add3A_415 : i32 to index
        %get3A_417 = arith.constant 32 : index
        %get3A_418 = tpu.vector_load %arg7[%get3A_416, %get3A_417] {strides = array<i32>} : memref<352x64xi32, #tpu.memory_space<vmem>>, vector<16xi32>,
        %bitcast3A_419 = vector.bitcast %get3A_418 : vector<16xi32> to vector<32xbf16>
        %add3A_420 = arith.constant 10 : i32
        %add3A_421 = arith.addi %mul3A_196, %add3A_420 : i32
        %get3A_422 = arith.index_cast %add3A_421 : i32 to index
        %get3A_423 = arith.constant 32 : index
        %get3A_424 = tpu.vector_load %arg7[%get3A_422, %get3A_423] {strides = array<i32>} : memref<352x64xi32, #tpu.memory_space<vmem>>, vector<16xi32>,
        %bitcast3A_425 = vector.bitcast %get3A_424 : vector<16xi32> to vector<32xbf16>
        %add3A_426 = arith.addf %bitcast3A_365, %bitcast3A_371 : vector<32xbf16>
        %add3A_427 = arith.addf %bitcast3A_377, %bitcast3A_383 : vector<32xbf16>
        %add3A_428 = arith.addf %bitcast3A_389, %bitcast3A_395 : vector<32xbf16>
        %add3A_429 = arith.addf %bitcast3A_401, %bitcast3A_407 : vector<32xbf16>
        %add3A_430 = arith.addf %bitcast3A_413, %bitcast3A_419 : vector<32xbf16>
        %add3A_431 = arith.addf %add3A_426, %add3A_427 : vector<32xbf16>
        %add3A_432 = arith.addf %add3A_428, %add3A_429 : vector<32xbf16>
        %add3A_433 = arith.addf %add3A_430, %bitcast3A_425 : vector<32xbf16>
        %add3A_434 = arith.addf %add3A_431, %add3A_432 : vector<32xbf16>
        %add3A_435 = arith.addf %add3A_434, %add3A_433 : vector<32xbf16>
        %mul3A_436 = arith.constant 9.082030e-02 : bf16
        %mul3A_437 = vector.broadcast %mul3A_436 : bf16 to vector<32xbf16>
        %mul3A_438 = arith.mulf %add3A_435, %mul3A_437 : vector<32xbf16>
        %bitcast3A_439 = vector.bitcast %mul3A_438 : vector<32xbf16> to vector<16xi32>
        %swap3A_440 = arith.index_cast %add3A_194 : i32 to index
        %swap3A_441 = arith.constant 32 : index
        %swap3A_442 = tpu.vector_load %arg9[%swap3A_440, %swap3A_441] {strides = array<i32>} : memref<32x64xi32, #tpu.memory_space<vmem>>, vector<16xi32>,
        tpu.vector_store %arg9[%swap3A_440, %swap3A_441], %bitcast3A_439 {strides = array<i32>} : memref<32x64xi32, #tpu.memory_space<vmem>>, vector<16xi32>,
        %add3A_443 = arith.constant 0 : i32
        %add3A_444 = arith.addi %mul3A_196, %add3A_443 : i32
        %get3A_445 = arith.index_cast %add3A_444 : i32 to index
        %get3A_446 = arith.constant 48 : index
        %get3A_447 = tpu.vector_load %arg7[%get3A_445, %get3A_446] {strides = array<i32>} : memref<352x64xi32, #tpu.memory_space<vmem>>, vector<16xi32>,
        %bitcast3A_448 = vector.bitcast %get3A_447 : vector<16xi32> to vector<32xbf16>
        %add3A_449 = arith.constant 1 : i32
        %add3A_450 = arith.addi %mul3A_196, %add3A_449 : i32
        %get3A_451 = arith.index_cast %add3A_450 : i32 to index
        %get3A_452 = arith.constant 48 : index
        %get3A_453 = tpu.vector_load %arg7[%get3A_451, %get3A_452] {strides = array<i32>} : memref<352x64xi32, #tpu.memory_space<vmem>>, vector<16xi32>,
        %bitcast3A_454 = vector.bitcast %get3A_453 : vector<16xi32> to vector<32xbf16>
        %add3A_455 = arith.constant 2 : i32
        %add3A_456 = arith.addi %mul3A_196, %add3A_455 : i32
        %get3A_457 = arith.index_cast %add3A_456 : i32 to index
        %get3A_458 = arith.constant 48 : index
        %get3A_459 = tpu.vector_load %arg7[%get3A_457, %get3A_458] {strides = array<i32>} : memref<352x64xi32, #tpu.memory_space<vmem>>, vector<16xi32>,
        %bitcast3A_460 = vector.bitcast %get3A_459 : vector<16xi32> to vector<32xbf16>
        %add3A_461 = arith.constant 3 : i32
        %add3A_462 = arith.addi %mul3A_196, %add3A_461 : i32
        %get3A_463 = arith.index_cast %add3A_462 : i32 to index
        %get3A_464 = arith.constant 48 : index
        %get3A_465 = tpu.vector_load %arg7[%get3A_463, %get3A_464] {strides = array<i32>} : memref<352x64xi32, #tpu.memory_space<vmem>>, vector<16xi32>,
        %bitcast3A_466 = vector.bitcast %get3A_465 : vector<16xi32> to vector<32xbf16>
        %add3A_467 = arith.constant 4 : i32
        %add3A_468 = arith.addi %mul3A_196, %add3A_467 : i32
        %get3A_469 = arith.index_cast %add3A_468 : i32 to index
        %get3A_470 = arith.constant 48 : index
        %get3A_471 = tpu.vector_load %arg7[%get3A_469, %get3A_470] {strides = array<i32>} : memref<352x64xi32, #tpu.memory_space<vmem>>, vector<16xi32>,
        %bitcast3A_472 = vector.bitcast %get3A_471 : vector<16xi32> to vector<32xbf16>
        %add3A_473 = arith.constant 5 : i32
        %add3A_474 = arith.addi %mul3A_196, %add3A_473 : i32
        %get3A_475 = arith.index_cast %add3A_474 : i32 to index
        %get3A_476 = arith.constant 48 : index
        %get3A_477 = tpu.vector_load %arg7[%get3A_475, %get3A_476] {strides = array<i32>} : memref<352x64xi32, #tpu.memory_space<vmem>>, vector<16xi32>,
        %bitcast3A_478 = vector.bitcast %get3A_477 : vector<16xi32> to vector<32xbf16>
        %add3A_479 = arith.constant 6 : i32
        %add3A_480 = arith.addi %mul3A_196, %add3A_479 : i32
        %get3A_481 = arith.index_cast %add3A_480 : i32 to index
        %get3A_482 = arith.constant 48 : index
        %get3A_483 = tpu.vector_load %arg7[%get3A_481, %get3A_482] {strides = array<i32>} : memref<352x64xi32, #tpu.memory_space<vmem>>, vector<16xi32>,
        %bitcast3A_484 = vector.bitcast %get3A_483 : vector<16xi32> to vector<32xbf16>
        %add3A_485 = arith.constant 7 : i32
        %add3A_486 = arith.addi %mul3A_196, %add3A_485 : i32
        %get3A_487 = arith.index_cast %add3A_486 : i32 to index
        %get3A_488 = arith.constant 48 : index
        %get3A_489 = tpu.vector_load %arg7[%get3A_487, %get3A_488] {strides = array<i32>} : memref<352x64xi32, #tpu.memory_space<vmem>>, vector<16xi32>,
        %bitcast3A_490 = vector.bitcast %get3A_489 : vector<16xi32> to vector<32xbf16>
        %add3A_491 = arith.constant 8 : i32
        %add3A_492 = arith.addi %mul3A_196, %add3A_491 : i32
        %get3A_493 = arith.index_cast %add3A_492 : i32 to index
        %get3A_494 = arith.constant 48 : index
        %get3A_495 = tpu.vector_load %arg7[%get3A_493, %get3A_494] {strides = array<i32>} : memref<352x64xi32, #tpu.memory_space<vmem>>, vector<16xi32>,
        %bitcast3A_496 = vector.bitcast %get3A_495 : vector<16xi32> to vector<32xbf16>
        %add3A_497 = arith.constant 9 : i32
        %add3A_498 = arith.addi %mul3A_196, %add3A_497 : i32
        %get3A_499 = arith.index_cast %add3A_498 : i32 to index
        %get3A_500 = arith.constant 48 : index
        %get3A_501 = tpu.vector_load %arg7[%get3A_499, %get3A_500] {strides = array<i32>} : memref<352x64xi32, #tpu.memory_space<vmem>>, vector<16xi32>,
        %bitcast3A_502 = vector.bitcast %get3A_501 : vector<16xi32> to vector<32xbf16>
        %add3A_503 = arith.constant 10 : i32
        %add3A_504 = arith.addi %mul3A_196, %add3A_503 : i32
        %get3A_505 = arith.index_cast %add3A_504 : i32 to index
        %get3A_506 = arith.constant 48 : index
        %get3A_507 = tpu.vector_load %arg7[%get3A_505, %get3A_506] {strides = array<i32>} : memref<352x64xi32, #tpu.memory_space<vmem>>, vector<16xi32>,
        %bitcast3A_508 = vector.bitcast %get3A_507 : vector<16xi32> to vector<32xbf16>
        %add3A_509 = arith.addf %bitcast3A_448, %bitcast3A_454 : vector<32xbf16>
        %add3A_510 = arith.addf %bitcast3A_460, %bitcast3A_466 : vector<32xbf16>
        %add3A_511 = arith.addf %bitcast3A_472, %bitcast3A_478 : vector<32xbf16>
        %add3A_512 = arith.addf %bitcast3A_484, %bitcast3A_490 : vector<32xbf16>
        %add3A_513 = arith.addf %bitcast3A_496, %bitcast3A_502 : vector<32xbf16>
        %add3A_514 = arith.addf %add3A_509, %add3A_510 : vector<32xbf16>
        %add3A_515 = arith.addf %add3A_511, %add3A_512 : vector<32xbf16>
        %add3A_516 = arith.addf %add3A_513, %bitcast3A_508 : vector<32xbf16>
        %add3A_517 = arith.addf %add3A_514, %add3A_515 : vector<32xbf16>
        %add3A_518 = arith.addf %add3A_517, %add3A_516 : vector<32xbf16>
        %mul3A_519 = arith.constant 9.082030e-02 : bf16
        %mul3A_520 = vector.broadcast %mul3A_519 : bf16 to vector<32xbf16>
        %mul3A_521 = arith.mulf %add3A_518, %mul3A_520 : vector<32xbf16>
        %bitcast3A_522 = vector.bitcast %mul3A_521 : vector<32xbf16> to vector<16xi32>
        %swap3A_523 = arith.index_cast %add3A_194 : i32 to index
        %swap3A_524 = arith.constant 48 : index
        %swap3A_525 = tpu.vector_load %arg9[%swap3A_523, %swap3A_524] {strides = array<i32>} : memref<32x64xi32, #tpu.memory_space<vmem>>, vector<16xi32>,
        tpu.vector_store %arg9[%swap3A_523, %swap3A_524], %bitcast3A_522 {strides = array<i32>} : memref<32x64xi32, #tpu.memory_space<vmem>>, vector<16xi32>,
      }
      %scan3A_172 = arith.constant 32 : i32
      %add3A_173 = arith.constant 1 : i32
      %add3A_174 = arith.addi %add3A_124, %add3A_173 : i32
      %mul3A_175 = arith.constant 32 : i32
      %mul3A_176 = arith.muli %add3A_174, %mul3A_175 : i32
      %add3A_177 = arith.addi %select_n3A, %mul3A_176 : i32
      %dma_start3A_178 = arith.constant 0 : i32
      %dma_start3A_179 = tpu.memref_slice %arg4[%add3A_177, %dma_start3A_178] : memref<51200x64xi32, #tpu.memory_space<hbm>> -> memref<32x64xi32, #tpu.memory_space<hbm>>
      %dma_start3A_180 = arith.constant 0 : i32
      %dma_start3A_181 = tpu.memref_slice %arg4[%add3A_177, %dma_start3A_180] : memref<51200x64xi32, #tpu.memory_space<hbm>> -> memref<32x64xi32, #tpu.memory_space<hbm>>
      tpu.enqueue_dma source(%arg9 : memref<32x64xi32, #tpu.memory_space<vmem>>) target(%dma_start3A_181 : memref<32x64xi32, #tpu.memory_space<hbm>>) target_semaphore(%arg13 : memref<!tpu.dma_semaphore, #tpu.memory_space<semaphore_mem>>)
      %add3A_182 = arith.constant 3 : i32
      %add3A_183 = arith.addi %add3A_124, %add3A_182 : i32
      %mul3A_184 = arith.constant 352 : i32
      %mul3A_185 = arith.muli %add3A_183, %mul3A_184 : i32
      %dma_start3A_186 = tpu.memref_slice %arg5[%mul3A_185] : memref<30976xi32, #tpu.memory_space<vmem>> -> memref<352xi32, #tpu.memory_space<vmem>>
      %dma_start3A_187 = arith.constant 0 : i32
      %dma_start3A_188 = arith.constant 0 : i32
      %dma_start3A_189 = tpu.memref_slice %arg3[%dma_start3A_187, %dma_start3A_188] : memref<50000x64xi32, #tpu.memory_space<hbm>> -> memref<50000x64xi32, #tpu.memory_space<hbm>>
      tpu.enqueue_indirect_dma source(%dma_start3A_189 : memref<50000x64xi32, #tpu.memory_space<hbm>>) target(%arg7 : memref<352x64xi32, #tpu.memory_space<vmem>>) offsets(%dma_start3A_186 : memref<352xi32, #tpu.memory_space<vmem>>) semaphore(%arg11 : memref<!tpu.dma_semaphore, #tpu.memory_space<semaphore_mem>>)
    }
    %while3A_43 = arith.constant 1 : i32
    scf.for %while3A_122 = %while3A_41 to %while3A_37 step %while3A_43  : i32 {
      %mul3A_123 = arith.muli %while3A_122, %while3A : i32
      %add3A_124 = arith.addi %while3A_34, %mul3A_123 : i32
      %mul3A_125 = arith.constant 352 : i32
      %mul3A_126 = arith.muli %add3A_124, %mul3A_125 : i32
      %dma_wait3A_127 = tpu.memref_slice %arg5[%mul3A_126] : memref<30976xi32, #tpu.memory_space<vmem>> -> memref<352xi32, #tpu.memory_space<vmem>>
      %dma_wait3A_128 = arith.constant 0 : i32
      %dma_wait3A_129 = arith.constant 0 : i32
      %dma_wait3A_130 = tpu.memref_slice %arg3[%dma_wait3A_128, %dma_wait3A_129] : memref<50000x64xi32, #tpu.memory_space<hbm>> -> memref<50000x64xi32, #tpu.memory_space<hbm>>
      tpu.wait_indirect_dma semaphore(%arg10 : memref<!tpu.dma_semaphore, #tpu.memory_space<semaphore_mem>>) src(%dma_wait3A_130 : memref<50000x64xi32, #tpu.memory_space<hbm>>) dst(%arg6 : memref<352x64xi32, #tpu.memory_space<vmem>>)
      %ge3A = arith.constant 2 : i32
      %ge3A_131 = arith.cmpi sge, %add3A_124, %ge3A : i32
      %convert_element_type3A_132 = arith.extui %ge3A_131 : i1 to i32
      %cond3A_133 = arith.constant 0 : i32
      %cond3A_134 = arith.cmpi ne, %convert_element_type3A_132, %cond3A_133 : i32
      scf.if %cond3A_134 {
        %sub3A_190 = arith.constant 2 : i32
        %sub3A_191 = arith.subi %add3A_124, %sub3A_190 : i32
        %mul3A_192 = arith.constant 32 : i32
        %mul3A_193 = arith.muli %sub3A_191, %mul3A_192 : i32
        %add3A_194 = arith.addi %select_n3A, %mul3A_193 : i32
        %dma_wait3A_195 = arith.constant 0 : i32
        %dma_wait3A_196 = tpu.memref_slice %arg4[%add3A_194, %dma_wait3A_195] : memref<51200x64xi32, #tpu.memory_space<hbm>> -> memref<32x64xi32, #tpu.memory_space<hbm>>
        %dma_wait3A_197 = arith.constant 0 : i32
        %dma_wait3A_198 = tpu.memref_slice %arg4[%add3A_194, %dma_wait3A_197] : memref<51200x64xi32, #tpu.memory_space<hbm>> -> memref<32x64xi32, #tpu.memory_space<hbm>>
        tpu.wait_dma2 semaphore(%arg12 : memref<!tpu.dma_semaphore, #tpu.memory_space<semaphore_mem>>) src(%arg8 : memref<32x64xi32, #tpu.memory_space<vmem>>) dst(%dma_wait3A_198 : memref<32x64xi32, #tpu.memory_space<hbm>>)
      } else {
      }
      %scan3A_135 = arith.constant 0 : i32
      %scan3A_136 = arith.constant 32 : i32
      %scan3A_137 = arith.addi %scan3A_135, %scan3A_136 : i32
      %scan3A_138 = arith.constant 1 : i32
      scf.for %scan3A_190 = %scan3A_135 to %scan3A_137 step %scan3A_138  : i32 {
        %mul3A_191 = arith.constant 1 : i32
        %mul3A_192 = arith.muli %scan3A_190, %mul3A_191 : i32
        %add3A_193 = arith.constant 0 : i32
        %add3A_194 = arith.addi %add3A_193, %mul3A_192 : i32
        %mul3A_195 = arith.constant 11 : i32
        %mul3A_196 = arith.muli %add3A_194, %mul3A_195 : i32
        %add3A_197 = arith.constant 0 : i32
        %add3A_198 = arith.addi %mul3A_196, %add3A_197 : i32
        %get3A = arith.index_cast %add3A_198 : i32 to index
        %get3A_199 = arith.constant 0 : index
        %get3A_200 = tpu.vector_load %arg6[%get3A, %get3A_199] {strides = array<i32>} : memref<352x64xi32, #tpu.memory_space<vmem>>, vector<16xi32>,
        %bitcast3A = vector.bitcast %get3A_200 : vector<16xi32> to vector<32xbf16>
        %add3A_201 = arith.constant 1 : i32
        %add3A_202 = arith.addi %mul3A_196, %add3A_201 : i32
        %get3A_203 = arith.index_cast %add3A_202 : i32 to index
        %get3A_204 = arith.constant 0 : index
        %get3A_205 = tpu.vector_load %arg6[%get3A_203, %get3A_204] {strides = array<i32>} : memref<352x64xi32, #tpu.memory_space<vmem>>, vector<16xi32>,
        %bitcast3A_206 = vector.bitcast %get3A_205 : vector<16xi32> to vector<32xbf16>
        %add3A_207 = arith.constant 2 : i32
        %add3A_208 = arith.addi %mul3A_196, %add3A_207 : i32
        %get3A_209 = arith.index_cast %add3A_208 : i32 to index
        %get3A_210 = arith.constant 0 : index
        %get3A_211 = tpu.vector_load %arg6[%get3A_209, %get3A_210] {strides = array<i32>} : memref<352x64xi32, #tpu.memory_space<vmem>>, vector<16xi32>,
        %bitcast3A_212 = vector.bitcast %get3A_211 : vector<16xi32> to vector<32xbf16>
        %add3A_213 = arith.constant 3 : i32
        %add3A_214 = arith.addi %mul3A_196, %add3A_213 : i32
        %get3A_215 = arith.index_cast %add3A_214 : i32 to index
        %get3A_216 = arith.constant 0 : index
        %get3A_217 = tpu.vector_load %arg6[%get3A_215, %get3A_216] {strides = array<i32>} : memref<352x64xi32, #tpu.memory_space<vmem>>, vector<16xi32>,
        %bitcast3A_218 = vector.bitcast %get3A_217 : vector<16xi32> to vector<32xbf16>
        %add3A_219 = arith.constant 4 : i32
        %add3A_220 = arith.addi %mul3A_196, %add3A_219 : i32
        %get3A_221 = arith.index_cast %add3A_220 : i32 to index
        %get3A_222 = arith.constant 0 : index
        %get3A_223 = tpu.vector_load %arg6[%get3A_221, %get3A_222] {strides = array<i32>} : memref<352x64xi32, #tpu.memory_space<vmem>>, vector<16xi32>,
        %bitcast3A_224 = vector.bitcast %get3A_223 : vector<16xi32> to vector<32xbf16>
        %add3A_225 = arith.constant 5 : i32
        %add3A_226 = arith.addi %mul3A_196, %add3A_225 : i32
        %get3A_227 = arith.index_cast %add3A_226 : i32 to index
        %get3A_228 = arith.constant 0 : index
        %get3A_229 = tpu.vector_load %arg6[%get3A_227, %get3A_228] {strides = array<i32>} : memref<352x64xi32, #tpu.memory_space<vmem>>, vector<16xi32>,
        %bitcast3A_230 = vector.bitcast %get3A_229 : vector<16xi32> to vector<32xbf16>
        %add3A_231 = arith.constant 6 : i32
        %add3A_232 = arith.addi %mul3A_196, %add3A_231 : i32
        %get3A_233 = arith.index_cast %add3A_232 : i32 to index
        %get3A_234 = arith.constant 0 : index
        %get3A_235 = tpu.vector_load %arg6[%get3A_233, %get3A_234] {strides = array<i32>} : memref<352x64xi32, #tpu.memory_space<vmem>>, vector<16xi32>,
        %bitcast3A_236 = vector.bitcast %get3A_235 : vector<16xi32> to vector<32xbf16>
        %add3A_237 = arith.constant 7 : i32
        %add3A_238 = arith.addi %mul3A_196, %add3A_237 : i32
        %get3A_239 = arith.index_cast %add3A_238 : i32 to index
        %get3A_240 = arith.constant 0 : index
        %get3A_241 = tpu.vector_load %arg6[%get3A_239, %get3A_240] {strides = array<i32>} : memref<352x64xi32, #tpu.memory_space<vmem>>, vector<16xi32>,
        %bitcast3A_242 = vector.bitcast %get3A_241 : vector<16xi32> to vector<32xbf16>
        %add3A_243 = arith.constant 8 : i32
        %add3A_244 = arith.addi %mul3A_196, %add3A_243 : i32
        %get3A_245 = arith.index_cast %add3A_244 : i32 to index
        %get3A_246 = arith.constant 0 : index
        %get3A_247 = tpu.vector_load %arg6[%get3A_245, %get3A_246] {strides = array<i32>} : memref<352x64xi32, #tpu.memory_space<vmem>>, vector<16xi32>,
        %bitcast3A_248 = vector.bitcast %get3A_247 : vector<16xi32> to vector<32xbf16>
        %add3A_249 = arith.constant 9 : i32
        %add3A_250 = arith.addi %mul3A_196, %add3A_249 : i32
        %get3A_251 = arith.index_cast %add3A_250 : i32 to index
        %get3A_252 = arith.constant 0 : index
        %get3A_253 = tpu.vector_load %arg6[%get3A_251, %get3A_252] {strides = array<i32>} : memref<352x64xi32, #tpu.memory_space<vmem>>, vector<16xi32>,
        %bitcast3A_254 = vector.bitcast %get3A_253 : vector<16xi32> to vector<32xbf16>
        %add3A_255 = arith.constant 10 : i32
        %add3A_256 = arith.addi %mul3A_196, %add3A_255 : i32
        %get3A_257 = arith.index_cast %add3A_256 : i32 to index
        %get3A_258 = arith.constant 0 : index
        %get3A_259 = tpu.vector_load %arg6[%get3A_257, %get3A_258] {strides = array<i32>} : memref<352x64xi32, #tpu.memory_space<vmem>>, vector<16xi32>,
        %bitcast3A_260 = vector.bitcast %get3A_259 : vector<16xi32> to vector<32xbf16>
        %add3A_261 = arith.addf %bitcast3A, %bitcast3A_206 : vector<32xbf16>
        %add3A_262 = arith.addf %bitcast3A_212, %bitcast3A_218 : vector<32xbf16>
        %add3A_263 = arith.addf %bitcast3A_224, %bitcast3A_230 : vector<32xbf16>
        %add3A_264 = arith.addf %bitcast3A_236, %bitcast3A_242 : vector<32xbf16>
        %add3A_265 = arith.addf %bitcast3A_248, %bitcast3A_254 : vector<32xbf16>
        %add3A_266 = arith.addf %add3A_261, %add3A_262 : vector<32xbf16>
        %add3A_267 = arith.addf %add3A_263, %add3A_264 : vector<32xbf16>
        %add3A_268 = arith.addf %add3A_265, %bitcast3A_260 : vector<32xbf16>
        %add3A_269 = arith.addf %add3A_266, %add3A_267 : vector<32xbf16>
        %add3A_270 = arith.addf %add3A_269, %add3A_268 : vector<32xbf16>
        %mul3A_271 = arith.constant 9.082030e-02 : bf16
        %mul3A_272 = vector.broadcast %mul3A_271 : bf16 to vector<32xbf16>
        %mul3A_273 = arith.mulf %add3A_270, %mul3A_272 : vector<32xbf16>
        %bitcast3A_274 = vector.bitcast %mul3A_273 : vector<32xbf16> to vector<16xi32>
        %swap3A = arith.index_cast %add3A_194 : i32 to index
        %swap3A_275 = arith.constant 0 : index
        %swap3A_276 = tpu.vector_load %arg8[%swap3A, %swap3A_275] {strides = array<i32>} : memref<32x64xi32, #tpu.memory_space<vmem>>, vector<16xi32>,
        tpu.vector_store %arg8[%swap3A, %swap3A_275], %bitcast3A_274 {strides = array<i32>} : memref<32x64xi32, #tpu.memory_space<vmem>>, vector<16xi32>,
        %add3A_277 = arith.constant 0 : i32
        %add3A_278 = arith.addi %mul3A_196, %add3A_277 : i32
        %get3A_279 = arith.index_cast %add3A_278 : i32 to index
        %get3A_280 = arith.constant 16 : index
        %get3A_281 = tpu.vector_load %arg6[%get3A_279, %get3A_280] {strides = array<i32>} : memref<352x64xi32, #tpu.memory_space<vmem>>, vector<16xi32>,
        %bitcast3A_282 = vector.bitcast %get3A_281 : vector<16xi32> to vector<32xbf16>
        %add3A_283 = arith.constant 1 : i32
        %add3A_284 = arith.addi %mul3A_196, %add3A_283 : i32
        %get3A_285 = arith.index_cast %add3A_284 : i32 to index
        %get3A_286 = arith.constant 16 : index
        %get3A_287 = tpu.vector_load %arg6[%get3A_285, %get3A_286] {strides = array<i32>} : memref<352x64xi32, #tpu.memory_space<vmem>>, vector<16xi32>,
        %bitcast3A_288 = vector.bitcast %get3A_287 : vector<16xi32> to vector<32xbf16>
        %add3A_289 = arith.constant 2 : i32
        %add3A_290 = arith.addi %mul3A_196, %add3A_289 : i32
        %get3A_291 = arith.index_cast %add3A_290 : i32 to index
        %get3A_292 = arith.constant 16 : index
        %get3A_293 = tpu.vector_load %arg6[%get3A_291, %get3A_292] {strides = array<i32>} : memref<352x64xi32, #tpu.memory_space<vmem>>, vector<16xi32>,
        %bitcast3A_294 = vector.bitcast %get3A_293 : vector<16xi32> to vector<32xbf16>
        %add3A_295 = arith.constant 3 : i32
        %add3A_296 = arith.addi %mul3A_196, %add3A_295 : i32
        %get3A_297 = arith.index_cast %add3A_296 : i32 to index
        %get3A_298 = arith.constant 16 : index
        %get3A_299 = tpu.vector_load %arg6[%get3A_297, %get3A_298] {strides = array<i32>} : memref<352x64xi32, #tpu.memory_space<vmem>>, vector<16xi32>,
        %bitcast3A_300 = vector.bitcast %get3A_299 : vector<16xi32> to vector<32xbf16>
        %add3A_301 = arith.constant 4 : i32
        %add3A_302 = arith.addi %mul3A_196, %add3A_301 : i32
        %get3A_303 = arith.index_cast %add3A_302 : i32 to index
        %get3A_304 = arith.constant 16 : index
        %get3A_305 = tpu.vector_load %arg6[%get3A_303, %get3A_304] {strides = array<i32>} : memref<352x64xi32, #tpu.memory_space<vmem>>, vector<16xi32>,
        %bitcast3A_306 = vector.bitcast %get3A_305 : vector<16xi32> to vector<32xbf16>
        %add3A_307 = arith.constant 5 : i32
        %add3A_308 = arith.addi %mul3A_196, %add3A_307 : i32
        %get3A_309 = arith.index_cast %add3A_308 : i32 to index
        %get3A_310 = arith.constant 16 : index
        %get3A_311 = tpu.vector_load %arg6[%get3A_309, %get3A_310] {strides = array<i32>} : memref<352x64xi32, #tpu.memory_space<vmem>>, vector<16xi32>,
        %bitcast3A_312 = vector.bitcast %get3A_311 : vector<16xi32> to vector<32xbf16>
        %add3A_313 = arith.constant 6 : i32
        %add3A_314 = arith.addi %mul3A_196, %add3A_313 : i32
        %get3A_315 = arith.index_cast %add3A_314 : i32 to index
        %get3A_316 = arith.constant 16 : index
        %get3A_317 = tpu.vector_load %arg6[%get3A_315, %get3A_316] {strides = array<i32>} : memref<352x64xi32, #tpu.memory_space<vmem>>, vector<16xi32>,
        %bitcast3A_318 = vector.bitcast %get3A_317 : vector<16xi32> to vector<32xbf16>
        %add3A_319 = arith.constant 7 : i32
        %add3A_320 = arith.addi %mul3A_196, %add3A_319 : i32
        %get3A_321 = arith.index_cast %add3A_320 : i32 to index
        %get3A_322 = arith.constant 16 : index
        %get3A_323 = tpu.vector_load %arg6[%get3A_321, %get3A_322] {strides = array<i32>} : memref<352x64xi32, #tpu.memory_space<vmem>>, vector<16xi32>,
        %bitcast3A_324 = vector.bitcast %get3A_323 : vector<16xi32> to vector<32xbf16>
        %add3A_325 = arith.constant 8 : i32
        %add3A_326 = arith.addi %mul3A_196, %add3A_325 : i32
        %get3A_327 = arith.index_cast %add3A_326 : i32 to index
        %get3A_328 = arith.constant 16 : index
        %get3A_329 = tpu.vector_load %arg6[%get3A_327, %get3A_328] {strides = array<i32>} : memref<352x64xi32, #tpu.memory_space<vmem>>, vector<16xi32>,
        %bitcast3A_330 = vector.bitcast %get3A_329 : vector<16xi32> to vector<32xbf16>
        %add3A_331 = arith.constant 9 : i32
        %add3A_332 = arith.addi %mul3A_196, %add3A_331 : i32
        %get3A_333 = arith.index_cast %add3A_332 : i32 to index
        %get3A_334 = arith.constant 16 : index
        %get3A_335 = tpu.vector_load %arg6[%get3A_333, %get3A_334] {strides = array<i32>} : memref<352x64xi32, #tpu.memory_space<vmem>>, vector<16xi32>,
        %bitcast3A_336 = vector.bitcast %get3A_335 : vector<16xi32> to vector<32xbf16>
        %add3A_337 = arith.constant 10 : i32
        %add3A_338 = arith.addi %mul3A_196, %add3A_337 : i32
        %get3A_339 = arith.index_cast %add3A_338 : i32 to index
        %get3A_340 = arith.constant 16 : index
        %get3A_341 = tpu.vector_load %arg6[%get3A_339, %get3A_340] {strides = array<i32>} : memref<352x64xi32, #tpu.memory_space<vmem>>, vector<16xi32>,
        %bitcast3A_342 = vector.bitcast %get3A_341 : vector<16xi32> to vector<32xbf16>
        %add3A_343 = arith.addf %bitcast3A_282, %bitcast3A_288 : vector<32xbf16>
        %add3A_344 = arith.addf %bitcast3A_294, %bitcast3A_300 : vector<32xbf16>
        %add3A_345 = arith.addf %bitcast3A_306, %bitcast3A_312 : vector<32xbf16>
        %add3A_346 = arith.addf %bitcast3A_318, %bitcast3A_324 : vector<32xbf16>
        %add3A_347 = arith.addf %bitcast3A_330, %bitcast3A_336 : vector<32xbf16>
        %add3A_348 = arith.addf %add3A_343, %add3A_344 : vector<32xbf16>
        %add3A_349 = arith.addf %add3A_345, %add3A_346 : vector<32xbf16>
        %add3A_350 = arith.addf %add3A_347, %bitcast3A_342 : vector<32xbf16>
        %add3A_351 = arith.addf %add3A_348, %add3A_349 : vector<32xbf16>
        %add3A_352 = arith.addf %add3A_351, %add3A_350 : vector<32xbf16>
        %mul3A_353 = arith.constant 9.082030e-02 : bf16
        %mul3A_354 = vector.broadcast %mul3A_353 : bf16 to vector<32xbf16>
        %mul3A_355 = arith.mulf %add3A_352, %mul3A_354 : vector<32xbf16>
        %bitcast3A_356 = vector.bitcast %mul3A_355 : vector<32xbf16> to vector<16xi32>
        %swap3A_357 = arith.index_cast %add3A_194 : i32 to index
        %swap3A_358 = arith.constant 16 : index
        %swap3A_359 = tpu.vector_load %arg8[%swap3A_357, %swap3A_358] {strides = array<i32>} : memref<32x64xi32, #tpu.memory_space<vmem>>, vector<16xi32>,
        tpu.vector_store %arg8[%swap3A_357, %swap3A_358], %bitcast3A_356 {strides = array<i32>} : memref<32x64xi32, #tpu.memory_space<vmem>>, vector<16xi32>,
        %add3A_360 = arith.constant 0 : i32
        %add3A_361 = arith.addi %mul3A_196, %add3A_360 : i32
        %get3A_362 = arith.index_cast %add3A_361 : i32 to index
        %get3A_363 = arith.constant 32 : index
        %get3A_364 = tpu.vector_load %arg6[%get3A_362, %get3A_363] {strides = array<i32>} : memref<352x64xi32, #tpu.memory_space<vmem>>, vector<16xi32>,
        %bitcast3A_365 = vector.bitcast %get3A_364 : vector<16xi32> to vector<32xbf16>
        %add3A_366 = arith.constant 1 : i32
        %add3A_367 = arith.addi %mul3A_196, %add3A_366 : i32
        %get3A_368 = arith.index_cast %add3A_367 : i32 to index
        %get3A_369 = arith.constant 32 : index
        %get3A_370 = tpu.vector_load %arg6[%get3A_368, %get3A_369] {strides = array<i32>} : memref<352x64xi32, #tpu.memory_space<vmem>>, vector<16xi32>,
        %bitcast3A_371 = vector.bitcast %get3A_370 : vector<16xi32> to vector<32xbf16>
        %add3A_372 = arith.constant 2 : i32
        %add3A_373 = arith.addi %mul3A_196, %add3A_372 : i32
        %get3A_374 = arith.index_cast %add3A_373 : i32 to index
        %get3A_375 = arith.constant 32 : index
        %get3A_376 = tpu.vector_load %arg6[%get3A_374, %get3A_375] {strides = array<i32>} : memref<352x64xi32, #tpu.memory_space<vmem>>, vector<16xi32>,
        %bitcast3A_377 = vector.bitcast %get3A_376 : vector<16xi32> to vector<32xbf16>
        %add3A_378 = arith.constant 3 : i32
        %add3A_379 = arith.addi %mul3A_196, %add3A_378 : i32
        %get3A_380 = arith.index_cast %add3A_379 : i32 to index
        %get3A_381 = arith.constant 32 : index
        %get3A_382 = tpu.vector_load %arg6[%get3A_380, %get3A_381] {strides = array<i32>} : memref<352x64xi32, #tpu.memory_space<vmem>>, vector<16xi32>,
        %bitcast3A_383 = vector.bitcast %get3A_382 : vector<16xi32> to vector<32xbf16>
        %add3A_384 = arith.constant 4 : i32
        %add3A_385 = arith.addi %mul3A_196, %add3A_384 : i32
        %get3A_386 = arith.index_cast %add3A_385 : i32 to index
        %get3A_387 = arith.constant 32 : index
        %get3A_388 = tpu.vector_load %arg6[%get3A_386, %get3A_387] {strides = array<i32>} : memref<352x64xi32, #tpu.memory_space<vmem>>, vector<16xi32>,
        %bitcast3A_389 = vector.bitcast %get3A_388 : vector<16xi32> to vector<32xbf16>
        %add3A_390 = arith.constant 5 : i32
        %add3A_391 = arith.addi %mul3A_196, %add3A_390 : i32
        %get3A_392 = arith.index_cast %add3A_391 : i32 to index
        %get3A_393 = arith.constant 32 : index
        %get3A_394 = tpu.vector_load %arg6[%get3A_392, %get3A_393] {strides = array<i32>} : memref<352x64xi32, #tpu.memory_space<vmem>>, vector<16xi32>,
        %bitcast3A_395 = vector.bitcast %get3A_394 : vector<16xi32> to vector<32xbf16>
        %add3A_396 = arith.constant 6 : i32
        %add3A_397 = arith.addi %mul3A_196, %add3A_396 : i32
        %get3A_398 = arith.index_cast %add3A_397 : i32 to index
        %get3A_399 = arith.constant 32 : index
        %get3A_400 = tpu.vector_load %arg6[%get3A_398, %get3A_399] {strides = array<i32>} : memref<352x64xi32, #tpu.memory_space<vmem>>, vector<16xi32>,
        %bitcast3A_401 = vector.bitcast %get3A_400 : vector<16xi32> to vector<32xbf16>
        %add3A_402 = arith.constant 7 : i32
        %add3A_403 = arith.addi %mul3A_196, %add3A_402 : i32
        %get3A_404 = arith.index_cast %add3A_403 : i32 to index
        %get3A_405 = arith.constant 32 : index
        %get3A_406 = tpu.vector_load %arg6[%get3A_404, %get3A_405] {strides = array<i32>} : memref<352x64xi32, #tpu.memory_space<vmem>>, vector<16xi32>,
        %bitcast3A_407 = vector.bitcast %get3A_406 : vector<16xi32> to vector<32xbf16>
        %add3A_408 = arith.constant 8 : i32
        %add3A_409 = arith.addi %mul3A_196, %add3A_408 : i32
        %get3A_410 = arith.index_cast %add3A_409 : i32 to index
        %get3A_411 = arith.constant 32 : index
        %get3A_412 = tpu.vector_load %arg6[%get3A_410, %get3A_411] {strides = array<i32>} : memref<352x64xi32, #tpu.memory_space<vmem>>, vector<16xi32>,
        %bitcast3A_413 = vector.bitcast %get3A_412 : vector<16xi32> to vector<32xbf16>
        %add3A_414 = arith.constant 9 : i32
        %add3A_415 = arith.addi %mul3A_196, %add3A_414 : i32
        %get3A_416 = arith.index_cast %add3A_415 : i32 to index
        %get3A_417 = arith.constant 32 : index
        %get3A_418 = tpu.vector_load %arg6[%get3A_416, %get3A_417] {strides = array<i32>} : memref<352x64xi32, #tpu.memory_space<vmem>>, vector<16xi32>,
        %bitcast3A_419 = vector.bitcast %get3A_418 : vector<16xi32> to vector<32xbf16>
        %add3A_420 = arith.constant 10 : i32
        %add3A_421 = arith.addi %mul3A_196, %add3A_420 : i32
        %get3A_422 = arith.index_cast %add3A_421 : i32 to index
        %get3A_423 = arith.constant 32 : index
        %get3A_424 = tpu.vector_load %arg6[%get3A_422, %get3A_423] {strides = array<i32>} : memref<352x64xi32, #tpu.memory_space<vmem>>, vector<16xi32>,
        %bitcast3A_425 = vector.bitcast %get3A_424 : vector<16xi32> to vector<32xbf16>
        %add3A_426 = arith.addf %bitcast3A_365, %bitcast3A_371 : vector<32xbf16>
        %add3A_427 = arith.addf %bitcast3A_377, %bitcast3A_383 : vector<32xbf16>
        %add3A_428 = arith.addf %bitcast3A_389, %bitcast3A_395 : vector<32xbf16>
        %add3A_429 = arith.addf %bitcast3A_401, %bitcast3A_407 : vector<32xbf16>
        %add3A_430 = arith.addf %bitcast3A_413, %bitcast3A_419 : vector<32xbf16>
        %add3A_431 = arith.addf %add3A_426, %add3A_427 : vector<32xbf16>
        %add3A_432 = arith.addf %add3A_428, %add3A_429 : vector<32xbf16>
        %add3A_433 = arith.addf %add3A_430, %bitcast3A_425 : vector<32xbf16>
        %add3A_434 = arith.addf %add3A_431, %add3A_432 : vector<32xbf16>
        %add3A_435 = arith.addf %add3A_434, %add3A_433 : vector<32xbf16>
        %mul3A_436 = arith.constant 9.082030e-02 : bf16
        %mul3A_437 = vector.broadcast %mul3A_436 : bf16 to vector<32xbf16>
        %mul3A_438 = arith.mulf %add3A_435, %mul3A_437 : vector<32xbf16>
        %bitcast3A_439 = vector.bitcast %mul3A_438 : vector<32xbf16> to vector<16xi32>
        %swap3A_440 = arith.index_cast %add3A_194 : i32 to index
        %swap3A_441 = arith.constant 32 : index
        %swap3A_442 = tpu.vector_load %arg8[%swap3A_440, %swap3A_441] {strides = array<i32>} : memref<32x64xi32, #tpu.memory_space<vmem>>, vector<16xi32>,
        tpu.vector_store %arg8[%swap3A_440, %swap3A_441], %bitcast3A_439 {strides = array<i32>} : memref<32x64xi32, #tpu.memory_space<vmem>>, vector<16xi32>,
        %add3A_443 = arith.constant 0 : i32
        %add3A_444 = arith.addi %mul3A_196, %add3A_443 : i32
        %get3A_445 = arith.index_cast %add3A_444 : i32 to index
        %get3A_446 = arith.constant 48 : index
        %get3A_447 = tpu.vector_load %arg6[%get3A_445, %get3A_446] {strides = array<i32>} : memref<352x64xi32, #tpu.memory_space<vmem>>, vector<16xi32>,
        %bitcast3A_448 = vector.bitcast %get3A_447 : vector<16xi32> to vector<32xbf16>
        %add3A_449 = arith.constant 1 : i32
        %add3A_450 = arith.addi %mul3A_196, %add3A_449 : i32
        %get3A_451 = arith.index_cast %add3A_450 : i32 to index
        %get3A_452 = arith.constant 48 : index
        %get3A_453 = tpu.vector_load %arg6[%get3A_451, %get3A_452] {strides = array<i32>} : memref<352x64xi32, #tpu.memory_space<vmem>>, vector<16xi32>,
        %bitcast3A_454 = vector.bitcast %get3A_453 : vector<16xi32> to vector<32xbf16>
        %add3A_455 = arith.constant 2 : i32
        %add3A_456 = arith.addi %mul3A_196, %add3A_455 : i32
        %get3A_457 = arith.index_cast %add3A_456 : i32 to index
        %get3A_458 = arith.constant 48 : index
        %get3A_459 = tpu.vector_load %arg6[%get3A_457, %get3A_458] {strides = array<i32>} : memref<352x64xi32, #tpu.memory_space<vmem>>, vector<16xi32>,
        %bitcast3A_460 = vector.bitcast %get3A_459 : vector<16xi32> to vector<32xbf16>
        %add3A_461 = arith.constant 3 : i32
        %add3A_462 = arith.addi %mul3A_196, %add3A_461 : i32
        %get3A_463 = arith.index_cast %add3A_462 : i32 to index
        %get3A_464 = arith.constant 48 : index
        %get3A_465 = tpu.vector_load %arg6[%get3A_463, %get3A_464] {strides = array<i32>} : memref<352x64xi32, #tpu.memory_space<vmem>>, vector<16xi32>,
        %bitcast3A_466 = vector.bitcast %get3A_465 : vector<16xi32> to vector<32xbf16>
        %add3A_467 = arith.constant 4 : i32
        %add3A_468 = arith.addi %mul3A_196, %add3A_467 : i32
        %get3A_469 = arith.index_cast %add3A_468 : i32 to index
        %get3A_470 = arith.constant 48 : index
        %get3A_471 = tpu.vector_load %arg6[%get3A_469, %get3A_470] {strides = array<i32>} : memref<352x64xi32, #tpu.memory_space<vmem>>, vector<16xi32>,
        %bitcast3A_472 = vector.bitcast %get3A_471 : vector<16xi32> to vector<32xbf16>
        %add3A_473 = arith.constant 5 : i32
        %add3A_474 = arith.addi %mul3A_196, %add3A_473 : i32
        %get3A_475 = arith.index_cast %add3A_474 : i32 to index
        %get3A_476 = arith.constant 48 : index
        %get3A_477 = tpu.vector_load %arg6[%get3A_475, %get3A_476] {strides = array<i32>} : memref<352x64xi32, #tpu.memory_space<vmem>>, vector<16xi32>,
        %bitcast3A_478 = vector.bitcast %get3A_477 : vector<16xi32> to vector<32xbf16>
        %add3A_479 = arith.constant 6 : i32
        %add3A_480 = arith.addi %mul3A_196, %add3A_479 : i32
        %get3A_481 = arith.index_cast %add3A_480 : i32 to index
        %get3A_482 = arith.constant 48 : index
        %get3A_483 = tpu.vector_load %arg6[%get3A_481, %get3A_482] {strides = array<i32>} : memref<352x64xi32, #tpu.memory_space<vmem>>, vector<16xi32>,
        %bitcast3A_484 = vector.bitcast %get3A_483 : vector<16xi32> to vector<32xbf16>
        %add3A_485 = arith.constant 7 : i32
        %add3A_486 = arith.addi %mul3A_196, %add3A_485 : i32
        %get3A_487 = arith.index_cast %add3A_486 : i32 to index
        %get3A_488 = arith.constant 48 : index
        %get3A_489 = tpu.vector_load %arg6[%get3A_487, %get3A_488] {strides = array<i32>} : memref<352x64xi32, #tpu.memory_space<vmem>>, vector<16xi32>,
        %bitcast3A_490 = vector.bitcast %get3A_489 : vector<16xi32> to vector<32xbf16>
        %add3A_491 = arith.constant 8 : i32
        %add3A_492 = arith.addi %mul3A_196, %add3A_491 : i32
        %get3A_493 = arith.index_cast %add3A_492 : i32 to index
        %get3A_494 = arith.constant 48 : index
        %get3A_495 = tpu.vector_load %arg6[%get3A_493, %get3A_494] {strides = array<i32>} : memref<352x64xi32, #tpu.memory_space<vmem>>, vector<16xi32>,
        %bitcast3A_496 = vector.bitcast %get3A_495 : vector<16xi32> to vector<32xbf16>
        %add3A_497 = arith.constant 9 : i32
        %add3A_498 = arith.addi %mul3A_196, %add3A_497 : i32
        %get3A_499 = arith.index_cast %add3A_498 : i32 to index
        %get3A_500 = arith.constant 48 : index
        %get3A_501 = tpu.vector_load %arg6[%get3A_499, %get3A_500] {strides = array<i32>} : memref<352x64xi32, #tpu.memory_space<vmem>>, vector<16xi32>,
        %bitcast3A_502 = vector.bitcast %get3A_501 : vector<16xi32> to vector<32xbf16>
        %add3A_503 = arith.constant 10 : i32
        %add3A_504 = arith.addi %mul3A_196, %add3A_503 : i32
        %get3A_505 = arith.index_cast %add3A_504 : i32 to index
        %get3A_506 = arith.constant 48 : index
        %get3A_507 = tpu.vector_load %arg6[%get3A_505, %get3A_506] {strides = array<i32>} : memref<352x64xi32, #tpu.memory_space<vmem>>, vector<16xi32>,
        %bitcast3A_508 = vector.bitcast %get3A_507 : vector<16xi32> to vector<32xbf16>
        %add3A_509 = arith.addf %bitcast3A_448, %bitcast3A_454 : vector<32xbf16>
        %add3A_510 = arith.addf %bitcast3A_460, %bitcast3A_466 : vector<32xbf16>
        %add3A_511 = arith.addf %bitcast3A_472, %bitcast3A_478 : vector<32xbf16>
        %add3A_512 = arith.addf %bitcast3A_484, %bitcast3A_490 : vector<32xbf16>
        %add3A_513 = arith.addf %bitcast3A_496, %bitcast3A_502 : vector<32xbf16>
        %add3A_514 = arith.addf %add3A_509, %add3A_510 : vector<32xbf16>
        %add3A_515 = arith.addf %add3A_511, %add3A_512 : vector<32xbf16>
        %add3A_516 = arith.addf %add3A_513, %bitcast3A_508 : vector<32xbf16>
        %add3A_517 = arith.addf %add3A_514, %add3A_515 : vector<32xbf16>
        %add3A_518 = arith.addf %add3A_517, %add3A_516 : vector<32xbf16>
        %mul3A_519 = arith.constant 9.082030e-02 : bf16
        %mul3A_520 = vector.broadcast %mul3A_519 : bf16 to vector<32xbf16>
        %mul3A_521 = arith.mulf %add3A_518, %mul3A_520 : vector<32xbf16>
        %bitcast3A_522 = vector.bitcast %mul3A_521 : vector<32xbf16> to vector<16xi32>
        %swap3A_523 = arith.index_cast %add3A_194 : i32 to index
        %swap3A_524 = arith.constant 48 : index
        %swap3A_525 = tpu.vector_load %arg8[%swap3A_523, %swap3A_524] {strides = array<i32>} : memref<32x64xi32, #tpu.memory_space<vmem>>, vector<16xi32>,
        tpu.vector_store %arg8[%swap3A_523, %swap3A_524], %bitcast3A_522 {strides = array<i32>} : memref<32x64xi32, #tpu.memory_space<vmem>>, vector<16xi32>,
      }
      %scan3A_139 = arith.constant 32 : i32
      %mul3A_140 = arith.constant 32 : i32
      %mul3A_141 = arith.muli %add3A_124, %mul3A_140 : i32
      %add3A_142 = arith.addi %select_n3A, %mul3A_141 : i32
      %dma_start3A_143 = arith.constant 0 : i32
      %dma_start3A_144 = tpu.memref_slice %arg4[%add3A_142, %dma_start3A_143] : memref<51200x64xi32, #tpu.memory_space<hbm>> -> memref<32x64xi32, #tpu.memory_space<hbm>>
      %dma_start3A_145 = arith.constant 0 : i32
      %dma_start3A_146 = tpu.memref_slice %arg4[%add3A_142, %dma_start3A_145] : memref<51200x64xi32, #tpu.memory_space<hbm>> -> memref<32x64xi32, #tpu.memory_space<hbm>>
      tpu.enqueue_dma source(%arg8 : memref<32x64xi32, #tpu.memory_space<vmem>>) target(%dma_start3A_146 : memref<32x64xi32, #tpu.memory_space<hbm>>) target_semaphore(%arg12 : memref<!tpu.dma_semaphore, #tpu.memory_space<semaphore_mem>>)
      %add3A_147 = arith.constant 2 : i32
      %add3A_148 = arith.addi %add3A_124, %add3A_147 : i32
      %mul3A_149 = arith.constant 352 : i32
      %mul3A_150 = arith.muli %add3A_148, %mul3A_149 : i32
      %dma_start3A_151 = tpu.memref_slice %arg5[%mul3A_150] : memref<30976xi32, #tpu.memory_space<vmem>> -> memref<352xi32, #tpu.memory_space<vmem>>
      %dma_start3A_152 = arith.constant 0 : i32
      %dma_start3A_153 = arith.constant 0 : i32
      %dma_start3A_154 = tpu.memref_slice %arg3[%dma_start3A_152, %dma_start3A_153] : memref<50000x64xi32, #tpu.memory_space<hbm>> -> memref<50000x64xi32, #tpu.memory_space<hbm>>
      tpu.enqueue_indirect_dma source(%dma_start3A_154 : memref<50000x64xi32, #tpu.memory_space<hbm>>) target(%arg6 : memref<352x64xi32, #tpu.memory_space<vmem>>) offsets(%dma_start3A_151 : memref<352xi32, #tpu.memory_space<vmem>>) semaphore(%arg10 : memref<!tpu.dma_semaphore, #tpu.memory_space<semaphore_mem>>)
      %add3A_155 = arith.constant 1 : i32
      %add3A_156 = arith.addi %add3A_124, %add3A_155 : i32
      %mul3A_157 = arith.constant 352 : i32
      %mul3A_158 = arith.muli %add3A_156, %mul3A_157 : i32
      %dma_wait3A_159 = tpu.memref_slice %arg5[%mul3A_158] : memref<30976xi32, #tpu.memory_space<vmem>> -> memref<352xi32, #tpu.memory_space<vmem>>
      %dma_wait3A_160 = arith.constant 0 : i32
      %dma_wait3A_161 = arith.constant 0 : i32
      %dma_wait3A_162 = tpu.memref_slice %arg3[%dma_wait3A_160, %dma_wait3A_161] : memref<50000x64xi32, #tpu.memory_space<hbm>> -> memref<50000x64xi32, #tpu.memory_space<hbm>>
      tpu.wait_indirect_dma semaphore(%arg11 : memref<!tpu.dma_semaphore, #tpu.memory_space<semaphore_mem>>) src(%dma_wait3A_162 : memref<50000x64xi32, #tpu.memory_space<hbm>>) dst(%arg7 : memref<352x64xi32, #tpu.memory_space<vmem>>)
      %ge3A_163 = arith.constant 2 : i32
      %ge3A_164 = arith.cmpi sge, %add3A_124, %ge3A_163 : i32
      %convert_element_type3A_165 = arith.extui %ge3A_164 : i1 to i32
      %cond3A_166 = arith.constant 0 : i32
      %cond3A_167 = arith.cmpi ne, %convert_element_type3A_165, %cond3A_166 : i32
      scf.if %cond3A_167 {
        %sub3A_190 = arith.constant 1 : i32
        %sub3A_191 = arith.subi %add3A_124, %sub3A_190 : i32
        %mul3A_192 = arith.constant 32 : i32
        %mul3A_193 = arith.muli %sub3A_191, %mul3A_192 : i32
        %add3A_194 = arith.addi %select_n3A, %mul3A_193 : i32
        %dma_wait3A_195 = arith.constant 0 : i32
        %dma_wait3A_196 = tpu.memref_slice %arg4[%add3A_194, %dma_wait3A_195] : memref<51200x64xi32, #tpu.memory_space<hbm>> -> memref<32x64xi32, #tpu.memory_space<hbm>>
        %dma_wait3A_197 = arith.constant 0 : i32
        %dma_wait3A_198 = tpu.memref_slice %arg4[%add3A_194, %dma_wait3A_197] : memref<51200x64xi32, #tpu.memory_space<hbm>> -> memref<32x64xi32, #tpu.memory_space<hbm>>
        tpu.wait_dma2 semaphore(%arg13 : memref<!tpu.dma_semaphore, #tpu.memory_space<semaphore_mem>>) src(%arg9 : memref<32x64xi32, #tpu.memory_space<vmem>>) dst(%dma_wait3A_198 : memref<32x64xi32, #tpu.memory_space<hbm>>)
      } else {
      }
      %scan3A_168 = arith.constant 0 : i32
      %scan3A_169 = arith.constant 32 : i32
      %scan3A_170 = arith.addi %scan3A_168, %scan3A_169 : i32
      %scan3A_171 = arith.constant 1 : i32
      scf.for %scan3A_190 = %scan3A_168 to %scan3A_170 step %scan3A_171  : i32 {
        %mul3A_191 = arith.constant 1 : i32
        %mul3A_192 = arith.muli %scan3A_190, %mul3A_191 : i32
        %add3A_193 = arith.constant 0 : i32
        %add3A_194 = arith.addi %add3A_193, %mul3A_192 : i32
        %mul3A_195 = arith.constant 11 : i32
        %mul3A_196 = arith.muli %add3A_194, %mul3A_195 : i32
        %add3A_197 = arith.constant 0 : i32
        %add3A_198 = arith.addi %mul3A_196, %add3A_197 : i32
        %get3A = arith.index_cast %add3A_198 : i32 to index
        %get3A_199 = arith.constant 0 : index
        %get3A_200 = tpu.vector_load %arg7[%get3A, %get3A_199] {strides = array<i32>} : memref<352x64xi32, #tpu.memory_space<vmem>>, vector<16xi32>,
        %bitcast3A = vector.bitcast %get3A_200 : vector<16xi32> to vector<32xbf16>
        %add3A_201 = arith.constant 1 : i32
        %add3A_202 = arith.addi %mul3A_196, %add3A_201 : i32
        %get3A_203 = arith.index_cast %add3A_202 : i32 to index
        %get3A_204 = arith.constant 0 : index
        %get3A_205 = tpu.vector_load %arg7[%get3A_203, %get3A_204] {strides = array<i32>} : memref<352x64xi32, #tpu.memory_space<vmem>>, vector<16xi32>,
        %bitcast3A_206 = vector.bitcast %get3A_205 : vector<16xi32> to vector<32xbf16>
        %add3A_207 = arith.constant 2 : i32
        %add3A_208 = arith.addi %mul3A_196, %add3A_207 : i32
        %get3A_209 = arith.index_cast %add3A_208 : i32 to index
        %get3A_210 = arith.constant 0 : index
        %get3A_211 = tpu.vector_load %arg7[%get3A_209, %get3A_210] {strides = array<i32>} : memref<352x64xi32, #tpu.memory_space<vmem>>, vector<16xi32>,
        %bitcast3A_212 = vector.bitcast %get3A_211 : vector<16xi32> to vector<32xbf16>
        %add3A_213 = arith.constant 3 : i32
        %add3A_214 = arith.addi %mul3A_196, %add3A_213 : i32
        %get3A_215 = arith.index_cast %add3A_214 : i32 to index
        %get3A_216 = arith.constant 0 : index
        %get3A_217 = tpu.vector_load %arg7[%get3A_215, %get3A_216] {strides = array<i32>} : memref<352x64xi32, #tpu.memory_space<vmem>>, vector<16xi32>,
        %bitcast3A_218 = vector.bitcast %get3A_217 : vector<16xi32> to vector<32xbf16>
        %add3A_219 = arith.constant 4 : i32
        %add3A_220 = arith.addi %mul3A_196, %add3A_219 : i32
        %get3A_221 = arith.index_cast %add3A_220 : i32 to index
        %get3A_222 = arith.constant 0 : index
        %get3A_223 = tpu.vector_load %arg7[%get3A_221, %get3A_222] {strides = array<i32>} : memref<352x64xi32, #tpu.memory_space<vmem>>, vector<16xi32>,
        %bitcast3A_224 = vector.bitcast %get3A_223 : vector<16xi32> to vector<32xbf16>
        %add3A_225 = arith.constant 5 : i32
        %add3A_226 = arith.addi %mul3A_196, %add3A_225 : i32
        %get3A_227 = arith.index_cast %add3A_226 : i32 to index
        %get3A_228 = arith.constant 0 : index
        %get3A_229 = tpu.vector_load %arg7[%get3A_227, %get3A_228] {strides = array<i32>} : memref<352x64xi32, #tpu.memory_space<vmem>>, vector<16xi32>,
        %bitcast3A_230 = vector.bitcast %get3A_229 : vector<16xi32> to vector<32xbf16>
        %add3A_231 = arith.constant 6 : i32
        %add3A_232 = arith.addi %mul3A_196, %add3A_231 : i32
        %get3A_233 = arith.index_cast %add3A_232 : i32 to index
        %get3A_234 = arith.constant 0 : index
        %get3A_235 = tpu.vector_load %arg7[%get3A_233, %get3A_234] {strides = array<i32>} : memref<352x64xi32, #tpu.memory_space<vmem>>, vector<16xi32>,
        %bitcast3A_236 = vector.bitcast %get3A_235 : vector<16xi32> to vector<32xbf16>
        %add3A_237 = arith.constant 7 : i32
        %add3A_238 = arith.addi %mul3A_196, %add3A_237 : i32
        %get3A_239 = arith.index_cast %add3A_238 : i32 to index
        %get3A_240 = arith.constant 0 : index
        %get3A_241 = tpu.vector_load %arg7[%get3A_239, %get3A_240] {strides = array<i32>} : memref<352x64xi32, #tpu.memory_space<vmem>>, vector<16xi32>,
        %bitcast3A_242 = vector.bitcast %get3A_241 : vector<16xi32> to vector<32xbf16>
        %add3A_243 = arith.constant 8 : i32
        %add3A_244 = arith.addi %mul3A_196, %add3A_243 : i32
        %get3A_245 = arith.index_cast %add3A_244 : i32 to index
        %get3A_246 = arith.constant 0 : index
        %get3A_247 = tpu.vector_load %arg7[%get3A_245, %get3A_246] {strides = array<i32>} : memref<352x64xi32, #tpu.memory_space<vmem>>, vector<16xi32>,
        %bitcast3A_248 = vector.bitcast %get3A_247 : vector<16xi32> to vector<32xbf16>
        %add3A_249 = arith.constant 9 : i32
        %add3A_250 = arith.addi %mul3A_196, %add3A_249 : i32
        %get3A_251 = arith.index_cast %add3A_250 : i32 to index
        %get3A_252 = arith.constant 0 : index
        %get3A_253 = tpu.vector_load %arg7[%get3A_251, %get3A_252] {strides = array<i32>} : memref<352x64xi32, #tpu.memory_space<vmem>>, vector<16xi32>,
        %bitcast3A_254 = vector.bitcast %get3A_253 : vector<16xi32> to vector<32xbf16>
        %add3A_255 = arith.constant 10 : i32
        %add3A_256 = arith.addi %mul3A_196, %add3A_255 : i32
        %get3A_257 = arith.index_cast %add3A_256 : i32 to index
        %get3A_258 = arith.constant 0 : index
        %get3A_259 = tpu.vector_load %arg7[%get3A_257, %get3A_258] {strides = array<i32>} : memref<352x64xi32, #tpu.memory_space<vmem>>, vector<16xi32>,
        %bitcast3A_260 = vector.bitcast %get3A_259 : vector<16xi32> to vector<32xbf16>
        %add3A_261 = arith.addf %bitcast3A, %bitcast3A_206 : vector<32xbf16>
        %add3A_262 = arith.addf %bitcast3A_212, %bitcast3A_218 : vector<32xbf16>
        %add3A_263 = arith.addf %bitcast3A_224, %bitcast3A_230 : vector<32xbf16>
        %add3A_264 = arith.addf %bitcast3A_236, %bitcast3A_242 : vector<32xbf16>
        %add3A_265 = arith.addf %bitcast3A_248, %bitcast3A_254 : vector<32xbf16>
        %add3A_266 = arith.addf %add3A_261, %add3A_262 : vector<32xbf16>
        %add3A_267 = arith.addf %add3A_263, %add3A_264 : vector<32xbf16>
        %add3A_268 = arith.addf %add3A_265, %bitcast3A_260 : vector<32xbf16>
        %add3A_269 = arith.addf %add3A_266, %add3A_267 : vector<32xbf16>
        %add3A_270 = arith.addf %add3A_269, %add3A_268 : vector<32xbf16>
        %mul3A_271 = arith.constant 9.082030e-02 : bf16
        %mul3A_272 = vector.broadcast %mul3A_271 : bf16 to vector<32xbf16>
        %mul3A_273 = arith.mulf %add3A_270, %mul3A_272 : vector<32xbf16>
        %bitcast3A_274 = vector.bitcast %mul3A_273 : vector<32xbf16> to vector<16xi32>
        %swap3A = arith.index_cast %add3A_194 : i32 to index
        %swap3A_275 = arith.constant 0 : index
        %swap3A_276 = tpu.vector_load %arg9[%swap3A, %swap3A_275] {strides = array<i32>} : memref<32x64xi32, #tpu.memory_space<vmem>>, vector<16xi32>,
        tpu.vector_store %arg9[%swap3A, %swap3A_275], %bitcast3A_274 {strides = array<i32>} : memref<32x64xi32, #tpu.memory_space<vmem>>, vector<16xi32>,
        %add3A_277 = arith.constant 0 : i32
        %add3A_278 = arith.addi %mul3A_196, %add3A_277 : i32
        %get3A_279 = arith.index_cast %add3A_278 : i32 to index
        %get3A_280 = arith.constant 16 : index
        %get3A_281 = tpu.vector_load %arg7[%get3A_279, %get3A_280] {strides = array<i32>} : memref<352x64xi32, #tpu.memory_space<vmem>>, vector<16xi32>,
        %bitcast3A_282 = vector.bitcast %get3A_281 : vector<16xi32> to vector<32xbf16>
        %add3A_283 = arith.constant 1 : i32
        %add3A_284 = arith.addi %mul3A_196, %add3A_283 : i32
        %get3A_285 = arith.index_cast %add3A_284 : i32 to index
        %get3A_286 = arith.constant 16 : index
        %get3A_287 = tpu.vector_load %arg7[%get3A_285, %get3A_286] {strides = array<i32>} : memref<352x64xi32, #tpu.memory_space<vmem>>, vector<16xi32>,
        %bitcast3A_288 = vector.bitcast %get3A_287 : vector<16xi32> to vector<32xbf16>
        %add3A_289 = arith.constant 2 : i32
        %add3A_290 = arith.addi %mul3A_196, %add3A_289 : i32
        %get3A_291 = arith.index_cast %add3A_290 : i32 to index
        %get3A_292 = arith.constant 16 : index
        %get3A_293 = tpu.vector_load %arg7[%get3A_291, %get3A_292] {strides = array<i32>} : memref<352x64xi32, #tpu.memory_space<vmem>>, vector<16xi32>,
        %bitcast3A_294 = vector.bitcast %get3A_293 : vector<16xi32> to vector<32xbf16>
        %add3A_295 = arith.constant 3 : i32
        %add3A_296 = arith.addi %mul3A_196, %add3A_295 : i32
        %get3A_297 = arith.index_cast %add3A_296 : i32 to index
        %get3A_298 = arith.constant 16 : index
        %get3A_299 = tpu.vector_load %arg7[%get3A_297, %get3A_298] {strides = array<i32>} : memref<352x64xi32, #tpu.memory_space<vmem>>, vector<16xi32>,
        %bitcast3A_300 = vector.bitcast %get3A_299 : vector<16xi32> to vector<32xbf16>
        %add3A_301 = arith.constant 4 : i32
        %add3A_302 = arith.addi %mul3A_196, %add3A_301 : i32
        %get3A_303 = arith.index_cast %add3A_302 : i32 to index
        %get3A_304 = arith.constant 16 : index
        %get3A_305 = tpu.vector_load %arg7[%get3A_303, %get3A_304] {strides = array<i32>} : memref<352x64xi32, #tpu.memory_space<vmem>>, vector<16xi32>,
        %bitcast3A_306 = vector.bitcast %get3A_305 : vector<16xi32> to vector<32xbf16>
        %add3A_307 = arith.constant 5 : i32
        %add3A_308 = arith.addi %mul3A_196, %add3A_307 : i32
        %get3A_309 = arith.index_cast %add3A_308 : i32 to index
        %get3A_310 = arith.constant 16 : index
        %get3A_311 = tpu.vector_load %arg7[%get3A_309, %get3A_310] {strides = array<i32>} : memref<352x64xi32, #tpu.memory_space<vmem>>, vector<16xi32>,
        %bitcast3A_312 = vector.bitcast %get3A_311 : vector<16xi32> to vector<32xbf16>
        %add3A_313 = arith.constant 6 : i32
        %add3A_314 = arith.addi %mul3A_196, %add3A_313 : i32
        %get3A_315 = arith.index_cast %add3A_314 : i32 to index
        %get3A_316 = arith.constant 16 : index
        %get3A_317 = tpu.vector_load %arg7[%get3A_315, %get3A_316] {strides = array<i32>} : memref<352x64xi32, #tpu.memory_space<vmem>>, vector<16xi32>,
        %bitcast3A_318 = vector.bitcast %get3A_317 : vector<16xi32> to vector<32xbf16>
        %add3A_319 = arith.constant 7 : i32
        %add3A_320 = arith.addi %mul3A_196, %add3A_319 : i32
        %get3A_321 = arith.index_cast %add3A_320 : i32 to index
        %get3A_322 = arith.constant 16 : index
        %get3A_323 = tpu.vector_load %arg7[%get3A_321, %get3A_322] {strides = array<i32>} : memref<352x64xi32, #tpu.memory_space<vmem>>, vector<16xi32>,
        %bitcast3A_324 = vector.bitcast %get3A_323 : vector<16xi32> to vector<32xbf16>
        %add3A_325 = arith.constant 8 : i32
        %add3A_326 = arith.addi %mul3A_196, %add3A_325 : i32
        %get3A_327 = arith.index_cast %add3A_326 : i32 to index
        %get3A_328 = arith.constant 16 : index
        %get3A_329 = tpu.vector_load %arg7[%get3A_327, %get3A_328] {strides = array<i32>} : memref<352x64xi32, #tpu.memory_space<vmem>>, vector<16xi32>,
        %bitcast3A_330 = vector.bitcast %get3A_329 : vector<16xi32> to vector<32xbf16>
        %add3A_331 = arith.constant 9 : i32
        %add3A_332 = arith.addi %mul3A_196, %add3A_331 : i32
        %get3A_333 = arith.index_cast %add3A_332 : i32 to index
        %get3A_334 = arith.constant 16 : index
        %get3A_335 = tpu.vector_load %arg7[%get3A_333, %get3A_334] {strides = array<i32>} : memref<352x64xi32, #tpu.memory_space<vmem>>, vector<16xi32>,
        %bitcast3A_336 = vector.bitcast %get3A_335 : vector<16xi32> to vector<32xbf16>
        %add3A_337 = arith.constant 10 : i32
        %add3A_338 = arith.addi %mul3A_196, %add3A_337 : i32
        %get3A_339 = arith.index_cast %add3A_338 : i32 to index
        %get3A_340 = arith.constant 16 : index
        %get3A_341 = tpu.vector_load %arg7[%get3A_339, %get3A_340] {strides = array<i32>} : memref<352x64xi32, #tpu.memory_space<vmem>>, vector<16xi32>,
        %bitcast3A_342 = vector.bitcast %get3A_341 : vector<16xi32> to vector<32xbf16>
        %add3A_343 = arith.addf %bitcast3A_282, %bitcast3A_288 : vector<32xbf16>
        %add3A_344 = arith.addf %bitcast3A_294, %bitcast3A_300 : vector<32xbf16>
        %add3A_345 = arith.addf %bitcast3A_306, %bitcast3A_312 : vector<32xbf16>
        %add3A_346 = arith.addf %bitcast3A_318, %bitcast3A_324 : vector<32xbf16>
        %add3A_347 = arith.addf %bitcast3A_330, %bitcast3A_336 : vector<32xbf16>
        %add3A_348 = arith.addf %add3A_343, %add3A_344 : vector<32xbf16>
        %add3A_349 = arith.addf %add3A_345, %add3A_346 : vector<32xbf16>
        %add3A_350 = arith.addf %add3A_347, %bitcast3A_342 : vector<32xbf16>
        %add3A_351 = arith.addf %add3A_348, %add3A_349 : vector<32xbf16>
        %add3A_352 = arith.addf %add3A_351, %add3A_350 : vector<32xbf16>
        %mul3A_353 = arith.constant 9.082030e-02 : bf16
        %mul3A_354 = vector.broadcast %mul3A_353 : bf16 to vector<32xbf16>
        %mul3A_355 = arith.mulf %add3A_352, %mul3A_354 : vector<32xbf16>
        %bitcast3A_356 = vector.bitcast %mul3A_355 : vector<32xbf16> to vector<16xi32>
        %swap3A_357 = arith.index_cast %add3A_194 : i32 to index
        %swap3A_358 = arith.constant 16 : index
        %swap3A_359 = tpu.vector_load %arg9[%swap3A_357, %swap3A_358] {strides = array<i32>} : memref<32x64xi32, #tpu.memory_space<vmem>>, vector<16xi32>,
        tpu.vector_store %arg9[%swap3A_357, %swap3A_358], %bitcast3A_356 {strides = array<i32>} : memref<32x64xi32, #tpu.memory_space<vmem>>, vector<16xi32>,
        %add3A_360 = arith.constant 0 : i32
        %add3A_361 = arith.addi %mul3A_196, %add3A_360 : i32
        %get3A_362 = arith.index_cast %add3A_361 : i32 to index
        %get3A_363 = arith.constant 32 : index
        %get3A_364 = tpu.vector_load %arg7[%get3A_362, %get3A_363] {strides = array<i32>} : memref<352x64xi32, #tpu.memory_space<vmem>>, vector<16xi32>,
        %bitcast3A_365 = vector.bitcast %get3A_364 : vector<16xi32> to vector<32xbf16>
        %add3A_366 = arith.constant 1 : i32
        %add3A_367 = arith.addi %mul3A_196, %add3A_366 : i32
        %get3A_368 = arith.index_cast %add3A_367 : i32 to index
        %get3A_369 = arith.constant 32 : index
        %get3A_370 = tpu.vector_load %arg7[%get3A_368, %get3A_369] {strides = array<i32>} : memref<352x64xi32, #tpu.memory_space<vmem>>, vector<16xi32>,
        %bitcast3A_371 = vector.bitcast %get3A_370 : vector<16xi32> to vector<32xbf16>
        %add3A_372 = arith.constant 2 : i32
        %add3A_373 = arith.addi %mul3A_196, %add3A_372 : i32
        %get3A_374 = arith.index_cast %add3A_373 : i32 to index
        %get3A_375 = arith.constant 32 : index
        %get3A_376 = tpu.vector_load %arg7[%get3A_374, %get3A_375] {strides = array<i32>} : memref<352x64xi32, #tpu.memory_space<vmem>>, vector<16xi32>,
        %bitcast3A_377 = vector.bitcast %get3A_376 : vector<16xi32> to vector<32xbf16>
        %add3A_378 = arith.constant 3 : i32
        %add3A_379 = arith.addi %mul3A_196, %add3A_378 : i32
        %get3A_380 = arith.index_cast %add3A_379 : i32 to index
        %get3A_381 = arith.constant 32 : index
        %get3A_382 = tpu.vector_load %arg7[%get3A_380, %get3A_381] {strides = array<i32>} : memref<352x64xi32, #tpu.memory_space<vmem>>, vector<16xi32>,
        %bitcast3A_383 = vector.bitcast %get3A_382 : vector<16xi32> to vector<32xbf16>
        %add3A_384 = arith.constant 4 : i32
        %add3A_385 = arith.addi %mul3A_196, %add3A_384 : i32
        %get3A_386 = arith.index_cast %add3A_385 : i32 to index
        %get3A_387 = arith.constant 32 : index
        %get3A_388 = tpu.vector_load %arg7[%get3A_386, %get3A_387] {strides = array<i32>} : memref<352x64xi32, #tpu.memory_space<vmem>>, vector<16xi32>,
        %bitcast3A_389 = vector.bitcast %get3A_388 : vector<16xi32> to vector<32xbf16>
        %add3A_390 = arith.constant 5 : i32
        %add3A_391 = arith.addi %mul3A_196, %add3A_390 : i32
        %get3A_392 = arith.index_cast %add3A_391 : i32 to index
        %get3A_393 = arith.constant 32 : index
        %get3A_394 = tpu.vector_load %arg7[%get3A_392, %get3A_393] {strides = array<i32>} : memref<352x64xi32, #tpu.memory_space<vmem>>, vector<16xi32>,
        %bitcast3A_395 = vector.bitcast %get3A_394 : vector<16xi32> to vector<32xbf16>
        %add3A_396 = arith.constant 6 : i32
        %add3A_397 = arith.addi %mul3A_196, %add3A_396 : i32
        %get3A_398 = arith.index_cast %add3A_397 : i32 to index
        %get3A_399 = arith.constant 32 : index
        %get3A_400 = tpu.vector_load %arg7[%get3A_398, %get3A_399] {strides = array<i32>} : memref<352x64xi32, #tpu.memory_space<vmem>>, vector<16xi32>,
        %bitcast3A_401 = vector.bitcast %get3A_400 : vector<16xi32> to vector<32xbf16>
        %add3A_402 = arith.constant 7 : i32
        %add3A_403 = arith.addi %mul3A_196, %add3A_402 : i32
        %get3A_404 = arith.index_cast %add3A_403 : i32 to index
        %get3A_405 = arith.constant 32 : index
        %get3A_406 = tpu.vector_load %arg7[%get3A_404, %get3A_405] {strides = array<i32>} : memref<352x64xi32, #tpu.memory_space<vmem>>, vector<16xi32>,
        %bitcast3A_407 = vector.bitcast %get3A_406 : vector<16xi32> to vector<32xbf16>
        %add3A_408 = arith.constant 8 : i32
        %add3A_409 = arith.addi %mul3A_196, %add3A_408 : i32
        %get3A_410 = arith.index_cast %add3A_409 : i32 to index
        %get3A_411 = arith.constant 32 : index
        %get3A_412 = tpu.vector_load %arg7[%get3A_410, %get3A_411] {strides = array<i32>} : memref<352x64xi32, #tpu.memory_space<vmem>>, vector<16xi32>,
        %bitcast3A_413 = vector.bitcast %get3A_412 : vector<16xi32> to vector<32xbf16>
        %add3A_414 = arith.constant 9 : i32
        %add3A_415 = arith.addi %mul3A_196, %add3A_414 : i32
        %get3A_416 = arith.index_cast %add3A_415 : i32 to index
        %get3A_417 = arith.constant 32 : index
        %get3A_418 = tpu.vector_load %arg7[%get3A_416, %get3A_417] {strides = array<i32>} : memref<352x64xi32, #tpu.memory_space<vmem>>, vector<16xi32>,
        %bitcast3A_419 = vector.bitcast %get3A_418 : vector<16xi32> to vector<32xbf16>
        %add3A_420 = arith.constant 10 : i32
        %add3A_421 = arith.addi %mul3A_196, %add3A_420 : i32
        %get3A_422 = arith.index_cast %add3A_421 : i32 to index
        %get3A_423 = arith.constant 32 : index
        %get3A_424 = tpu.vector_load %arg7[%get3A_422, %get3A_423] {strides = array<i32>} : memref<352x64xi32, #tpu.memory_space<vmem>>, vector<16xi32>,
        %bitcast3A_425 = vector.bitcast %get3A_424 : vector<16xi32> to vector<32xbf16>
        %add3A_426 = arith.addf %bitcast3A_365, %bitcast3A_371 : vector<32xbf16>
        %add3A_427 = arith.addf %bitcast3A_377, %bitcast3A_383 : vector<32xbf16>
        %add3A_428 = arith.addf %bitcast3A_389, %bitcast3A_395 : vector<32xbf16>
        %add3A_429 = arith.addf %bitcast3A_401, %bitcast3A_407 : vector<32xbf16>
        %add3A_430 = arith.addf %bitcast3A_413, %bitcast3A_419 : vector<32xbf16>
        %add3A_431 = arith.addf %add3A_426, %add3A_427 : vector<32xbf16>
        %add3A_432 = arith.addf %add3A_428, %add3A_429 : vector<32xbf16>
        %add3A_433 = arith.addf %add3A_430, %bitcast3A_425 : vector<32xbf16>
        %add3A_434 = arith.addf %add3A_431, %add3A_432 : vector<32xbf16>
        %add3A_435 = arith.addf %add3A_434, %add3A_433 : vector<32xbf16>
        %mul3A_436 = arith.constant 9.082030e-02 : bf16
        %mul3A_437 = vector.broadcast %mul3A_436 : bf16 to vector<32xbf16>
        %mul3A_438 = arith.mulf %add3A_435, %mul3A_437 : vector<32xbf16>
        %bitcast3A_439 = vector.bitcast %mul3A_438 : vector<32xbf16> to vector<16xi32>
        %swap3A_440 = arith.index_cast %add3A_194 : i32 to index
        %swap3A_441 = arith.constant 32 : index
        %swap3A_442 = tpu.vector_load %arg9[%swap3A_440, %swap3A_441] {strides = array<i32>} : memref<32x64xi32, #tpu.memory_space<vmem>>, vector<16xi32>,
        tpu.vector_store %arg9[%swap3A_440, %swap3A_441], %bitcast3A_439 {strides = array<i32>} : memref<32x64xi32, #tpu.memory_space<vmem>>, vector<16xi32>,
        %add3A_443 = arith.constant 0 : i32
        %add3A_444 = arith.addi %mul3A_196, %add3A_443 : i32
        %get3A_445 = arith.index_cast %add3A_444 : i32 to index
        %get3A_446 = arith.constant 48 : index
        %get3A_447 = tpu.vector_load %arg7[%get3A_445, %get3A_446] {strides = array<i32>} : memref<352x64xi32, #tpu.memory_space<vmem>>, vector<16xi32>,
        %bitcast3A_448 = vector.bitcast %get3A_447 : vector<16xi32> to vector<32xbf16>
        %add3A_449 = arith.constant 1 : i32
        %add3A_450 = arith.addi %mul3A_196, %add3A_449 : i32
        %get3A_451 = arith.index_cast %add3A_450 : i32 to index
        %get3A_452 = arith.constant 48 : index
        %get3A_453 = tpu.vector_load %arg7[%get3A_451, %get3A_452] {strides = array<i32>} : memref<352x64xi32, #tpu.memory_space<vmem>>, vector<16xi32>,
        %bitcast3A_454 = vector.bitcast %get3A_453 : vector<16xi32> to vector<32xbf16>
        %add3A_455 = arith.constant 2 : i32
        %add3A_456 = arith.addi %mul3A_196, %add3A_455 : i32
        %get3A_457 = arith.index_cast %add3A_456 : i32 to index
        %get3A_458 = arith.constant 48 : index
        %get3A_459 = tpu.vector_load %arg7[%get3A_457, %get3A_458] {strides = array<i32>} : memref<352x64xi32, #tpu.memory_space<vmem>>, vector<16xi32>,
        %bitcast3A_460 = vector.bitcast %get3A_459 : vector<16xi32> to vector<32xbf16>
        %add3A_461 = arith.constant 3 : i32
        %add3A_462 = arith.addi %mul3A_196, %add3A_461 : i32
        %get3A_463 = arith.index_cast %add3A_462 : i32 to index
        %get3A_464 = arith.constant 48 : index
        %get3A_465 = tpu.vector_load %arg7[%get3A_463, %get3A_464] {strides = array<i32>} : memref<352x64xi32, #tpu.memory_space<vmem>>, vector<16xi32>,
        %bitcast3A_466 = vector.bitcast %get3A_465 : vector<16xi32> to vector<32xbf16>
        %add3A_467 = arith.constant 4 : i32
        %add3A_468 = arith.addi %mul3A_196, %add3A_467 : i32
        %get3A_469 = arith.index_cast %add3A_468 : i32 to index
        %get3A_470 = arith.constant 48 : index
        %get3A_471 = tpu.vector_load %arg7[%get3A_469, %get3A_470] {strides = array<i32>} : memref<352x64xi32, #tpu.memory_space<vmem>>, vector<16xi32>,
        %bitcast3A_472 = vector.bitcast %get3A_471 : vector<16xi32> to vector<32xbf16>
        %add3A_473 = arith.constant 5 : i32
        %add3A_474 = arith.addi %mul3A_196, %add3A_473 : i32
        %get3A_475 = arith.index_cast %add3A_474 : i32 to index
        %get3A_476 = arith.constant 48 : index
        %get3A_477 = tpu.vector_load %arg7[%get3A_475, %get3A_476] {strides = array<i32>} : memref<352x64xi32, #tpu.memory_space<vmem>>, vector<16xi32>,
        %bitcast3A_478 = vector.bitcast %get3A_477 : vector<16xi32> to vector<32xbf16>
        %add3A_479 = arith.constant 6 : i32
        %add3A_480 = arith.addi %mul3A_196, %add3A_479 : i32
        %get3A_481 = arith.index_cast %add3A_480 : i32 to index
        %get3A_482 = arith.constant 48 : index
        %get3A_483 = tpu.vector_load %arg7[%get3A_481, %get3A_482] {strides = array<i32>} : memref<352x64xi32, #tpu.memory_space<vmem>>, vector<16xi32>,
        %bitcast3A_484 = vector.bitcast %get3A_483 : vector<16xi32> to vector<32xbf16>
        %add3A_485 = arith.constant 7 : i32
        %add3A_486 = arith.addi %mul3A_196, %add3A_485 : i32
        %get3A_487 = arith.index_cast %add3A_486 : i32 to index
        %get3A_488 = arith.constant 48 : index
        %get3A_489 = tpu.vector_load %arg7[%get3A_487, %get3A_488] {strides = array<i32>} : memref<352x64xi32, #tpu.memory_space<vmem>>, vector<16xi32>,
        %bitcast3A_490 = vector.bitcast %get3A_489 : vector<16xi32> to vector<32xbf16>
        %add3A_491 = arith.constant 8 : i32
        %add3A_492 = arith.addi %mul3A_196, %add3A_491 : i32
        %get3A_493 = arith.index_cast %add3A_492 : i32 to index
        %get3A_494 = arith.constant 48 : index
        %get3A_495 = tpu.vector_load %arg7[%get3A_493, %get3A_494] {strides = array<i32>} : memref<352x64xi32, #tpu.memory_space<vmem>>, vector<16xi32>,
        %bitcast3A_496 = vector.bitcast %get3A_495 : vector<16xi32> to vector<32xbf16>
        %add3A_497 = arith.constant 9 : i32
        %add3A_498 = arith.addi %mul3A_196, %add3A_497 : i32
        %get3A_499 = arith.index_cast %add3A_498 : i32 to index
        %get3A_500 = arith.constant 48 : index
        %get3A_501 = tpu.vector_load %arg7[%get3A_499, %get3A_500] {strides = array<i32>} : memref<352x64xi32, #tpu.memory_space<vmem>>, vector<16xi32>,
        %bitcast3A_502 = vector.bitcast %get3A_501 : vector<16xi32> to vector<32xbf16>
        %add3A_503 = arith.constant 10 : i32
        %add3A_504 = arith.addi %mul3A_196, %add3A_503 : i32
        %get3A_505 = arith.index_cast %add3A_504 : i32 to index
        %get3A_506 = arith.constant 48 : index
        %get3A_507 = tpu.vector_load %arg7[%get3A_505, %get3A_506] {strides = array<i32>} : memref<352x64xi32, #tpu.memory_space<vmem>>, vector<16xi32>,
        %bitcast3A_508 = vector.bitcast %get3A_507 : vector<16xi32> to vector<32xbf16>
        %add3A_509 = arith.addf %bitcast3A_448, %bitcast3A_454 : vector<32xbf16>
        %add3A_510 = arith.addf %bitcast3A_460, %bitcast3A_466 : vector<32xbf16>
        %add3A_511 = arith.addf %bitcast3A_472, %bitcast3A_478 : vector<32xbf16>
        %add3A_512 = arith.addf %bitcast3A_484, %bitcast3A_490 : vector<32xbf16>
        %add3A_513 = arith.addf %bitcast3A_496, %bitcast3A_502 : vector<32xbf16>
        %add3A_514 = arith.addf %add3A_509, %add3A_510 : vector<32xbf16>
        %add3A_515 = arith.addf %add3A_511, %add3A_512 : vector<32xbf16>
        %add3A_516 = arith.addf %add3A_513, %bitcast3A_508 : vector<32xbf16>
        %add3A_517 = arith.addf %add3A_514, %add3A_515 : vector<32xbf16>
        %add3A_518 = arith.addf %add3A_517, %add3A_516 : vector<32xbf16>
        %mul3A_519 = arith.constant 9.082030e-02 : bf16
        %mul3A_520 = vector.broadcast %mul3A_519 : bf16 to vector<32xbf16>
        %mul3A_521 = arith.mulf %add3A_518, %mul3A_520 : vector<32xbf16>
        %bitcast3A_522 = vector.bitcast %mul3A_521 : vector<32xbf16> to vector<16xi32>
        %swap3A_523 = arith.index_cast %add3A_194 : i32 to index
        %swap3A_524 = arith.constant 48 : index
        %swap3A_525 = tpu.vector_load %arg9[%swap3A_523, %swap3A_524] {strides = array<i32>} : memref<32x64xi32, #tpu.memory_space<vmem>>, vector<16xi32>,
        tpu.vector_store %arg9[%swap3A_523, %swap3A_524], %bitcast3A_522 {strides = array<i32>} : memref<32x64xi32, #tpu.memory_space<vmem>>, vector<16xi32>,
      }
      %scan3A_172 = arith.constant 32 : i32
      %add3A_173 = arith.constant 1 : i32
      %add3A_174 = arith.addi %add3A_124, %add3A_173 : i32
      %mul3A_175 = arith.constant 32 : i32
      %mul3A_176 = arith.muli %add3A_174, %mul3A_175 : i32
      %add3A_177 = arith.addi %select_n3A, %mul3A_176 : i32
      %dma_start3A_178 = arith.constant 0 : i32
      %dma_start3A_179 = tpu.memref_slice %arg4[%add3A_177, %dma_start3A_178] : memref<51200x64xi32, #tpu.memory_space<hbm>> -> memref<32x64xi32, #tpu.memory_space<hbm>>
      %dma_start3A_180 = arith.constant 0 : i32
      %dma_start3A_181 = tpu.memref_slice %arg4[%add3A_177, %dma_start3A_180] : memref<51200x64xi32, #tpu.memory_space<hbm>> -> memref<32x64xi32, #tpu.memory_space<hbm>>
      tpu.enqueue_dma source(%arg9 : memref<32x64xi32, #tpu.memory_space<vmem>>) target(%dma_start3A_181 : memref<32x64xi32, #tpu.memory_space<hbm>>) target_semaphore(%arg13 : memref<!tpu.dma_semaphore, #tpu.memory_space<semaphore_mem>>)
      %add3A_182 = arith.constant 3 : i32
      %add3A_183 = arith.addi %add3A_124, %add3A_182 : i32
      %mul3A_184 = arith.constant 352 : i32
      %mul3A_185 = arith.muli %add3A_183, %mul3A_184 : i32
      %dma_start3A_186 = tpu.memref_slice %arg5[%mul3A_185] : memref<30976xi32, #tpu.memory_space<vmem>> -> memref<352xi32, #tpu.memory_space<vmem>>
      %dma_start3A_187 = arith.constant 0 : i32
      %dma_start3A_188 = arith.constant 0 : i32
      %dma_start3A_189 = tpu.memref_slice %arg3[%dma_start3A_187, %dma_start3A_188] : memref<50000x64xi32, #tpu.memory_space<hbm>> -> memref<50000x64xi32, #tpu.memory_space<hbm>>
      tpu.enqueue_indirect_dma source(%dma_start3A_189 : memref<50000x64xi32, #tpu.memory_space<hbm>>) target(%arg7 : memref<352x64xi32, #tpu.memory_space<vmem>>) offsets(%dma_start3A_186 : memref<352xi32, #tpu.memory_space<vmem>>) semaphore(%arg11 : memref<!tpu.dma_semaphore, #tpu.memory_space<semaphore_mem>>)
    }
    %sub3A_44 = arith.constant 2 : i32
    %sub3A_45 = arith.subi %select_n3A_8, %sub3A_44 : i32
    %mul3A_46 = arith.constant 352 : i32
    %mul3A_47 = arith.muli %sub3A_45, %mul3A_46 : i32
    %dma_wait3A = tpu.memref_slice %arg5[%mul3A_47] : memref<30976xi32, #tpu.memory_space<vmem>> -> memref<352xi32, #tpu.memory_space<vmem>>
    %dma_wait3A_48 = arith.constant 0 : i32
    %dma_wait3A_49 = arith.constant 0 : i32
    %dma_wait3A_50 = tpu.memref_slice %arg3[%dma_wait3A_48, %dma_wait3A_49] : memref<50000x64xi32, #tpu.memory_space<hbm>> -> memref<50000x64xi32, #tpu.memory_space<hbm>>
    tpu.wait_indirect_dma semaphore(%arg10 : memref<!tpu.dma_semaphore, #tpu.memory_space<semaphore_mem>>) src(%dma_wait3A_50 : memref<50000x64xi32, #tpu.memory_space<hbm>>) dst(%arg6 : memref<352x64xi32, #tpu.memory_space<vmem>>)
    %sub3A_51 = arith.constant 4 : i32
    %sub3A_52 = arith.subi %select_n3A_8, %sub3A_51 : i32
    %mul3A_53 = arith.constant 32 : i32
    %mul3A_54 = arith.muli %sub3A_52, %mul3A_53 : i32
    %add3A_55 = arith.addi %select_n3A, %mul3A_54 : i32
    %dma_wait3A_56 = arith.constant 0 : i32
    %dma_wait3A_57 = tpu.memref_slice %arg4[%add3A_55, %dma_wait3A_56] : memref<51200x64xi32, #tpu.memory_space<hbm>> -> memref<32x64xi32, #tpu.memory_space<hbm>>
    %dma_wait3A_58 = arith.constant 0 : i32
    %dma_wait3A_59 = tpu.memref_slice %arg4[%add3A_55, %dma_wait3A_58] : memref<51200x64xi32, #tpu.memory_space<hbm>> -> memref<32x64xi32, #tpu.memory_space<hbm>>
    tpu.wait_dma2 semaphore(%arg12 : memref<!tpu.dma_semaphore, #tpu.memory_space<semaphore_mem>>) src(%arg8 : memref<32x64xi32, #tpu.memory_space<vmem>>) dst(%dma_wait3A_59 : memref<32x64xi32, #tpu.memory_space<hbm>>)
    %scan3A = arith.constant 0 : i32
    %scan3A_60 = arith.constant 32 : i32
    %scan3A_61 = arith.addi %scan3A, %scan3A_60 : i32
    %scan3A_62 = arith.constant 1 : i32
    scf.for %scan3A_122 = %scan3A to %scan3A_61 step %scan3A_62  : i32 {
      %mul3A_123 = arith.constant 1 : i32
      %mul3A_124 = arith.muli %scan3A_122, %mul3A_123 : i32
      %add3A_125 = arith.constant 0 : i32
      %add3A_126 = arith.addi %add3A_125, %mul3A_124 : i32
      %mul3A_127 = arith.constant 11 : i32
      %mul3A_128 = arith.muli %add3A_126, %mul3A_127 : i32
      %add3A_129 = arith.constant 0 : i32
      %add3A_130 = arith.addi %mul3A_128, %add3A_129 : i32
      %get3A = arith.index_cast %add3A_130 : i32 to index
      %get3A_131 = arith.constant 0 : index
      %get3A_132 = tpu.vector_load %arg6[%get3A, %get3A_131] {strides = array<i32>} : memref<352x64xi32, #tpu.memory_space<vmem>>, vector<16xi32>,
      %bitcast3A = vector.bitcast %get3A_132 : vector<16xi32> to vector<32xbf16>
      %add3A_133 = arith.constant 1 : i32
      %add3A_134 = arith.addi %mul3A_128, %add3A_133 : i32
      %get3A_135 = arith.index_cast %add3A_134 : i32 to index
      %get3A_136 = arith.constant 0 : index
      %get3A_137 = tpu.vector_load %arg6[%get3A_135, %get3A_136] {strides = array<i32>} : memref<352x64xi32, #tpu.memory_space<vmem>>, vector<16xi32>,
      %bitcast3A_138 = vector.bitcast %get3A_137 : vector<16xi32> to vector<32xbf16>
      %add3A_139 = arith.constant 2 : i32
      %add3A_140 = arith.addi %mul3A_128, %add3A_139 : i32
      %get3A_141 = arith.index_cast %add3A_140 : i32 to index
      %get3A_142 = arith.constant 0 : index
      %get3A_143 = tpu.vector_load %arg6[%get3A_141, %get3A_142] {strides = array<i32>} : memref<352x64xi32, #tpu.memory_space<vmem>>, vector<16xi32>,
      %bitcast3A_144 = vector.bitcast %get3A_143 : vector<16xi32> to vector<32xbf16>
      %add3A_145 = arith.constant 3 : i32
      %add3A_146 = arith.addi %mul3A_128, %add3A_145 : i32
      %get3A_147 = arith.index_cast %add3A_146 : i32 to index
      %get3A_148 = arith.constant 0 : index
      %get3A_149 = tpu.vector_load %arg6[%get3A_147, %get3A_148] {strides = array<i32>} : memref<352x64xi32, #tpu.memory_space<vmem>>, vector<16xi32>,
      %bitcast3A_150 = vector.bitcast %get3A_149 : vector<16xi32> to vector<32xbf16>
      %add3A_151 = arith.constant 4 : i32
      %add3A_152 = arith.addi %mul3A_128, %add3A_151 : i32
      %get3A_153 = arith.index_cast %add3A_152 : i32 to index
      %get3A_154 = arith.constant 0 : index
      %get3A_155 = tpu.vector_load %arg6[%get3A_153, %get3A_154] {strides = array<i32>} : memref<352x64xi32, #tpu.memory_space<vmem>>, vector<16xi32>,
      %bitcast3A_156 = vector.bitcast %get3A_155 : vector<16xi32> to vector<32xbf16>
      %add3A_157 = arith.constant 5 : i32
      %add3A_158 = arith.addi %mul3A_128, %add3A_157 : i32
      %get3A_159 = arith.index_cast %add3A_158 : i32 to index
      %get3A_160 = arith.constant 0 : index
      %get3A_161 = tpu.vector_load %arg6[%get3A_159, %get3A_160] {strides = array<i32>} : memref<352x64xi32, #tpu.memory_space<vmem>>, vector<16xi32>,
      %bitcast3A_162 = vector.bitcast %get3A_161 : vector<16xi32> to vector<32xbf16>
      %add3A_163 = arith.constant 6 : i32
      %add3A_164 = arith.addi %mul3A_128, %add3A_163 : i32
      %get3A_165 = arith.index_cast %add3A_164 : i32 to index
      %get3A_166 = arith.constant 0 : index
      %get3A_167 = tpu.vector_load %arg6[%get3A_165, %get3A_166] {strides = array<i32>} : memref<352x64xi32, #tpu.memory_space<vmem>>, vector<16xi32>,
      %bitcast3A_168 = vector.bitcast %get3A_167 : vector<16xi32> to vector<32xbf16>
      %add3A_169 = arith.constant 7 : i32
      %add3A_170 = arith.addi %mul3A_128, %add3A_169 : i32
      %get3A_171 = arith.index_cast %add3A_170 : i32 to index
      %get3A_172 = arith.constant 0 : index
      %get3A_173 = tpu.vector_load %arg6[%get3A_171, %get3A_172] {strides = array<i32>} : memref<352x64xi32, #tpu.memory_space<vmem>>, vector<16xi32>,
      %bitcast3A_174 = vector.bitcast %get3A_173 : vector<16xi32> to vector<32xbf16>
      %add3A_175 = arith.constant 8 : i32
      %add3A_176 = arith.addi %mul3A_128, %add3A_175 : i32
      %get3A_177 = arith.index_cast %add3A_176 : i32 to index
      %get3A_178 = arith.constant 0 : index
      %get3A_179 = tpu.vector_load %arg6[%get3A_177, %get3A_178] {strides = array<i32>} : memref<352x64xi32, #tpu.memory_space<vmem>>, vector<16xi32>,
      %bitcast3A_180 = vector.bitcast %get3A_179 : vector<16xi32> to vector<32xbf16>
      %add3A_181 = arith.constant 9 : i32
      %add3A_182 = arith.addi %mul3A_128, %add3A_181 : i32
      %get3A_183 = arith.index_cast %add3A_182 : i32 to index
      %get3A_184 = arith.constant 0 : index
      %get3A_185 = tpu.vector_load %arg6[%get3A_183, %get3A_184] {strides = array<i32>} : memref<352x64xi32, #tpu.memory_space<vmem>>, vector<16xi32>,
      %bitcast3A_186 = vector.bitcast %get3A_185 : vector<16xi32> to vector<32xbf16>
      %add3A_187 = arith.constant 10 : i32
      %add3A_188 = arith.addi %mul3A_128, %add3A_187 : i32
      %get3A_189 = arith.index_cast %add3A_188 : i32 to index
      %get3A_190 = arith.constant 0 : index
      %get3A_191 = tpu.vector_load %arg6[%get3A_189, %get3A_190] {strides = array<i32>} : memref<352x64xi32, #tpu.memory_space<vmem>>, vector<16xi32>,
      %bitcast3A_192 = vector.bitcast %get3A_191 : vector<16xi32> to vector<32xbf16>
      %add3A_193 = arith.addf %bitcast3A, %bitcast3A_138 : vector<32xbf16>
      %add3A_194 = arith.addf %bitcast3A_144, %bitcast3A_150 : vector<32xbf16>
      %add3A_195 = arith.addf %bitcast3A_156, %bitcast3A_162 : vector<32xbf16>
      %add3A_196 = arith.addf %bitcast3A_168, %bitcast3A_174 : vector<32xbf16>
      %add3A_197 = arith.addf %bitcast3A_180, %bitcast3A_186 : vector<32xbf16>
      %add3A_198 = arith.addf %add3A_193, %add3A_194 : vector<32xbf16>
      %add3A_199 = arith.addf %add3A_195, %add3A_196 : vector<32xbf16>
      %add3A_200 = arith.addf %add3A_197, %bitcast3A_192 : vector<32xbf16>
      %add3A_201 = arith.addf %add3A_198, %add3A_199 : vector<32xbf16>
      %add3A_202 = arith.addf %add3A_201, %add3A_200 : vector<32xbf16>
      %mul3A_203 = arith.constant 9.082030e-02 : bf16
      %mul3A_204 = vector.broadcast %mul3A_203 : bf16 to vector<32xbf16>
      %mul3A_205 = arith.mulf %add3A_202, %mul3A_204 : vector<32xbf16>
      %bitcast3A_206 = vector.bitcast %mul3A_205 : vector<32xbf16> to vector<16xi32>
      %swap3A = arith.index_cast %add3A_126 : i32 to index
      %swap3A_207 = arith.constant 0 : index
      %swap3A_208 = tpu.vector_load %arg8[%swap3A, %swap3A_207] {strides = array<i32>} : memref<32x64xi32, #tpu.memory_space<vmem>>, vector<16xi32>,
      tpu.vector_store %arg8[%swap3A, %swap3A_207], %bitcast3A_206 {strides = array<i32>} : memref<32x64xi32, #tpu.memory_space<vmem>>, vector<16xi32>,
      %add3A_209 = arith.constant 0 : i32
      %add3A_210 = arith.addi %mul3A_128, %add3A_209 : i32
      %get3A_211 = arith.index_cast %add3A_210 : i32 to index
      %get3A_212 = arith.constant 16 : index
      %get3A_213 = tpu.vector_load %arg6[%get3A_211, %get3A_212] {strides = array<i32>} : memref<352x64xi32, #tpu.memory_space<vmem>>, vector<16xi32>,
      %bitcast3A_214 = vector.bitcast %get3A_213 : vector<16xi32> to vector<32xbf16>
      %add3A_215 = arith.constant 1 : i32
      %add3A_216 = arith.addi %mul3A_128, %add3A_215 : i32
      %get3A_217 = arith.index_cast %add3A_216 : i32 to index
      %get3A_218 = arith.constant 16 : index
      %get3A_219 = tpu.vector_load %arg6[%get3A_217, %get3A_218] {strides = array<i32>} : memref<352x64xi32, #tpu.memory_space<vmem>>, vector<16xi32>,
      %bitcast3A_220 = vector.bitcast %get3A_219 : vector<16xi32> to vector<32xbf16>
      %add3A_221 = arith.constant 2 : i32
      %add3A_222 = arith.addi %mul3A_128, %add3A_221 : i32
      %get3A_223 = arith.index_cast %add3A_222 : i32 to index
      %get3A_224 = arith.constant 16 : index
      %get3A_225 = tpu.vector_load %arg6[%get3A_223, %get3A_224] {strides = array<i32>} : memref<352x64xi32, #tpu.memory_space<vmem>>, vector<16xi32>,
      %bitcast3A_226 = vector.bitcast %get3A_225 : vector<16xi32> to vector<32xbf16>
      %add3A_227 = arith.constant 3 : i32
      %add3A_228 = arith.addi %mul3A_128, %add3A_227 : i32
      %get3A_229 = arith.index_cast %add3A_228 : i32 to index
      %get3A_230 = arith.constant 16 : index
      %get3A_231 = tpu.vector_load %arg6[%get3A_229, %get3A_230] {strides = array<i32>} : memref<352x64xi32, #tpu.memory_space<vmem>>, vector<16xi32>,
      %bitcast3A_232 = vector.bitcast %get3A_231 : vector<16xi32> to vector<32xbf16>
      %add3A_233 = arith.constant 4 : i32
      %add3A_234 = arith.addi %mul3A_128, %add3A_233 : i32
      %get3A_235 = arith.index_cast %add3A_234 : i32 to index
      %get3A_236 = arith.constant 16 : index
      %get3A_237 = tpu.vector_load %arg6[%get3A_235, %get3A_236] {strides = array<i32>} : memref<352x64xi32, #tpu.memory_space<vmem>>, vector<16xi32>,
      %bitcast3A_238 = vector.bitcast %get3A_237 : vector<16xi32> to vector<32xbf16>
      %add3A_239 = arith.constant 5 : i32
      %add3A_240 = arith.addi %mul3A_128, %add3A_239 : i32
      %get3A_241 = arith.index_cast %add3A_240 : i32 to index
      %get3A_242 = arith.constant 16 : index
      %get3A_243 = tpu.vector_load %arg6[%get3A_241, %get3A_242] {strides = array<i32>} : memref<352x64xi32, #tpu.memory_space<vmem>>, vector<16xi32>,
      %bitcast3A_244 = vector.bitcast %get3A_243 : vector<16xi32> to vector<32xbf16>
      %add3A_245 = arith.constant 6 : i32
      %add3A_246 = arith.addi %mul3A_128, %add3A_245 : i32
      %get3A_247 = arith.index_cast %add3A_246 : i32 to index
      %get3A_248 = arith.constant 16 : index
      %get3A_249 = tpu.vector_load %arg6[%get3A_247, %get3A_248] {strides = array<i32>} : memref<352x64xi32, #tpu.memory_space<vmem>>, vector<16xi32>,
      %bitcast3A_250 = vector.bitcast %get3A_249 : vector<16xi32> to vector<32xbf16>
      %add3A_251 = arith.constant 7 : i32
      %add3A_252 = arith.addi %mul3A_128, %add3A_251 : i32
      %get3A_253 = arith.index_cast %add3A_252 : i32 to index
      %get3A_254 = arith.constant 16 : index
      %get3A_255 = tpu.vector_load %arg6[%get3A_253, %get3A_254] {strides = array<i32>} : memref<352x64xi32, #tpu.memory_space<vmem>>, vector<16xi32>,
      %bitcast3A_256 = vector.bitcast %get3A_255 : vector<16xi32> to vector<32xbf16>
      %add3A_257 = arith.constant 8 : i32
      %add3A_258 = arith.addi %mul3A_128, %add3A_257 : i32
      %get3A_259 = arith.index_cast %add3A_258 : i32 to index
      %get3A_260 = arith.constant 16 : index
      %get3A_261 = tpu.vector_load %arg6[%get3A_259, %get3A_260] {strides = array<i32>} : memref<352x64xi32, #tpu.memory_space<vmem>>, vector<16xi32>,
      %bitcast3A_262 = vector.bitcast %get3A_261 : vector<16xi32> to vector<32xbf16>
      %add3A_263 = arith.constant 9 : i32
      %add3A_264 = arith.addi %mul3A_128, %add3A_263 : i32
      %get3A_265 = arith.index_cast %add3A_264 : i32 to index
      %get3A_266 = arith.constant 16 : index
      %get3A_267 = tpu.vector_load %arg6[%get3A_265, %get3A_266] {strides = array<i32>} : memref<352x64xi32, #tpu.memory_space<vmem>>, vector<16xi32>,
      %bitcast3A_268 = vector.bitcast %get3A_267 : vector<16xi32> to vector<32xbf16>
      %add3A_269 = arith.constant 10 : i32
      %add3A_270 = arith.addi %mul3A_128, %add3A_269 : i32
      %get3A_271 = arith.index_cast %add3A_270 : i32 to index
      %get3A_272 = arith.constant 16 : index
      %get3A_273 = tpu.vector_load %arg6[%get3A_271, %get3A_272] {strides = array<i32>} : memref<352x64xi32, #tpu.memory_space<vmem>>, vector<16xi32>,
      %bitcast3A_274 = vector.bitcast %get3A_273 : vector<16xi32> to vector<32xbf16>
      %add3A_275 = arith.addf %bitcast3A_214, %bitcast3A_220 : vector<32xbf16>
      %add3A_276 = arith.addf %bitcast3A_226, %bitcast3A_232 : vector<32xbf16>
      %add3A_277 = arith.addf %bitcast3A_238, %bitcast3A_244 : vector<32xbf16>
      %add3A_278 = arith.addf %bitcast3A_250, %bitcast3A_256 : vector<32xbf16>
      %add3A_279 = arith.addf %bitcast3A_262, %bitcast3A_268 : vector<32xbf16>
      %add3A_280 = arith.addf %add3A_275, %add3A_276 : vector<32xbf16>
      %add3A_281 = arith.addf %add3A_277, %add3A_278 : vector<32xbf16>
      %add3A_282 = arith.addf %add3A_279, %bitcast3A_274 : vector<32xbf16>
      %add3A_283 = arith.addf %add3A_280, %add3A_281 : vector<32xbf16>
      %add3A_284 = arith.addf %add3A_283, %add3A_282 : vector<32xbf16>
      %mul3A_285 = arith.constant 9.082030e-02 : bf16
      %mul3A_286 = vector.broadcast %mul3A_285 : bf16 to vector<32xbf16>
      %mul3A_287 = arith.mulf %add3A_284, %mul3A_286 : vector<32xbf16>
      %bitcast3A_288 = vector.bitcast %mul3A_287 : vector<32xbf16> to vector<16xi32>
      %swap3A_289 = arith.index_cast %add3A_126 : i32 to index
      %swap3A_290 = arith.constant 16 : index
      %swap3A_291 = tpu.vector_load %arg8[%swap3A_289, %swap3A_290] {strides = array<i32>} : memref<32x64xi32, #tpu.memory_space<vmem>>, vector<16xi32>,
      tpu.vector_store %arg8[%swap3A_289, %swap3A_290], %bitcast3A_288 {strides = array<i32>} : memref<32x64xi32, #tpu.memory_space<vmem>>, vector<16xi32>,
      %add3A_292 = arith.constant 0 : i32
      %add3A_293 = arith.addi %mul3A_128, %add3A_292 : i32
      %get3A_294 = arith.index_cast %add3A_293 : i32 to index
      %get3A_295 = arith.constant 32 : index
      %get3A_296 = tpu.vector_load %arg6[%get3A_294, %get3A_295] {strides = array<i32>} : memref<352x64xi32, #tpu.memory_space<vmem>>, vector<16xi32>,
      %bitcast3A_297 = vector.bitcast %get3A_296 : vector<16xi32> to vector<32xbf16>
      %add3A_298 = arith.constant 1 : i32
      %add3A_299 = arith.addi %mul3A_128, %add3A_298 : i32
      %get3A_300 = arith.index_cast %add3A_299 : i32 to index
      %get3A_301 = arith.constant 32 : index
      %get3A_302 = tpu.vector_load %arg6[%get3A_300, %get3A_301] {strides = array<i32>} : memref<352x64xi32, #tpu.memory_space<vmem>>, vector<16xi32>,
      %bitcast3A_303 = vector.bitcast %get3A_302 : vector<16xi32> to vector<32xbf16>
      %add3A_304 = arith.constant 2 : i32
      %add3A_305 = arith.addi %mul3A_128, %add3A_304 : i32
      %get3A_306 = arith.index_cast %add3A_305 : i32 to index
      %get3A_307 = arith.constant 32 : index
      %get3A_308 = tpu.vector_load %arg6[%get3A_306, %get3A_307] {strides = array<i32>} : memref<352x64xi32, #tpu.memory_space<vmem>>, vector<16xi32>,
      %bitcast3A_309 = vector.bitcast %get3A_308 : vector<16xi32> to vector<32xbf16>
      %add3A_310 = arith.constant 3 : i32
      %add3A_311 = arith.addi %mul3A_128, %add3A_310 : i32
      %get3A_312 = arith.index_cast %add3A_311 : i32 to index
      %get3A_313 = arith.constant 32 : index
      %get3A_314 = tpu.vector_load %arg6[%get3A_312, %get3A_313] {strides = array<i32>} : memref<352x64xi32, #tpu.memory_space<vmem>>, vector<16xi32>,
      %bitcast3A_315 = vector.bitcast %get3A_314 : vector<16xi32> to vector<32xbf16>
      %add3A_316 = arith.constant 4 : i32
      %add3A_317 = arith.addi %mul3A_128, %add3A_316 : i32
      %get3A_318 = arith.index_cast %add3A_317 : i32 to index
      %get3A_319 = arith.constant 32 : index
      %get3A_320 = tpu.vector_load %arg6[%get3A_318, %get3A_319] {strides = array<i32>} : memref<352x64xi32, #tpu.memory_space<vmem>>, vector<16xi32>,
      %bitcast3A_321 = vector.bitcast %get3A_320 : vector<16xi32> to vector<32xbf16>
      %add3A_322 = arith.constant 5 : i32
      %add3A_323 = arith.addi %mul3A_128, %add3A_322 : i32
      %get3A_324 = arith.index_cast %add3A_323 : i32 to index
      %get3A_325 = arith.constant 32 : index
      %get3A_326 = tpu.vector_load %arg6[%get3A_324, %get3A_325] {strides = array<i32>} : memref<352x64xi32, #tpu.memory_space<vmem>>, vector<16xi32>,
      %bitcast3A_327 = vector.bitcast %get3A_326 : vector<16xi32> to vector<32xbf16>
      %add3A_328 = arith.constant 6 : i32
      %add3A_329 = arith.addi %mul3A_128, %add3A_328 : i32
      %get3A_330 = arith.index_cast %add3A_329 : i32 to index
      %get3A_331 = arith.constant 32 : index
      %get3A_332 = tpu.vector_load %arg6[%get3A_330, %get3A_331] {strides = array<i32>} : memref<352x64xi32, #tpu.memory_space<vmem>>, vector<16xi32>,
      %bitcast3A_333 = vector.bitcast %get3A_332 : vector<16xi32> to vector<32xbf16>
      %add3A_334 = arith.constant 7 : i32
      %add3A_335 = arith.addi %mul3A_128, %add3A_334 : i32
      %get3A_336 = arith.index_cast %add3A_335 : i32 to index
      %get3A_337 = arith.constant 32 : index
      %get3A_338 = tpu.vector_load %arg6[%get3A_336, %get3A_337] {strides = array<i32>} : memref<352x64xi32, #tpu.memory_space<vmem>>, vector<16xi32>,
      %bitcast3A_339 = vector.bitcast %get3A_338 : vector<16xi32> to vector<32xbf16>
      %add3A_340 = arith.constant 8 : i32
      %add3A_341 = arith.addi %mul3A_128, %add3A_340 : i32
      %get3A_342 = arith.index_cast %add3A_341 : i32 to index
      %get3A_343 = arith.constant 32 : index
      %get3A_344 = tpu.vector_load %arg6[%get3A_342, %get3A_343] {strides = array<i32>} : memref<352x64xi32, #tpu.memory_space<vmem>>, vector<16xi32>,
      %bitcast3A_345 = vector.bitcast %get3A_344 : vector<16xi32> to vector<32xbf16>
      %add3A_346 = arith.constant 9 : i32
      %add3A_347 = arith.addi %mul3A_128, %add3A_346 : i32
      %get3A_348 = arith.index_cast %add3A_347 : i32 to index
      %get3A_349 = arith.constant 32 : index
      %get3A_350 = tpu.vector_load %arg6[%get3A_348, %get3A_349] {strides = array<i32>} : memref<352x64xi32, #tpu.memory_space<vmem>>, vector<16xi32>,
      %bitcast3A_351 = vector.bitcast %get3A_350 : vector<16xi32> to vector<32xbf16>
      %add3A_352 = arith.constant 10 : i32
      %add3A_353 = arith.addi %mul3A_128, %add3A_352 : i32
      %get3A_354 = arith.index_cast %add3A_353 : i32 to index
      %get3A_355 = arith.constant 32 : index
      %get3A_356 = tpu.vector_load %arg6[%get3A_354, %get3A_355] {strides = array<i32>} : memref<352x64xi32, #tpu.memory_space<vmem>>, vector<16xi32>,
      %bitcast3A_357 = vector.bitcast %get3A_356 : vector<16xi32> to vector<32xbf16>
      %add3A_358 = arith.addf %bitcast3A_297, %bitcast3A_303 : vector<32xbf16>
      %add3A_359 = arith.addf %bitcast3A_309, %bitcast3A_315 : vector<32xbf16>
      %add3A_360 = arith.addf %bitcast3A_321, %bitcast3A_327 : vector<32xbf16>
      %add3A_361 = arith.addf %bitcast3A_333, %bitcast3A_339 : vector<32xbf16>
      %add3A_362 = arith.addf %bitcast3A_345, %bitcast3A_351 : vector<32xbf16>
      %add3A_363 = arith.addf %add3A_358, %add3A_359 : vector<32xbf16>
      %add3A_364 = arith.addf %add3A_360, %add3A_361 : vector<32xbf16>
      %add3A_365 = arith.addf %add3A_362, %bitcast3A_357 : vector<32xbf16>
      %add3A_366 = arith.addf %add3A_363, %add3A_364 : vector<32xbf16>
      %add3A_367 = arith.addf %add3A_366, %add3A_365 : vector<32xbf16>
      %mul3A_368 = arith.constant 9.082030e-02 : bf16
      %mul3A_369 = vector.broadcast %mul3A_368 : bf16 to vector<32xbf16>
      %mul3A_370 = arith.mulf %add3A_367, %mul3A_369 : vector<32xbf16>
      %bitcast3A_371 = vector.bitcast %mul3A_370 : vector<32xbf16> to vector<16xi32>
      %swap3A_372 = arith.index_cast %add3A_126 : i32 to index
      %swap3A_373 = arith.constant 32 : index
      %swap3A_374 = tpu.vector_load %arg8[%swap3A_372, %swap3A_373] {strides = array<i32>} : memref<32x64xi32, #tpu.memory_space<vmem>>, vector<16xi32>,
      tpu.vector_store %arg8[%swap3A_372, %swap3A_373], %bitcast3A_371 {strides = array<i32>} : memref<32x64xi32, #tpu.memory_space<vmem>>, vector<16xi32>,
      %add3A_375 = arith.constant 0 : i32
      %add3A_376 = arith.addi %mul3A_128, %add3A_375 : i32
      %get3A_377 = arith.index_cast %add3A_376 : i32 to index
      %get3A_378 = arith.constant 48 : index
      %get3A_379 = tpu.vector_load %arg6[%get3A_377, %get3A_378] {strides = array<i32>} : memref<352x64xi32, #tpu.memory_space<vmem>>, vector<16xi32>,
      %bitcast3A_380 = vector.bitcast %get3A_379 : vector<16xi32> to vector<32xbf16>
      %add3A_381 = arith.constant 1 : i32
      %add3A_382 = arith.addi %mul3A_128, %add3A_381 : i32
      %get3A_383 = arith.index_cast %add3A_382 : i32 to index
      %get3A_384 = arith.constant 48 : index
      %get3A_385 = tpu.vector_load %arg6[%get3A_383, %get3A_384] {strides = array<i32>} : memref<352x64xi32, #tpu.memory_space<vmem>>, vector<16xi32>,
      %bitcast3A_386 = vector.bitcast %get3A_385 : vector<16xi32> to vector<32xbf16>
      %add3A_387 = arith.constant 2 : i32
      %add3A_388 = arith.addi %mul3A_128, %add3A_387 : i32
      %get3A_389 = arith.index_cast %add3A_388 : i32 to index
      %get3A_390 = arith.constant 48 : index
      %get3A_391 = tpu.vector_load %arg6[%get3A_389, %get3A_390] {strides = array<i32>} : memref<352x64xi32, #tpu.memory_space<vmem>>, vector<16xi32>,
      %bitcast3A_392 = vector.bitcast %get3A_391 : vector<16xi32> to vector<32xbf16>
      %add3A_393 = arith.constant 3 : i32
      %add3A_394 = arith.addi %mul3A_128, %add3A_393 : i32
      %get3A_395 = arith.index_cast %add3A_394 : i32 to index
      %get3A_396 = arith.constant 48 : index
      %get3A_397 = tpu.vector_load %arg6[%get3A_395, %get3A_396] {strides = array<i32>} : memref<352x64xi32, #tpu.memory_space<vmem>>, vector<16xi32>,
      %bitcast3A_398 = vector.bitcast %get3A_397 : vector<16xi32> to vector<32xbf16>
      %add3A_399 = arith.constant 4 : i32
      %add3A_400 = arith.addi %mul3A_128, %add3A_399 : i32
      %get3A_401 = arith.index_cast %add3A_400 : i32 to index
      %get3A_402 = arith.constant 48 : index
      %get3A_403 = tpu.vector_load %arg6[%get3A_401, %get3A_402] {strides = array<i32>} : memref<352x64xi32, #tpu.memory_space<vmem>>, vector<16xi32>,
      %bitcast3A_404 = vector.bitcast %get3A_403 : vector<16xi32> to vector<32xbf16>
      %add3A_405 = arith.constant 5 : i32
      %add3A_406 = arith.addi %mul3A_128, %add3A_405 : i32
      %get3A_407 = arith.index_cast %add3A_406 : i32 to index
      %get3A_408 = arith.constant 48 : index
      %get3A_409 = tpu.vector_load %arg6[%get3A_407, %get3A_408] {strides = array<i32>} : memref<352x64xi32, #tpu.memory_space<vmem>>, vector<16xi32>,
      %bitcast3A_410 = vector.bitcast %get3A_409 : vector<16xi32> to vector<32xbf16>
      %add3A_411 = arith.constant 6 : i32
      %add3A_412 = arith.addi %mul3A_128, %add3A_411 : i32
      %get3A_413 = arith.index_cast %add3A_412 : i32 to index
      %get3A_414 = arith.constant 48 : index
      %get3A_415 = tpu.vector_load %arg6[%get3A_413, %get3A_414] {strides = array<i32>} : memref<352x64xi32, #tpu.memory_space<vmem>>, vector<16xi32>,
      %bitcast3A_416 = vector.bitcast %get3A_415 : vector<16xi32> to vector<32xbf16>
      %add3A_417 = arith.constant 7 : i32
      %add3A_418 = arith.addi %mul3A_128, %add3A_417 : i32
      %get3A_419 = arith.index_cast %add3A_418 : i32 to index
      %get3A_420 = arith.constant 48 : index
      %get3A_421 = tpu.vector_load %arg6[%get3A_419, %get3A_420] {strides = array<i32>} : memref<352x64xi32, #tpu.memory_space<vmem>>, vector<16xi32>,
      %bitcast3A_422 = vector.bitcast %get3A_421 : vector<16xi32> to vector<32xbf16>
      %add3A_423 = arith.constant 8 : i32
      %add3A_424 = arith.addi %mul3A_128, %add3A_423 : i32
      %get3A_425 = arith.index_cast %add3A_424 : i32 to index
      %get3A_426 = arith.constant 48 : index
      %get3A_427 = tpu.vector_load %arg6[%get3A_425, %get3A_426] {strides = array<i32>} : memref<352x64xi32, #tpu.memory_space<vmem>>, vector<16xi32>,
      %bitcast3A_428 = vector.bitcast %get3A_427 : vector<16xi32> to vector<32xbf16>
      %add3A_429 = arith.constant 9 : i32
      %add3A_430 = arith.addi %mul3A_128, %add3A_429 : i32
      %get3A_431 = arith.index_cast %add3A_430 : i32 to index
      %get3A_432 = arith.constant 48 : index
      %get3A_433 = tpu.vector_load %arg6[%get3A_431, %get3A_432] {strides = array<i32>} : memref<352x64xi32, #tpu.memory_space<vmem>>, vector<16xi32>,
      %bitcast3A_434 = vector.bitcast %get3A_433 : vector<16xi32> to vector<32xbf16>
      %add3A_435 = arith.constant 10 : i32
      %add3A_436 = arith.addi %mul3A_128, %add3A_435 : i32
      %get3A_437 = arith.index_cast %add3A_436 : i32 to index
      %get3A_438 = arith.constant 48 : index
      %get3A_439 = tpu.vector_load %arg6[%get3A_437, %get3A_438] {strides = array<i32>} : memref<352x64xi32, #tpu.memory_space<vmem>>, vector<16xi32>,
      %bitcast3A_440 = vector.bitcast %get3A_439 : vector<16xi32> to vector<32xbf16>
      %add3A_441 = arith.addf %bitcast3A_380, %bitcast3A_386 : vector<32xbf16>
      %add3A_442 = arith.addf %bitcast3A_392, %bitcast3A_398 : vector<32xbf16>
      %add3A_443 = arith.addf %bitcast3A_404, %bitcast3A_410 : vector<32xbf16>
      %add3A_444 = arith.addf %bitcast3A_416, %bitcast3A_422 : vector<32xbf16>
      %add3A_445 = arith.addf %bitcast3A_428, %bitcast3A_434 : vector<32xbf16>
      %add3A_446 = arith.addf %add3A_441, %add3A_442 : vector<32xbf16>
      %add3A_447 = arith.addf %add3A_443, %add3A_444 : vector<32xbf16>
      %add3A_448 = arith.addf %add3A_445, %bitcast3A_440 : vector<32xbf16>
      %add3A_449 = arith.addf %add3A_446, %add3A_447 : vector<32xbf16>
      %add3A_450 = arith.addf %add3A_449, %add3A_448 : vector<32xbf16>
      %mul3A_451 = arith.constant 9.082030e-02 : bf16
      %mul3A_452 = vector.broadcast %mul3A_451 : bf16 to vector<32xbf16>
      %mul3A_453 = arith.mulf %add3A_450, %mul3A_452 : vector<32xbf16>
      %bitcast3A_454 = vector.bitcast %mul3A_453 : vector<32xbf16> to vector<16xi32>
      %swap3A_455 = arith.index_cast %add3A_126 : i32 to index
      %swap3A_456 = arith.constant 48 : index
      %swap3A_457 = tpu.vector_load %arg8[%swap3A_455, %swap3A_456] {strides = array<i32>} : memref<32x64xi32, #tpu.memory_space<vmem>>, vector<16xi32>,
      tpu.vector_store %arg8[%swap3A_455, %swap3A_456], %bitcast3A_454 {strides = array<i32>} : memref<32x64xi32, #tpu.memory_space<vmem>>, vector<16xi32>,
    }
    %scan3A_63 = arith.constant 32 : i32
    %sub3A_64 = arith.constant 2 : i32
    %sub3A_65 = arith.subi %select_n3A_8, %sub3A_64 : i32
    %mul3A_66 = arith.constant 32 : i32
    %mul3A_67 = arith.muli %sub3A_65, %mul3A_66 : i32
    %add3A_68 = arith.addi %select_n3A, %mul3A_67 : i32
    %dma_start3A_69 = arith.constant 0 : i32
    %dma_start3A_70 = tpu.memref_slice %arg4[%add3A_68, %dma_start3A_69] : memref<51200x64xi32, #tpu.memory_space<hbm>> -> memref<32x64xi32, #tpu.memory_space<hbm>>
    %dma_start3A_71 = arith.constant 0 : i32
    %dma_start3A_72 = tpu.memref_slice %arg4[%add3A_68, %dma_start3A_71] : memref<51200x64xi32, #tpu.memory_space<hbm>> -> memref<32x64xi32, #tpu.memory_space<hbm>>
    tpu.enqueue_dma source(%arg8 : memref<32x64xi32, #tpu.memory_space<vmem>>) target(%dma_start3A_72 : memref<32x64xi32, #tpu.memory_space<hbm>>) target_semaphore(%arg12 : memref<!tpu.dma_semaphore, #tpu.memory_space<semaphore_mem>>)
    %sub3A_73 = arith.constant 1 : i32
    %sub3A_74 = arith.subi %select_n3A_8, %sub3A_73 : i32
    %mul3A_75 = arith.constant 352 : i32
    %mul3A_76 = arith.muli %sub3A_74, %mul3A_75 : i32
    %dma_wait3A_77 = tpu.memref_slice %arg5[%mul3A_76] : memref<30976xi32, #tpu.memory_space<vmem>> -> memref<352xi32, #tpu.memory_space<vmem>>
    %dma_wait3A_78 = arith.constant 0 : i32
    %dma_wait3A_79 = arith.constant 0 : i32
    %dma_wait3A_80 = tpu.memref_slice %arg3[%dma_wait3A_78, %dma_wait3A_79] : memref<50000x64xi32, #tpu.memory_space<hbm>> -> memref<50000x64xi32, #tpu.memory_space<hbm>>
    tpu.wait_indirect_dma semaphore(%arg11 : memref<!tpu.dma_semaphore, #tpu.memory_space<semaphore_mem>>) src(%dma_wait3A_80 : memref<50000x64xi32, #tpu.memory_space<hbm>>) dst(%arg7 : memref<352x64xi32, #tpu.memory_space<vmem>>)
    %sub3A_81 = arith.constant 3 : i32
    %sub3A_82 = arith.subi %select_n3A_8, %sub3A_81 : i32
    %mul3A_83 = arith.constant 32 : i32
    %mul3A_84 = arith.muli %sub3A_82, %mul3A_83 : i32
    %add3A_85 = arith.addi %select_n3A, %mul3A_84 : i32
    %dma_wait3A_86 = arith.constant 0 : i32
    %dma_wait3A_87 = tpu.memref_slice %arg4[%add3A_85, %dma_wait3A_86] : memref<51200x64xi32, #tpu.memory_space<hbm>> -> memref<32x64xi32, #tpu.memory_space<hbm>>
    %dma_wait3A_88 = arith.constant 0 : i32
    %dma_wait3A_89 = tpu.memref_slice %arg4[%add3A_85, %dma_wait3A_88] : memref<51200x64xi32, #tpu.memory_space<hbm>> -> memref<32x64xi32, #tpu.memory_space<hbm>>
    tpu.wait_dma2 semaphore(%arg13 : memref<!tpu.dma_semaphore, #tpu.memory_space<semaphore_mem>>) src(%arg9 : memref<32x64xi32, #tpu.memory_space<vmem>>) dst(%dma_wait3A_89 : memref<32x64xi32, #tpu.memory_space<hbm>>)
    %scan3A_90 = arith.constant 0 : i32
    %scan3A_91 = arith.constant 32 : i32
    %scan3A_92 = arith.addi %scan3A_90, %scan3A_91 : i32
    %scan3A_93 = arith.constant 1 : i32
    scf.for %scan3A_122 = %scan3A_90 to %scan3A_92 step %scan3A_93  : i32 {
      %mul3A_123 = arith.constant 1 : i32
      %mul3A_124 = arith.muli %scan3A_122, %mul3A_123 : i32
      %add3A_125 = arith.constant 0 : i32
      %add3A_126 = arith.addi %add3A_125, %mul3A_124 : i32
      %mul3A_127 = arith.constant 11 : i32
      %mul3A_128 = arith.muli %add3A_126, %mul3A_127 : i32
      %add3A_129 = arith.constant 0 : i32
      %add3A_130 = arith.addi %mul3A_128, %add3A_129 : i32
      %get3A = arith.index_cast %add3A_130 : i32 to index
      %get3A_131 = arith.constant 0 : index
      %get3A_132 = tpu.vector_load %arg7[%get3A, %get3A_131] {strides = array<i32>} : memref<352x64xi32, #tpu.memory_space<vmem>>, vector<16xi32>,
      %bitcast3A = vector.bitcast %get3A_132 : vector<16xi32> to vector<32xbf16>
      %add3A_133 = arith.constant 1 : i32
      %add3A_134 = arith.addi %mul3A_128, %add3A_133 : i32
      %get3A_135 = arith.index_cast %add3A_134 : i32 to index
      %get3A_136 = arith.constant 0 : index
      %get3A_137 = tpu.vector_load %arg7[%get3A_135, %get3A_136] {strides = array<i32>} : memref<352x64xi32, #tpu.memory_space<vmem>>, vector<16xi32>,
      %bitcast3A_138 = vector.bitcast %get3A_137 : vector<16xi32> to vector<32xbf16>
      %add3A_139 = arith.constant 2 : i32
      %add3A_140 = arith.addi %mul3A_128, %add3A_139 : i32
      %get3A_141 = arith.index_cast %add3A_140 : i32 to index
      %get3A_142 = arith.constant 0 : index
      %get3A_143 = tpu.vector_load %arg7[%get3A_141, %get3A_142] {strides = array<i32>} : memref<352x64xi32, #tpu.memory_space<vmem>>, vector<16xi32>,
      %bitcast3A_144 = vector.bitcast %get3A_143 : vector<16xi32> to vector<32xbf16>
      %add3A_145 = arith.constant 3 : i32
      %add3A_146 = arith.addi %mul3A_128, %add3A_145 : i32
      %get3A_147 = arith.index_cast %add3A_146 : i32 to index
      %get3A_148 = arith.constant 0 : index
      %get3A_149 = tpu.vector_load %arg7[%get3A_147, %get3A_148] {strides = array<i32>} : memref<352x64xi32, #tpu.memory_space<vmem>>, vector<16xi32>,
      %bitcast3A_150 = vector.bitcast %get3A_149 : vector<16xi32> to vector<32xbf16>
      %add3A_151 = arith.constant 4 : i32
      %add3A_152 = arith.addi %mul3A_128, %add3A_151 : i32
      %get3A_153 = arith.index_cast %add3A_152 : i32 to index
      %get3A_154 = arith.constant 0 : index
      %get3A_155 = tpu.vector_load %arg7[%get3A_153, %get3A_154] {strides = array<i32>} : memref<352x64xi32, #tpu.memory_space<vmem>>, vector<16xi32>,
      %bitcast3A_156 = vector.bitcast %get3A_155 : vector<16xi32> to vector<32xbf16>
      %add3A_157 = arith.constant 5 : i32
      %add3A_158 = arith.addi %mul3A_128, %add3A_157 : i32
      %get3A_159 = arith.index_cast %add3A_158 : i32 to index
      %get3A_160 = arith.constant 0 : index
      %get3A_161 = tpu.vector_load %arg7[%get3A_159, %get3A_160] {strides = array<i32>} : memref<352x64xi32, #tpu.memory_space<vmem>>, vector<16xi32>,
      %bitcast3A_162 = vector.bitcast %get3A_161 : vector<16xi32> to vector<32xbf16>
      %add3A_163 = arith.constant 6 : i32
      %add3A_164 = arith.addi %mul3A_128, %add3A_163 : i32
      %get3A_165 = arith.index_cast %add3A_164 : i32 to index
      %get3A_166 = arith.constant 0 : index
      %get3A_167 = tpu.vector_load %arg7[%get3A_165, %get3A_166] {strides = array<i32>} : memref<352x64xi32, #tpu.memory_space<vmem>>, vector<16xi32>,
      %bitcast3A_168 = vector.bitcast %get3A_167 : vector<16xi32> to vector<32xbf16>
      %add3A_169 = arith.constant 7 : i32
      %add3A_170 = arith.addi %mul3A_128, %add3A_169 : i32
      %get3A_171 = arith.index_cast %add3A_170 : i32 to index
      %get3A_172 = arith.constant 0 : index
      %get3A_173 = tpu.vector_load %arg7[%get3A_171, %get3A_172] {strides = array<i32>} : memref<352x64xi32, #tpu.memory_space<vmem>>, vector<16xi32>,
      %bitcast3A_174 = vector.bitcast %get3A_173 : vector<16xi32> to vector<32xbf16>
      %add3A_175 = arith.constant 8 : i32
      %add3A_176 = arith.addi %mul3A_128, %add3A_175 : i32
      %get3A_177 = arith.index_cast %add3A_176 : i32 to index
      %get3A_178 = arith.constant 0 : index
      %get3A_179 = tpu.vector_load %arg7[%get3A_177, %get3A_178] {strides = array<i32>} : memref<352x64xi32, #tpu.memory_space<vmem>>, vector<16xi32>,
      %bitcast3A_180 = vector.bitcast %get3A_179 : vector<16xi32> to vector<32xbf16>
      %add3A_181 = arith.constant 9 : i32
      %add3A_182 = arith.addi %mul3A_128, %add3A_181 : i32
      %get3A_183 = arith.index_cast %add3A_182 : i32 to index
      %get3A_184 = arith.constant 0 : index
      %get3A_185 = tpu.vector_load %arg7[%get3A_183, %get3A_184] {strides = array<i32>} : memref<352x64xi32, #tpu.memory_space<vmem>>, vector<16xi32>,
      %bitcast3A_186 = vector.bitcast %get3A_185 : vector<16xi32> to vector<32xbf16>
      %add3A_187 = arith.constant 10 : i32
      %add3A_188 = arith.addi %mul3A_128, %add3A_187 : i32
      %get3A_189 = arith.index_cast %add3A_188 : i32 to index
      %get3A_190 = arith.constant 0 : index
      %get3A_191 = tpu.vector_load %arg7[%get3A_189, %get3A_190] {strides = array<i32>} : memref<352x64xi32, #tpu.memory_space<vmem>>, vector<16xi32>,
      %bitcast3A_192 = vector.bitcast %get3A_191 : vector<16xi32> to vector<32xbf16>
      %add3A_193 = arith.addf %bitcast3A, %bitcast3A_138 : vector<32xbf16>
      %add3A_194 = arith.addf %bitcast3A_144, %bitcast3A_150 : vector<32xbf16>
      %add3A_195 = arith.addf %bitcast3A_156, %bitcast3A_162 : vector<32xbf16>
      %add3A_196 = arith.addf %bitcast3A_168, %bitcast3A_174 : vector<32xbf16>
      %add3A_197 = arith.addf %bitcast3A_180, %bitcast3A_186 : vector<32xbf16>
      %add3A_198 = arith.addf %add3A_193, %add3A_194 : vector<32xbf16>
      %add3A_199 = arith.addf %add3A_195, %add3A_196 : vector<32xbf16>
      %add3A_200 = arith.addf %add3A_197, %bitcast3A_192 : vector<32xbf16>
      %add3A_201 = arith.addf %add3A_198, %add3A_199 : vector<32xbf16>
      %add3A_202 = arith.addf %add3A_201, %add3A_200 : vector<32xbf16>
      %mul3A_203 = arith.constant 9.082030e-02 : bf16
      %mul3A_204 = vector.broadcast %mul3A_203 : bf16 to vector<32xbf16>
      %mul3A_205 = arith.mulf %add3A_202, %mul3A_204 : vector<32xbf16>
      %bitcast3A_206 = vector.bitcast %mul3A_205 : vector<32xbf16> to vector<16xi32>
      %swap3A = arith.index_cast %add3A_126 : i32 to index
      %swap3A_207 = arith.constant 0 : index
      %swap3A_208 = tpu.vector_load %arg9[%swap3A, %swap3A_207] {strides = array<i32>} : memref<32x64xi32, #tpu.memory_space<vmem>>, vector<16xi32>,
      tpu.vector_store %arg9[%swap3A, %swap3A_207], %bitcast3A_206 {strides = array<i32>} : memref<32x64xi32, #tpu.memory_space<vmem>>, vector<16xi32>,
      %add3A_209 = arith.constant 0 : i32
      %add3A_210 = arith.addi %mul3A_128, %add3A_209 : i32
      %get3A_211 = arith.index_cast %add3A_210 : i32 to index
      %get3A_212 = arith.constant 16 : index
      %get3A_213 = tpu.vector_load %arg7[%get3A_211, %get3A_212] {strides = array<i32>} : memref<352x64xi32, #tpu.memory_space<vmem>>, vector<16xi32>,
      %bitcast3A_214 = vector.bitcast %get3A_213 : vector<16xi32> to vector<32xbf16>
      %add3A_215 = arith.constant 1 : i32
      %add3A_216 = arith.addi %mul3A_128, %add3A_215 : i32
      %get3A_217 = arith.index_cast %add3A_216 : i32 to index
      %get3A_218 = arith.constant 16 : index
      %get3A_219 = tpu.vector_load %arg7[%get3A_217, %get3A_218] {strides = array<i32>} : memref<352x64xi32, #tpu.memory_space<vmem>>, vector<16xi32>,
      %bitcast3A_220 = vector.bitcast %get3A_219 : vector<16xi32> to vector<32xbf16>
      %add3A_221 = arith.constant 2 : i32
      %add3A_222 = arith.addi %mul3A_128, %add3A_221 : i32
      %get3A_223 = arith.index_cast %add3A_222 : i32 to index
      %get3A_224 = arith.constant 16 : index
      %get3A_225 = tpu.vector_load %arg7[%get3A_223, %get3A_224] {strides = array<i32>} : memref<352x64xi32, #tpu.memory_space<vmem>>, vector<16xi32>,
      %bitcast3A_226 = vector.bitcast %get3A_225 : vector<16xi32> to vector<32xbf16>
      %add3A_227 = arith.constant 3 : i32
      %add3A_228 = arith.addi %mul3A_128, %add3A_227 : i32
      %get3A_229 = arith.index_cast %add3A_228 : i32 to index
      %get3A_230 = arith.constant 16 : index
      %get3A_231 = tpu.vector_load %arg7[%get3A_229, %get3A_230] {strides = array<i32>} : memref<352x64xi32, #tpu.memory_space<vmem>>, vector<16xi32>,
      %bitcast3A_232 = vector.bitcast %get3A_231 : vector<16xi32> to vector<32xbf16>
      %add3A_233 = arith.constant 4 : i32
      %add3A_234 = arith.addi %mul3A_128, %add3A_233 : i32
      %get3A_235 = arith.index_cast %add3A_234 : i32 to index
      %get3A_236 = arith.constant 16 : index
      %get3A_237 = tpu.vector_load %arg7[%get3A_235, %get3A_236] {strides = array<i32>} : memref<352x64xi32, #tpu.memory_space<vmem>>, vector<16xi32>,
      %bitcast3A_238 = vector.bitcast %get3A_237 : vector<16xi32> to vector<32xbf16>
      %add3A_239 = arith.constant 5 : i32
      %add3A_240 = arith.addi %mul3A_128, %add3A_239 : i32
      %get3A_241 = arith.index_cast %add3A_240 : i32 to index
      %get3A_242 = arith.constant 16 : index
      %get3A_243 = tpu.vector_load %arg7[%get3A_241, %get3A_242] {strides = array<i32>} : memref<352x64xi32, #tpu.memory_space<vmem>>, vector<16xi32>,
      %bitcast3A_244 = vector.bitcast %get3A_243 : vector<16xi32> to vector<32xbf16>
      %add3A_245 = arith.constant 6 : i32
      %add3A_246 = arith.addi %mul3A_128, %add3A_245 : i32
      %get3A_247 = arith.index_cast %add3A_246 : i32 to index
      %get3A_248 = arith.constant 16 : index
      %get3A_249 = tpu.vector_load %arg7[%get3A_247, %get3A_248] {strides = array<i32>} : memref<352x64xi32, #tpu.memory_space<vmem>>, vector<16xi32>,
      %bitcast3A_250 = vector.bitcast %get3A_249 : vector<16xi32> to vector<32xbf16>
      %add3A_251 = arith.constant 7 : i32
      %add3A_252 = arith.addi %mul3A_128, %add3A_251 : i32
      %get3A_253 = arith.index_cast %add3A_252 : i32 to index
      %get3A_254 = arith.constant 16 : index
      %get3A_255 = tpu.vector_load %arg7[%get3A_253, %get3A_254] {strides = array<i32>} : memref<352x64xi32, #tpu.memory_space<vmem>>, vector<16xi32>,
      %bitcast3A_256 = vector.bitcast %get3A_255 : vector<16xi32> to vector<32xbf16>
      %add3A_257 = arith.constant 8 : i32
      %add3A_258 = arith.addi %mul3A_128, %add3A_257 : i32
      %get3A_259 = arith.index_cast %add3A_258 : i32 to index
      %get3A_260 = arith.constant 16 : index
      %get3A_261 = tpu.vector_load %arg7[%get3A_259, %get3A_260] {strides = array<i32>} : memref<352x64xi32, #tpu.memory_space<vmem>>, vector<16xi32>,
      %bitcast3A_262 = vector.bitcast %get3A_261 : vector<16xi32> to vector<32xbf16>
      %add3A_263 = arith.constant 9 : i32
      %add3A_264 = arith.addi %mul3A_128, %add3A_263 : i32
      %get3A_265 = arith.index_cast %add3A_264 : i32 to index
      %get3A_266 = arith.constant 16 : index
      %get3A_267 = tpu.vector_load %arg7[%get3A_265, %get3A_266] {strides = array<i32>} : memref<352x64xi32, #tpu.memory_space<vmem>>, vector<16xi32>,
      %bitcast3A_268 = vector.bitcast %get3A_267 : vector<16xi32> to vector<32xbf16>
      %add3A_269 = arith.constant 10 : i32
      %add3A_270 = arith.addi %mul3A_128, %add3A_269 : i32
      %get3A_271 = arith.index_cast %add3A_270 : i32 to index
      %get3A_272 = arith.constant 16 : index
      %get3A_273 = tpu.vector_load %arg7[%get3A_271, %get3A_272] {strides = array<i32>} : memref<352x64xi32, #tpu.memory_space<vmem>>, vector<16xi32>,
      %bitcast3A_274 = vector.bitcast %get3A_273 : vector<16xi32> to vector<32xbf16>
      %add3A_275 = arith.addf %bitcast3A_214, %bitcast3A_220 : vector<32xbf16>
      %add3A_276 = arith.addf %bitcast3A_226, %bitcast3A_232 : vector<32xbf16>
      %add3A_277 = arith.addf %bitcast3A_238, %bitcast3A_244 : vector<32xbf16>
      %add3A_278 = arith.addf %bitcast3A_250, %bitcast3A_256 : vector<32xbf16>
      %add3A_279 = arith.addf %bitcast3A_262, %bitcast3A_268 : vector<32xbf16>
      %add3A_280 = arith.addf %add3A_275, %add3A_276 : vector<32xbf16>
      %add3A_281 = arith.addf %add3A_277, %add3A_278 : vector<32xbf16>
      %add3A_282 = arith.addf %add3A_279, %bitcast3A_274 : vector<32xbf16>
      %add3A_283 = arith.addf %add3A_280, %add3A_281 : vector<32xbf16>
      %add3A_284 = arith.addf %add3A_283, %add3A_282 : vector<32xbf16>
      %mul3A_285 = arith.constant 9.082030e-02 : bf16
      %mul3A_286 = vector.broadcast %mul3A_285 : bf16 to vector<32xbf16>
      %mul3A_287 = arith.mulf %add3A_284, %mul3A_286 : vector<32xbf16>
      %bitcast3A_288 = vector.bitcast %mul3A_287 : vector<32xbf16> to vector<16xi32>
      %swap3A_289 = arith.index_cast %add3A_126 : i32 to index
      %swap3A_290 = arith.constant 16 : index
      %swap3A_291 = tpu.vector_load %arg9[%swap3A_289, %swap3A_290] {strides = array<i32>} : memref<32x64xi32, #tpu.memory_space<vmem>>, vector<16xi32>,
      tpu.vector_store %arg9[%swap3A_289, %swap3A_290], %bitcast3A_288 {strides = array<i32>} : memref<32x64xi32, #tpu.memory_space<vmem>>, vector<16xi32>,
      %add3A_292 = arith.constant 0 : i32
      %add3A_293 = arith.addi %mul3A_128, %add3A_292 : i32
      %get3A_294 = arith.index_cast %add3A_293 : i32 to index
      %get3A_295 = arith.constant 32 : index
      %get3A_296 = tpu.vector_load %arg7[%get3A_294, %get3A_295] {strides = array<i32>} : memref<352x64xi32, #tpu.memory_space<vmem>>, vector<16xi32>,
      %bitcast3A_297 = vector.bitcast %get3A_296 : vector<16xi32> to vector<32xbf16>
      %add3A_298 = arith.constant 1 : i32
      %add3A_299 = arith.addi %mul3A_128, %add3A_298 : i32
      %get3A_300 = arith.index_cast %add3A_299 : i32 to index
      %get3A_301 = arith.constant 32 : index
      %get3A_302 = tpu.vector_load %arg7[%get3A_300, %get3A_301] {strides = array<i32>} : memref<352x64xi32, #tpu.memory_space<vmem>>, vector<16xi32>,
      %bitcast3A_303 = vector.bitcast %get3A_302 : vector<16xi32> to vector<32xbf16>
      %add3A_304 = arith.constant 2 : i32
      %add3A_305 = arith.addi %mul3A_128, %add3A_304 : i32
      %get3A_306 = arith.index_cast %add3A_305 : i32 to index
      %get3A_307 = arith.constant 32 : index
      %get3A_308 = tpu.vector_load %arg7[%get3A_306, %get3A_307] {strides = array<i32>} : memref<352x64xi32, #tpu.memory_space<vmem>>, vector<16xi32>,
      %bitcast3A_309 = vector.bitcast %get3A_308 : vector<16xi32> to vector<32xbf16>
      %add3A_310 = arith.constant 3 : i32
      %add3A_311 = arith.addi %mul3A_128, %add3A_310 : i32
      %get3A_312 = arith.index_cast %add3A_311 : i32 to index
      %get3A_313 = arith.constant 32 : index
      %get3A_314 = tpu.vector_load %arg7[%get3A_312, %get3A_313] {strides = array<i32>} : memref<352x64xi32, #tpu.memory_space<vmem>>, vector<16xi32>,
      %bitcast3A_315 = vector.bitcast %get3A_314 : vector<16xi32> to vector<32xbf16>
      %add3A_316 = arith.constant 4 : i32
      %add3A_317 = arith.addi %mul3A_128, %add3A_316 : i32
      %get3A_318 = arith.index_cast %add3A_317 : i32 to index
      %get3A_319 = arith.constant 32 : index
      %get3A_320 = tpu.vector_load %arg7[%get3A_318, %get3A_319] {strides = array<i32>} : memref<352x64xi32, #tpu.memory_space<vmem>>, vector<16xi32>,
      %bitcast3A_321 = vector.bitcast %get3A_320 : vector<16xi32> to vector<32xbf16>
      %add3A_322 = arith.constant 5 : i32
      %add3A_323 = arith.addi %mul3A_128, %add3A_322 : i32
      %get3A_324 = arith.index_cast %add3A_323 : i32 to index
      %get3A_325 = arith.constant 32 : index
      %get3A_326 = tpu.vector_load %arg7[%get3A_324, %get3A_325] {strides = array<i32>} : memref<352x64xi32, #tpu.memory_space<vmem>>, vector<16xi32>,
      %bitcast3A_327 = vector.bitcast %get3A_326 : vector<16xi32> to vector<32xbf16>
      %add3A_328 = arith.constant 6 : i32
      %add3A_329 = arith.addi %mul3A_128, %add3A_328 : i32
      %get3A_330 = arith.index_cast %add3A_329 : i32 to index
      %get3A_331 = arith.constant 32 : index
      %get3A_332 = tpu.vector_load %arg7[%get3A_330, %get3A_331] {strides = array<i32>} : memref<352x64xi32, #tpu.memory_space<vmem>>, vector<16xi32>,
      %bitcast3A_333 = vector.bitcast %get3A_332 : vector<16xi32> to vector<32xbf16>
      %add3A_334 = arith.constant 7 : i32
      %add3A_335 = arith.addi %mul3A_128, %add3A_334 : i32
      %get3A_336 = arith.index_cast %add3A_335 : i32 to index
      %get3A_337 = arith.constant 32 : index
      %get3A_338 = tpu.vector_load %arg7[%get3A_336, %get3A_337] {strides = array<i32>} : memref<352x64xi32, #tpu.memory_space<vmem>>, vector<16xi32>,
      %bitcast3A_339 = vector.bitcast %get3A_338 : vector<16xi32> to vector<32xbf16>
      %add3A_340 = arith.constant 8 : i32
      %add3A_341 = arith.addi %mul3A_128, %add3A_340 : i32
      %get3A_342 = arith.index_cast %add3A_341 : i32 to index
      %get3A_343 = arith.constant 32 : index
      %get3A_344 = tpu.vector_load %arg7[%get3A_342, %get3A_343] {strides = array<i32>} : memref<352x64xi32, #tpu.memory_space<vmem>>, vector<16xi32>,
      %bitcast3A_345 = vector.bitcast %get3A_344 : vector<16xi32> to vector<32xbf16>
      %add3A_346 = arith.constant 9 : i32
      %add3A_347 = arith.addi %mul3A_128, %add3A_346 : i32
      %get3A_348 = arith.index_cast %add3A_347 : i32 to index
      %get3A_349 = arith.constant 32 : index
      %get3A_350 = tpu.vector_load %arg7[%get3A_348, %get3A_349] {strides = array<i32>} : memref<352x64xi32, #tpu.memory_space<vmem>>, vector<16xi32>,
      %bitcast3A_351 = vector.bitcast %get3A_350 : vector<16xi32> to vector<32xbf16>
      %add3A_352 = arith.constant 10 : i32
      %add3A_353 = arith.addi %mul3A_128, %add3A_352 : i32
      %get3A_354 = arith.index_cast %add3A_353 : i32 to index
      %get3A_355 = arith.constant 32 : index
      %get3A_356 = tpu.vector_load %arg7[%get3A_354, %get3A_355] {strides = array<i32>} : memref<352x64xi32, #tpu.memory_space<vmem>>, vector<16xi32>,
      %bitcast3A_357 = vector.bitcast %get3A_356 : vector<16xi32> to vector<32xbf16>
      %add3A_358 = arith.addf %bitcast3A_297, %bitcast3A_303 : vector<32xbf16>
      %add3A_359 = arith.addf %bitcast3A_309, %bitcast3A_315 : vector<32xbf16>
      %add3A_360 = arith.addf %bitcast3A_321, %bitcast3A_327 : vector<32xbf16>
      %add3A_361 = arith.addf %bitcast3A_333, %bitcast3A_339 : vector<32xbf16>
      %add3A_362 = arith.addf %bitcast3A_345, %bitcast3A_351 : vector<32xbf16>
      %add3A_363 = arith.addf %add3A_358, %add3A_359 : vector<32xbf16>
      %add3A_364 = arith.addf %add3A_360, %add3A_361 : vector<32xbf16>
      %add3A_365 = arith.addf %add3A_362, %bitcast3A_357 : vector<32xbf16>
      %add3A_366 = arith.addf %add3A_363, %add3A_364 : vector<32xbf16>
      %add3A_367 = arith.addf %add3A_366, %add3A_365 : vector<32xbf16>
      %mul3A_368 = arith.constant 9.082030e-02 : bf16
      %mul3A_369 = vector.broadcast %mul3A_368 : bf16 to vector<32xbf16>
      %mul3A_370 = arith.mulf %add3A_367, %mul3A_369 : vector<32xbf16>
      %bitcast3A_371 = vector.bitcast %mul3A_370 : vector<32xbf16> to vector<16xi32>
      %swap3A_372 = arith.index_cast %add3A_126 : i32 to index
      %swap3A_373 = arith.constant 32 : index
      %swap3A_374 = tpu.vector_load %arg9[%swap3A_372, %swap3A_373] {strides = array<i32>} : memref<32x64xi32, #tpu.memory_space<vmem>>, vector<16xi32>,
      tpu.vector_store %arg9[%swap3A_372, %swap3A_373], %bitcast3A_371 {strides = array<i32>} : memref<32x64xi32, #tpu.memory_space<vmem>>, vector<16xi32>,
      %add3A_375 = arith.constant 0 : i32
      %add3A_376 = arith.addi %mul3A_128, %add3A_375 : i32
      %get3A_377 = arith.index_cast %add3A_376 : i32 to index
      %get3A_378 = arith.constant 48 : index
      %get3A_379 = tpu.vector_load %arg7[%get3A_377, %get3A_378] {strides = array<i32>} : memref<352x64xi32, #tpu.memory_space<vmem>>, vector<16xi32>,
      %bitcast3A_380 = vector.bitcast %get3A_379 : vector<16xi32> to vector<32xbf16>
      %add3A_381 = arith.constant 1 : i32
      %add3A_382 = arith.addi %mul3A_128, %add3A_381 : i32
      %get3A_383 = arith.index_cast %add3A_382 : i32 to index
      %get3A_384 = arith.constant 48 : index
      %get3A_385 = tpu.vector_load %arg7[%get3A_383, %get3A_384] {strides = array<i32>} : memref<352x64xi32, #tpu.memory_space<vmem>>, vector<16xi32>,
      %bitcast3A_386 = vector.bitcast %get3A_385 : vector<16xi32> to vector<32xbf16>
      %add3A_387 = arith.constant 2 : i32
      %add3A_388 = arith.addi %mul3A_128, %add3A_387 : i32
      %get3A_389 = arith.index_cast %add3A_388 : i32 to index
      %get3A_390 = arith.constant 48 : index
      %get3A_391 = tpu.vector_load %arg7[%get3A_389, %get3A_390] {strides = array<i32>} : memref<352x64xi32, #tpu.memory_space<vmem>>, vector<16xi32>,
      %bitcast3A_392 = vector.bitcast %get3A_391 : vector<16xi32> to vector<32xbf16>
      %add3A_393 = arith.constant 3 : i32
      %add3A_394 = arith.addi %mul3A_128, %add3A_393 : i32
      %get3A_395 = arith.index_cast %add3A_394 : i32 to index
      %get3A_396 = arith.constant 48 : index
      %get3A_397 = tpu.vector_load %arg7[%get3A_395, %get3A_396] {strides = array<i32>} : memref<352x64xi32, #tpu.memory_space<vmem>>, vector<16xi32>,
      %bitcast3A_398 = vector.bitcast %get3A_397 : vector<16xi32> to vector<32xbf16>
      %add3A_399 = arith.constant 4 : i32
      %add3A_400 = arith.addi %mul3A_128, %add3A_399 : i32
      %get3A_401 = arith.index_cast %add3A_400 : i32 to index
      %get3A_402 = arith.constant 48 : index
      %get3A_403 = tpu.vector_load %arg7[%get3A_401, %get3A_402] {strides = array<i32>} : memref<352x64xi32, #tpu.memory_space<vmem>>, vector<16xi32>,
      %bitcast3A_404 = vector.bitcast %get3A_403 : vector<16xi32> to vector<32xbf16>
      %add3A_405 = arith.constant 5 : i32
      %add3A_406 = arith.addi %mul3A_128, %add3A_405 : i32
      %get3A_407 = arith.index_cast %add3A_406 : i32 to index
      %get3A_408 = arith.constant 48 : index
      %get3A_409 = tpu.vector_load %arg7[%get3A_407, %get3A_408] {strides = array<i32>} : memref<352x64xi32, #tpu.memory_space<vmem>>, vector<16xi32>,
      %bitcast3A_410 = vector.bitcast %get3A_409 : vector<16xi32> to vector<32xbf16>
      %add3A_411 = arith.constant 6 : i32
      %add3A_412 = arith.addi %mul3A_128, %add3A_411 : i32
      %get3A_413 = arith.index_cast %add3A_412 : i32 to index
      %get3A_414 = arith.constant 48 : index
      %get3A_415 = tpu.vector_load %arg7[%get3A_413, %get3A_414] {strides = array<i32>} : memref<352x64xi32, #tpu.memory_space<vmem>>, vector<16xi32>,
      %bitcast3A_416 = vector.bitcast %get3A_415 : vector<16xi32> to vector<32xbf16>
      %add3A_417 = arith.constant 7 : i32
      %add3A_418 = arith.addi %mul3A_128, %add3A_417 : i32
      %get3A_419 = arith.index_cast %add3A_418 : i32 to index
      %get3A_420 = arith.constant 48 : index
      %get3A_421 = tpu.vector_load %arg7[%get3A_419, %get3A_420] {strides = array<i32>} : memref<352x64xi32, #tpu.memory_space<vmem>>, vector<16xi32>,
      %bitcast3A_422 = vector.bitcast %get3A_421 : vector<16xi32> to vector<32xbf16>
      %add3A_423 = arith.constant 8 : i32
      %add3A_424 = arith.addi %mul3A_128, %add3A_423 : i32
      %get3A_425 = arith.index_cast %add3A_424 : i32 to index
      %get3A_426 = arith.constant 48 : index
      %get3A_427 = tpu.vector_load %arg7[%get3A_425, %get3A_426] {strides = array<i32>} : memref<352x64xi32, #tpu.memory_space<vmem>>, vector<16xi32>,
      %bitcast3A_428 = vector.bitcast %get3A_427 : vector<16xi32> to vector<32xbf16>
      %add3A_429 = arith.constant 9 : i32
      %add3A_430 = arith.addi %mul3A_128, %add3A_429 : i32
      %get3A_431 = arith.index_cast %add3A_430 : i32 to index
      %get3A_432 = arith.constant 48 : index
      %get3A_433 = tpu.vector_load %arg7[%get3A_431, %get3A_432] {strides = array<i32>} : memref<352x64xi32, #tpu.memory_space<vmem>>, vector<16xi32>,
      %bitcast3A_434 = vector.bitcast %get3A_433 : vector<16xi32> to vector<32xbf16>
      %add3A_435 = arith.constant 10 : i32
      %add3A_436 = arith.addi %mul3A_128, %add3A_435 : i32
      %get3A_437 = arith.index_cast %add3A_436 : i32 to index
      %get3A_438 = arith.constant 48 : index
      %get3A_439 = tpu.vector_load %arg7[%get3A_437, %get3A_438] {strides = array<i32>} : memref<352x64xi32, #tpu.memory_space<vmem>>, vector<16xi32>,
      %bitcast3A_440 = vector.bitcast %get3A_439 : vector<16xi32> to vector<32xbf16>
      %add3A_441 = arith.addf %bitcast3A_380, %bitcast3A_386 : vector<32xbf16>
      %add3A_442 = arith.addf %bitcast3A_392, %bitcast3A_398 : vector<32xbf16>
      %add3A_443 = arith.addf %bitcast3A_404, %bitcast3A_410 : vector<32xbf16>
      %add3A_444 = arith.addf %bitcast3A_416, %bitcast3A_422 : vector<32xbf16>
      %add3A_445 = arith.addf %bitcast3A_428, %bitcast3A_434 : vector<32xbf16>
      %add3A_446 = arith.addf %add3A_441, %add3A_442 : vector<32xbf16>
      %add3A_447 = arith.addf %add3A_443, %add3A_444 : vector<32xbf16>
      %add3A_448 = arith.addf %add3A_445, %bitcast3A_440 : vector<32xbf16>
      %add3A_449 = arith.addf %add3A_446, %add3A_447 : vector<32xbf16>
      %add3A_450 = arith.addf %add3A_449, %add3A_448 : vector<32xbf16>
      %mul3A_451 = arith.constant 9.082030e-02 : bf16
      %mul3A_452 = vector.broadcast %mul3A_451 : bf16 to vector<32xbf16>
      %mul3A_453 = arith.mulf %add3A_450, %mul3A_452 : vector<32xbf16>
      %bitcast3A_454 = vector.bitcast %mul3A_453 : vector<32xbf16> to vector<16xi32>
      %swap3A_455 = arith.index_cast %add3A_126 : i32 to index
      %swap3A_456 = arith.constant 48 : index
      %swap3A_457 = tpu.vector_load %arg9[%swap3A_455, %swap3A_456] {strides = array<i32>} : memref<32x64xi32, #tpu.memory_space<vmem>>, vector<16xi32>,
      tpu.vector_store %arg9[%swap3A_455, %swap3A_456], %bitcast3A_454 {strides = array<i32>} : memref<32x64xi32, #tpu.memory_space<vmem>>, vector<16xi32>,
    }
    %scan3A_94 = arith.constant 32 : i32
    %sub3A_95 = arith.constant 1 : i32
    %sub3A_96 = arith.subi %select_n3A_8, %sub3A_95 : i32
    %mul3A_97 = arith.constant 32 : i32
    %mul3A_98 = arith.muli %sub3A_96, %mul3A_97 : i32
    %add3A_99 = arith.addi %select_n3A, %mul3A_98 : i32
    %dma_start3A_100 = arith.constant 0 : i32
    %dma_start3A_101 = tpu.memref_slice %arg4[%add3A_99, %dma_start3A_100] : memref<51200x64xi32, #tpu.memory_space<hbm>> -> memref<32x64xi32, #tpu.memory_space<hbm>>
    %dma_start3A_102 = arith.constant 0 : i32
    %dma_start3A_103 = tpu.memref_slice %arg4[%add3A_99, %dma_start3A_102] : memref<51200x64xi32, #tpu.memory_space<hbm>> -> memref<32x64xi32, #tpu.memory_space<hbm>>
    tpu.enqueue_dma source(%arg9 : memref<32x64xi32, #tpu.memory_space<vmem>>) target(%dma_start3A_103 : memref<32x64xi32, #tpu.memory_space<hbm>>) target_semaphore(%arg13 : memref<!tpu.dma_semaphore, #tpu.memory_space<semaphore_mem>>)
    %sub3A_104 = arith.constant 2 : i32
    %sub3A_105 = arith.subi %select_n3A_8, %sub3A_104 : i32
    %mul3A_106 = arith.constant 32 : i32
    %mul3A_107 = arith.muli %sub3A_105, %mul3A_106 : i32
    %add3A_108 = arith.addi %select_n3A, %mul3A_107 : i32
    %dma_wait3A_109 = arith.constant 0 : i32
    %dma_wait3A_110 = tpu.memref_slice %arg4[%add3A_108, %dma_wait3A_109] : memref<51200x64xi32, #tpu.memory_space<hbm>> -> memref<32x64xi32, #tpu.memory_space<hbm>>
    %dma_wait3A_111 = arith.constant 0 : i32
    %dma_wait3A_112 = tpu.memref_slice %arg4[%add3A_108, %dma_wait3A_111] : memref<51200x64xi32, #tpu.memory_space<hbm>> -> memref<32x64xi32, #tpu.memory_space<hbm>>
    tpu.wait_dma2 semaphore(%arg12 : memref<!tpu.dma_semaphore, #tpu.memory_space<semaphore_mem>>) src(%arg8 : memref<32x64xi32, #tpu.memory_space<vmem>>) dst(%dma_wait3A_112 : memref<32x64xi32, #tpu.memory_space<hbm>>)
    %sub3A_113 = arith.constant 1 : i32
    %sub3A_114 = arith.subi %select_n3A_8, %sub3A_113 : i32
    %mul3A_115 = arith.constant 32 : i32
    %mul3A_116 = arith.muli %sub3A_114, %mul3A_115 : i32
    %add3A_117 = arith.addi %select_n3A, %mul3A_116 : i32
    %dma_wait3A_118 = arith.constant 0 : i32
    %dma_wait3A_119 = tpu.memref_slice %arg4[%add3A_117, %dma_wait3A_118] : memref<51200x64xi32, #tpu.memory_space<hbm>> -> memref<32x64xi32, #tpu.memory_space<hbm>>
    %dma_wait3A_120 = arith.constant 0 : i32
    %dma_wait3A_121 = tpu.memref_slice %arg4[%add3A_117, %dma_wait3A_120] : memref<51200x64xi32, #tpu.memory_space<hbm>> -> memref<32x64xi32, #tpu.memory_space<hbm>>
    tpu.wait_dma2 semaphore(%arg13 : memref<!tpu.dma_semaphore, #tpu.memory_space<semaphore_mem>>) src(%arg9 : memref<32x64xi32, #tpu.memory_space<vmem>>) dst(%dma_wait3A_121 : memref<32x64xi32, #tpu.memory_space<hbm>>)
    return
  }
}

</mosaic_0001>

<sc_bundles>
// kernel: kernel.3.cloned.1.call-start
scs
__scs_entry_jumppad:
0x0: {  	(pc) =	sbr.rel $0x88, $3  }
0x1: {  	(tag) =	ssettag $0x0;
	lr =	simm.s32 $0x1  }
0x2: {  	[smem:$0x3F9E] =	sst lr;
	_ =	strace $0xD0000000  }
0x3: {  	_ = 	snop  }
0x4: {  	_ = 	snop  }
0x5: {  	_ = 	snop  }
0x6: {  	_ = 	snop  }
0x7: {  	_ = 	snop  }
__scs_overlays_trampoline_lowered:
0x8: {  	[smem:$0x3FAD] =	sst s0  }
0x9: {  	[smem:$0x3FAE] =	sst s1  }
0xa: {  	[smem:$0x3FAF] =	sst s2  }
0xb: {  	[smem:$0x3FB0] =	sst s3  }
0xc: {  	[smem:$0x3FB1] =	sst s4  }
0xd: {  	[smem:$0x3FB2] =	sst s5  }
0xe: {  	[smem:$0x3FB3] =	sst s6  }
0xf: {  	[smem:$0x3FB4] =	sst s7  }
0x10: {  	[smem:$0x3FB5] =	sst s8  }
0x11: {  	[smem:$0x3FB6] =	sst s9;
	s0 =	simm.s32 @!p0 $0x0  }
0x12: {  	s1 =	sld [smem:$0x3F9C];
	s0 =	simm.s32 @p0 $0x1  }
0x13: {  	[smem:$0x3FB7] =	sst s0;
	s0 =	simm.s32 @!p1 $0x0  }
0x14: {  	s2 =	sld [smem:$0x3F9B];
	s0 =	simm.s32 @p1 $0x1  }
0x15: {  	[smem:$0x3FB8] =	sst s0;
	s0 =	simm.s32 @!p2 $0x0  }
0x16: {  	s3 =	sld [smem:$0x3FDB];
	s0 =	simm.s32 @p2 $0x1  }
0x17: {  	s4 =	simm.s32 $0x1BF5;
	[smem:$0x3FBA] =	sst s0  }
0x18: {  	s0 =	sld [smem:$0x3F9D];
	_ =	swait.ge [sflag:s4], $0x0  }
0x19: {  	s7 =	sld [smem:$0x3F9E]  }
0x1a: {  	s8 =	sadd.s32 $0xFFFFE003, lr  }
0x1b: {  	s9 =	sadd.s32 $0xFFFFFEF7, lr;
	s5 =	simm.s32 $0xFFFFFFFF;
	p2 =	slt.u32 s8, $0xFFFFF086  }
0x1c: {  	p1 =	slt.u32 s9, $0xF7A;
	s5 =	simm.s32 @!p2 $0x0  }
0x1d: {  	s5 =	simm.s32 @p1 $0x1;
	p0 =	seq.s32 s7, s2  }
0x1e: {  	s7 =	smul.u32 @!p0 $0xF7A, s2;
	p2 =	seq.s32 @!p0 s5, $0x0  }
0x1f: {  	s9 =	smul.u32 $0xF7A, s1;
	s8 =	simm.s32 @!p0 $0x1BF5;
	p2 =	por !p2, p0  }
0x20: {  	[sflag:s8] =	ssyncset.s32 @!p0 $0xFFFFF086;
	s6 =	sadd.s32 @!p0 s3, s7;
	s7 =	simm.s32 @!p0 $0x108  }
0x21: {  	s3 =	sadd.s32 s3, s9;
	s6 =	sadd.s32 @!p0 $0x88, s6;
	s7 =	simm.s32 @p2 $0x1082  }
0x22: {  	[simem:s7], [sflag:s8] =	dma.local @!p0 [hbm:s6], $0xF7A  }
0x23: {  	s9 =	sor.u32 $0xD0000000, s2;
	s6 =	simm.s32 $0x108;
	_ =	swait.ge @!p0 [sflag:s8], $0x0  }
0x24: {  	s3 =	sadd.s32 $0x88, s3;
	s6 =	simm.s32 @!p1 $0x1082;
	[sflag:s4] =	ssyncset.s32 $0xFFFFF086  }
0x25: {  	[simem:s6], [sflag:s4] =	dma.local [hbm:s3], $0xF7A  }
0x26: {  	[smem:$0x3F9E] =	sst s1;
	(tag) =	ssettag s2;
	_ =	strace s9  }
0x27: {  	s1 =	sld [smem:$0x3FAE]  }
0x28: {  	s2 =	sld [smem:$0x3FAF]  }
0x29: {  	s4 =	sld [smem:$0x3FB1]  }
0x2a: {  	p0 =	seq.s32 s5, $0x0;
	s5 =	sld [smem:$0x3FB2]  }
0x2b: {  	s6 =	sld [smem:$0x3FB3]  }
0x2c: {  	s7 =	sld [smem:$0x3FB4]  }
0x2d: {  	s3 =	simm.s32 $0x108;
	s8 =	sld [smem:$0x3FB5]  }
0x2e: {  	s3 =	simm.s32 @!p0 $0x1082;
	s9 =	sld [smem:$0x3FB6]  }
0x2f: {  	lr =	sadd.s32 s0, s3;
	s0 =	sld [smem:$0x3FAD]  }
0x30: {  	s3 =	sld [smem:$0x3FB0]  }
0x31: {  	[smem:$0x3FB9] =	sst s10  }
0x32: {  	s10 =	sld [smem:$0x3FB7];
	_ =	sdelay $0x3  }
0x33: {  	p0 =	seq.s32 s10, $0x1;
	s10 =	sld [smem:$0x3FB9];
	_ =	sdelay $0x3  }
0x34: {  	[smem:$0x3FB9] =	sst s10  }
0x35: {  	s10 =	sld [smem:$0x3FB8];
	_ =	sdelay $0x3  }
0x36: {  	p1 =	seq.s32 s10, $0x1;
	s10 =	sld [smem:$0x3FB9];
	_ =	sdelay $0x3  }
0x37: {  	[smem:$0x3FB9] =	sst s10  }
0x38: {  	s10 =	sld [smem:$0x3FBA]  }
0x39: {  	_ = 	snop;
	(pc) =	sbr.ind lr, $3  }
0x3a: {  	_ = 	snop  }
0x3b: {  	_ = 	snop  }
0x3c: {  	p2 =	seq.s32 s10, $0x1;
	s10 =	sld [smem:$0x3FB9]  }
0x3d: {  	_ =	shalt  }
0x3e: {  	_ =	shalt  }
0x3f: {  	_ =	shalt  }
0x40: {  	_ =	shalt  }
0x41: {  	_ =	shalt  }
0x42: {  	_ =	shalt  }
0x43: {  	_ =	shalt  }
0x44: {  	_ =	shalt  }
0x45: {  	_ =	shalt  }
0x46: {  	_ =	shalt  }
0x47: {  	_ =	shalt  }
0x48: {  	_ =	shalt  }
0x49: {  	_ =	shalt  }
0x4a: {  	_ =	shalt  }
0x4b: {  	_ =	shalt  }
0x4c: {  	_ =	shalt  }
0x4d: {  	_ =	shalt  }
0x4e: {  	_ =	shalt  }
0x4f: {  	_ =	shalt  }
0x50: {  	_ =	shalt  }
0x51: {  	_ =	shalt  }
0x52: {  	_ =	shalt  }
0x53: {  	_ =	shalt  }
0x54: {  	_ =	shalt  }
0x55: {  	_ =	shalt  }
0x56: {  	_ =	shalt  }
0x57: {  	_ =	shalt  }
0x58: {  	_ =	shalt  }
0x59: {  	_ =	shalt  }
0x5a: {  	_ =	shalt  }
0x5b: {  	_ =	shalt  }
0x5c: {  	_ =	shalt  }
0x5d: {  	_ =	shalt  }
0x5e: {  	_ =	shalt  }
0x5f: {  	_ =	shalt  }
0x60: {  	_ =	shalt  }
0x61: {  	_ =	shalt  }
0x62: {  	_ =	shalt  }
0x63: {  	_ =	shalt  }
0x64: {  	_ =	shalt  }
0x65: {  	_ =	shalt  }
0x66: {  	_ =	shalt  }
0x67: {  	_ =	shalt  }
0x68: {  	_ =	shalt  }
0x69: {  	_ =	shalt  }
0x6a: {  	_ =	shalt  }
0x6b: {  	_ =	shalt  }
0x6c: {  	_ =	shalt  }
0x6d: {  	_ =	shalt  }
0x6e: {  	_ =	shalt  }
0x6f: {  	_ =	shalt  }
0x70: {  	_ =	shalt  }
0x71: {  	_ =	shalt  }
0x72: {  	_ =	shalt  }
0x73: {  	_ =	shalt  }
0x74: {  	_ =	shalt  }
0x75: {  	_ =	shalt  }
0x76: {  	_ =	shalt  }
0x77: {  	_ =	shalt  }
0x78: {  	_ =	shalt  }
0x79: {  	_ =	shalt  }
0x7a: {  	_ =	shalt  }
0x7b: {  	_ =	shalt  }
0x7c: {  	_ =	shalt  }
0x7d: {  	_ =	shalt  }
0x7e: {  	_ =	shalt  }
0x7f: {  	_ =	shalt  }
0x80: {  	_ =	shalt  }
0x81: {  	_ =	shalt  }
0x82: {  	_ =	shalt  }
0x83: {  	_ =	shalt  }
0x84: {  	_ =	shalt  }
0x85: {  	_ =	shalt  }
0x86: {  	_ =	shalt  }
0x87: {  	_ =	shalt  }
.Lfunc_end0:
.L_simem_size_0:
called_computation_lowered:
.L_overlay_start_0:
0x88: {  	s2 =	sld [smem:$0x3FD9]  }
0x89: {  	s3 =	sld [smem:$0x3FFE];
	_ =	sdelay $0x1  }
0x8a: {  	s1 =	srdreg.scid  }
0x8b: {  	s0 =	sand.u32 $0x1, s1  }
0x8c: {  	s17 =	sshll.u32 s0, $0xA;
	s2 =	sadd.s32 s3, s2  }
0x8d: {  	s2 =	sadd.s32 s2, s17  }
0x8e: {  	[smem:$0x3FC5] =	sst s2  }
0x8f: {  	_ = 	snop  }
0x90: {  	s2 =	sld [smem:$0x3FD0];
	(tm) =	ssettm $0x1  }
0x91: {  	s18 =	sld [smem:$0x3FFB];
	_ =	sdelay $0x3  }
0x92: {  	_ =	strace s18  }
0x93: {  	s3 =	sld [smem:$0x3FFC];
	_ =	sdelay $0x3  }
0x94: {  	_ =	strace s3  }
0x95: {  	s3 =	sld [smem:$0x3FFD];
	_ =	sdelay $0x3  }
0x96: {  	_ =	strace s3  }
0x97: {  	_ =	strace $0x8FFFFFFF  }
0x98: {  	s19 =	sld [smem:$0x3FDB];
	_ =	sdelay $0x1  }
0x99: {  	s4 =	simm.s32 $_scs_section_size  }
0x9a: {  	s5 =	simm.s32 $_size__tile_overlayer_lowered;
	s6 =	simm.s32 $_tile_overlayer_lowered  }
0x9b: {  	s22 =	simm.s32 $0x1BFF;
	s21 =	sshll.u32 s6, $0x1;
	s3 =	sadd.s32 s4, s19  }
0x9c: {  	s7 =	simm.s32 $0x0;
	s20 =	sshll.u32 s5, $0x1;
	s5 =	sadd.s32 s21, s3  }
0x9d: {  	[timem:s7], [sflag:s22] =	dma.local [hbm:s5], s20  }
0x9e: {  	_ =	swait.ge [sflag:s22], s20  }
0x9f: {  	s4 =	ssub.s32 $0x0, s20;
	[sflag:s22] =	ssyncset.done $0x0  }
0xa0: {  	[sflag:s22] =	ssyncadd.s32 s4;
	_ =	sdelay $0x1  }
0xa1: {  	s23 =	simm.s32 $0x1B8B  }
0xa2: {  	_ =	swait.ge [sflag:s23], $0x1  }
0xa3: {  	[sflag:s23] =	ssyncset.done $0x0  }
0xa4: {  	s25 =	simm.s32 $0x1B8E;
	s24 =	sld [smem:$0x3FFE];
	[sflag:s23] =	ssyncadd.s32 $0xFFFFFFFF  }
0xa5: {  	s26 =	simm.s32 $execute0_lowered;
	[smem:$0x3FD2] =	sst s25  }
0xa6: {  	s5 =	sshll.u32 s26, $0x1;
	_ =	strace $0x80000046;
	[dreg:$0x1] =	wrdreg $0xFFFFFFFF  }
0xa7: {  	s28 =	simm.s32 $_size_execute0_lowered;
	s3 =	sadd.s32 s3, s5;
	[dreg:$0x0] =	wrdreg $0x0  }
0xa8: {  	s5 =	sshll.u32 s28, $0x1;
	[dreg:$0x2] =	wrdreg s3  }
0xa9: {  	[dreg:$0x3] =	wrdreg s5  }
0xaa: {  	[dreg:$0x4] =	wrdreg $0xC0  }
0xab: {  	_ =	task [dreg:s7], $0x5FFFF  }
0xac: {  	[dreg:$0x1] =	wrdreg $0xFFFFFFFF  }
0xad: {  	[dreg:$0x0] =	wrdreg $0x60  }
0xae: {  	[dreg:$0x2] =	wrdreg s24  }
0xaf: {  	[dreg:$0x3] =	wrdreg s2  }
0xb0: {  	[dreg:$0x4] =	wrdreg $0x9  }
0xb1: {  	_ =	task.clear_ibuf [dreg:s7], $0x5FFFF;
	_ =	strace $0x90000046  }
0xb2: {  	s29 =	simm.s32 $0x9;
	_ =	strace $0x80000048  }
0xb3: {  	_ =	swait.ge [sflag:s29], $0x1  }
0xb4: {  	[sflag:s29] =	ssyncadd.s32 $0xFFFFFFFF  }
0xb5: {  	_ =	strace $0x90000048  }
0xb6: {  	_ =	sfence  }
0xb7: {  	s30 =	sld [smem:$0x0];
	_ =	sdelay $0x2  }
0xb8: {  	s31 =	sshll.u32 s1, $0xD;
	s1 =	sshrl.u32 s1, $0x2  }
0xb9: {  	s3 =	sand.u32 $0x4000, s31;
	s1 =	sadd.s32 s1, s30  }
0xba: {  	s0 =	sor.u32 s3, s0;
	s1 =	sshll.u32 s1, $0x11  }
0xbb: {  	s0 =	sor.u32 s1, s0  }
0xbc: {  	s0 =	sadd.s32 $0x8F2B, s0  }
0xbd: {  	[sflag:s0] =	ssyncadd.remote.s32 $0x1  }
0xbe: {  	_ =	sfence.sel $0xFFFF  }
0xbf: {  	[dreg:$0x0] =	wrdreg $0xFFFFFFFF;
	(pc) =	sbr.abs _section_cstart, $3  }
0xc0: {  	[dreg:$0x1] =	wrdreg $0xFFFFFFFF  }
0xc1: {  	_ =	task.clear_ibuf [dreg:s7], $0x2FFFF;
	_ =	strace $0x9FFFFFFF  }
0xc2: {  	(tm) =	ssettm $0x7FFFFFFF  }
0xc3: {  	_ =	shalt  }
tec
execute0_lowered:
.L_overlay_start_1:
0x0: {  	(tag) =	ssettag $0x1  }
0x1: {  	s4 =	rddreg [dreg:$0x0]  }
0x2: {  	s2 =	rddreg [dreg:$0x1]  }
0x3: {  	s0 =	rddreg [dreg:$0x2]  }
0x4: {  	s3 =	simm.s32 $0x0;
	s5 =	srdreg.scid;
	s1 =	stileid.u32  }
0x5: {  	s11 =	simm.s32 $0x58;
	s15 =	simm.s32 $0xD100;
	s16 =	simm.s32 $0x1  }
0x6: {  	s17 =	simm.s32 $0x12900;
	s18 =	simm.s32 $0x2;
	s19 =	simm.s32 $0x13100  }
0x7: {  	s20 =	simm.s32 $0x3;
	s21 =	simm.s32 $0x4;
	s22 =	simm.s32 $0x0  }
0x8: {  	[smem:$0x7FF] =	sst s3;
	s13 =	sand.u32 $0x1, s5;
	s24 =	smul.u32 $0x180, s1  }
0x9: {  	s6 =	sadd.s32 $0x62200, s4;
	s9 =	smul.u32 $0xB00, s1;
	s4 =	sadd.s32 $0x600, s4  }
0xa: {  	s26 =	smul.u32 $0xF20, s1;
	_ =	strace $0x80000047;
	s7 =	ssub.s32 $0x2, s13  }
0xb: {  	p0 =	seq.s32 s13, $0x0;
	s8 =	sshrl.u32 s7, $0x1;
	s10 =	sadd.s32 $0xB000, s24  }
0xc: {  	s11 =	simm.s32 @!p0 $0xC;
	s5 =	smul.u32 $0xB, s10;
	s12 =	ssub.s32 s7, s8  }
0xd: {  	s10 =	smov.u32 @p0 s9;
	s25 =	sshll.u32 s11, $0x5;
	s28 =	sadd.s32 $0xFFFFFFFE, s11  }
0xe: {  	p0 =	sne.s32 s13, $0x0;
	s13 =	simm.s32 $0x160;
	s7 =	sadd.s32 s10, s25  }
0xf: {  	s8 =	sshll.u32 s10, $0x6;
	s14 =	sshll.u32 s10, $0x3;
	s5 =	smin.u32 s5, $0x86520  }
0x10: {  	s29 =	sshll.u32 s7, $0x3;
	s7 =	sshrl.u32 s28, $0x1;
	s31 =	sadd.s32 s14, s2  }
0x11: {  	s14 =	simm.s32 $0x7900;
	s5 =	sshrl.u32 s5, $0x3;
	s30 =	sadd.s32 $0x1FFFFE00, s29  }
0x12: {  	s11 =	sadd.s32 $0x1FFFFF00, s29;
	s5 =	sadd.s32 s6, s5;
	s9 =	sand.u32 $0xFFE00, s30  }
0x13: {  	s6 =	sadd.s32 s6, s26;
	s11 =	sand.u32 $0xFFF00, s11;
	s9 =	sadd.s32 s2, s9  }
0x14: {  	v0 =	vimm.bf16 $9.0820e-02;
	s10 =	sadd.s32 s2, s11;
	s11 =	smax.u32 s12, $0x1;
	s12 =	sadd.s32 $0x100, s31  }
.LBB2_1:
0x15: {  	s23 =	simm.s32 @p0 $0x0  }
0x16: {  	[tilespmem:s23], [sflag:$0x5] =	stream.linear.gather @p0 [hbm4b:s5+s23], $0x1080, $0x38;
	[tilespmem:$0x13900] =	vst v63  }
0x17: {  	s23 =	simm.s32 @p0 $0x5  }
0x18: {  	_ =	swait.ge @p0 [sflag:s23], $0x1080  }
0x19: {  	[sflag:s23] =	ssyncset.done @p0 $0x0  }
0x1a: {  	[sflag:s23] =	ssyncadd.s32 @p0 $0xFFFFEF80;
	s23 =	simm.s32 @!p0 $0x0  }
0x1b: {  	[tilespmem:s23], [sflag:$0x5] =	stream.linear.gather @!p0 [hbm4b:s6+s23], $0x7900, $0x38;
	[tilespmem:$0x13900] =	vst v63  }
0x1c: {  	s23 =	simm.s32 @!p0 $0x5  }
0x1d: {  	_ =	swait.ge @!p0 [sflag:s23], $0x7900  }
0x1e: {  	[sflag:s23] =	ssyncset.done @!p0 $0x0  }
0x1f: {  	[sflag:s23] =	ssyncadd.s32 @!p0 $0xFFFF8700  }
0x20: {  	[tilespmem:s14], [sflag:$0x1] =	stream.indirect.gather [hbm4b:s4+s13], $0x40, s3, s13, $0xb8;
	[tilespmem:$0x13900] =	vst v63  }
0x21: {  	s23 =	simm.s32 $0x0  }
0x22: {  	[tilespmem:s15], [sflag:$0x2] =	stream.indirect.gather [hbm4b:s4+s13], $0x40, s13, s13, $0xb8;
	[tilespmem:$0x13900] =	vst v63  }
.LBB2_2:
0x23: {  	_ =	swait.ge [sflag:s16], $0x5800  }
0x24: {  	p1 =	seq.s32 s23, $0x0;
	[sflag:s16] =	ssyncset.done $0x0  }
0x25: {  	s24 =	simm.s32 @!p1 $0x3;
	[sflag:s16] =	ssyncadd.s32 $0xFFFFA800  }
0x26: {  	_ =	swait.ge @!p1 [sflag:s24], $0x800  }
0x27: {  	[sflag:s24] =	ssyncset.done @!p1 $0x0  }
0x28: {  	[sflag:s24] =	ssyncadd.s32 @!p1 $0xFFFFF800;
	s24 =	simm.s32 $0x7A60  }
0x29: {  	v1 =	vld [tilespmem:s24+$0x60]  }
0x2a: {  	v2 =	vld [tilespmem:s24+$0x20]  }
0x2b: {  	v3 =	vld [tilespmem:s24+$0xFFFFFFE0]  }
0x2c: {  	v4 =	vld [tilespmem:s24+$0xFFFFFFA0]  }
0x2d: {  	v5 =	vld [tilespmem:s24+$0xFFFFFF60]  }
0x2e: {  	v6 =	vld [tilespmem:s24+$0xFFFFFEE0]  }
0x2f: {  	v7 =	vld [tilespmem:s24+$0xFFFFFEA0]  }
0x30: {  	v8 =	vld [tilespmem:s24+$0xE0]  }
0x31: {  	v9 =	vld [tilespmem:s24+$0xFFFFFF20]  }
0x32: {  	v10 =	vld [tilespmem:s24+$0xA0];
	_ =	sdelay $0x2  }
0x33: {  	v3 =	vadd.bf16 v3, v4;
	v4 =	vld [tilespmem:s24+$0x120];
	v6 =	vadd.bf16 v6, v7  }
0x34: {  	v1 =	vadd.bf16 v1, v2;
	v2 =	vadd.bf16 v5, v9  }
0x35: {  	v5 =	vadd.bf16 v8, v10  }
0x36: {  	v1 =	vadd.bf16 v1, v3;
	v2 =	vadd.bf16 v2, v6;
	_ =	sdelay $0x1  }
0x37: {  	v1 =	vadd.bf16 v1, v2;
	v3 =	vadd.bf16 v4, v5;
	_ =	sdelay $0x1  }
0x38: {  	v1 =	vadd.bf16 v3, v1;
	_ =	sdelay $0x1  }
0x39: {  	v1 =	vmul.bf16 v0, v1  }
0x3a: {  	s25 =	simm.s32 $0x0  }
0x3b: {  	[tilespmem:s25+$0x12900] =	vst v1  }
0x3c: {  	v1 =	vld [tilespmem:s24+$0xFFFFFEB0]  }
0x3d: {  	v2 =	vld [tilespmem:s24+$0x30]  }
0x3e: {  	v3 =	vld [tilespmem:s24+$0xFFFFFFF0]  }
0x3f: {  	v4 =	vld [tilespmem:s24+$0xFFFFFF70]  }
0x40: {  	v5 =	vld [tilespmem:s24+$0xFFFFFFB0]  }
0x41: {  	v6 =	vld [tilespmem:s24+$0xFFFFFF30]  }
0x42: {  	v7 =	vld [tilespmem:s24+$0x70]  }
0x43: {  	v8 =	vld [tilespmem:s24+$0xFFFFFEF0]  }
0x44: {  	v62 =	vld [tilespmem:s24+$0xF0]  }
0x45: {  	v63 =	vld [tilespmem:s24+$0xB0];
	_ =	sdelay $0x1  }
0x46: {  	v3 =	vadd.bf16 v3, v5;
	v5 =	vld [tilespmem:s24+$0x130];
	v2 =	vadd.bf16 v7, v2  }
0x47: {  	v1 =	vadd.bf16 v8, v1;
	v4 =	vadd.bf16 v4, v6  }
0x48: {  	v2 =	vadd.bf16 v2, v3  }
0x49: {  	v3 =	vadd.bf16 v62, v63;
	v1 =	vadd.bf16 v4, v1;
	_ =	sdelay $0x1  }
0x4a: {  	v1 =	vadd.bf16 v2, v1;
	v3 =	vadd.bf16 v5, v3;
	_ =	sdelay $0x1  }
0x4b: {  	v1 =	vadd.bf16 v3, v1;
	_ =	sdelay $0x1  }
0x4c: {  	v1 =	vmul.bf16 v0, v1;
	_ =	sdelay $0x1  }
0x4d: {  	[tilespmem:s25+$0x12910] =	vst v1  }
0x4e: {  	v2 =	vld [tilespmem:s24+$0xFFFFFF00]  }
0x4f: {  	v1 =	vld [tilespmem:s24+$0x80]  }
0x50: {  	v4 =	vld [tilespmem:s24+$0xFFFFFF40]  }
0x51: {  	v5 =	vld [tilespmem:s24+$0xFFFFFF80]  }
0x52: {  	v3 =	vld [tilespmem:s24+$0x0]  }
0x53: {  	s26 =	simm.s32 $0x100;
	s28 =	simm.s32 $0x7A60;
	v6 =	vld [tilespmem:s24+$0xFFFFFEC0]  }
.LBB2_3:
0x54: {  	p2 =	sne.s32 s26, $0x1F00  }
0x55: {  	v7 =	vld [tilespmem:s24+$0x40];
	s28 =	sadd.s32 $0x2C0, s28;
	s29 =	smov.u32 s26;
	s26 =	sadd.s32 $0x100, s26  }
0x56: {  	v8 =	vld [tilespmem:s24+$0xFFFFFFC0]  }
0x57: {  	v9 =	vld [tilespmem:s24+$0x100];
	v4 =	vadd.bf16 v5, v4  }
0x58: {  	v5 =	vld [tilespmem:s24+$0xC0]  }
0x59: {  	v2 =	vadd.bf16 v2, v6  }
0x5a: {  	v6 =	vld [tilespmem:s24+$0x140]  }
0x5b: {  	v1 =	vadd.bf16 v1, v7;
	v3 =	vadd.bf16 v3, v8  }
0x5c: {  	v2 =	vadd.bf16 v4, v2  }
0x5d: {  	v4 =	vadd.bf16 v9, v5;
	v1 =	vadd.bf16 v1, v3;
	_ =	sdelay $0x1  }
0x5e: {  	v3 =	vadd.bf16 v6, v4;
	v1 =	vadd.bf16 v1, v2;
	_ =	sdelay $0x1  }
0x5f: {  	v1 =	vadd.bf16 v3, v1;
	_ =	sdelay $0x1  }
0x60: {  	v1 =	vmul.bf16 v0, v1;
	_ =	sdelay $0x1  }
0x61: {  	[tilespmem:s25+$0x12920] =	vst v1  }
0x62: {  	v1 =	vld [tilespmem:s24+$0xFFFFFED0]  }
0x63: {  	v2 =	vld [tilespmem:s24+$0xFFFFFF10]  }
0x64: {  	v3 =	vld [tilespmem:s24+$0xFFFFFF50]  }
0x65: {  	v4 =	vld [tilespmem:s24+$0xFFFFFFD0]  }
0x66: {  	v5 =	vld [tilespmem:s24+$0x10]  }
0x67: {  	v6 =	vld [tilespmem:s24+$0x50]  }
0x68: {  	v7 =	vld [tilespmem:s24+$0x90];
	v1 =	vadd.bf16 v2, v1  }
0x69: {  	v2 =	vld [tilespmem:s24+$0xD0]  }
0x6a: {  	v8 =	vld [tilespmem:s24+$0x110]  }
0x6b: {  	v9 =	vld [tilespmem:s24+$0xFFFFFF90];
	v4 =	vadd.bf16 v5, v4  }
0x6c: {  	v5 =	vld [tilespmem:s24+$0x150];
	s24 =	smov.u32 s28;
	_ =	sdelay $0x2  }
0x6d: {  	v2 =	vadd.bf16 v8, v2  }
0x6e: {  	v6 =	vadd.bf16 v7, v6;
	v3 =	vadd.bf16 v9, v3;
	_ =	sdelay $0x1  }
0x6f: {  	v1 =	vadd.bf16 v3, v1;
	v3 =	vadd.bf16 v6, v4;
	_ =	sdelay $0x1  }
0x70: {  	v2 =	vadd.bf16 v5, v2;
	v1 =	vadd.bf16 v3, v1;
	_ =	sdelay $0x1  }
0x71: {  	v1 =	vadd.bf16 v2, v1;
	_ =	sdelay $0x1  }
0x72: {  	v1 =	vmul.bf16 v0, v1;
	_ =	sdelay $0x1  }
0x73: {  	[tilespmem:s25+$0x12930] =	vst v1  }
0x74: {  	v1 =	vld [tilespmem:s28+$0x60]  }
0x75: {  	v2 =	vld [tilespmem:s28+$0x20]  }
0x76: {  	v3 =	vld [tilespmem:s28+$0xFFFFFFE0]  }
0x77: {  	v4 =	vld [tilespmem:s28+$0xFFFFFFA0]  }
0x78: {  	v5 =	vld [tilespmem:s28+$0xFFFFFF60]  }
0x79: {  	v6 =	vld [tilespmem:s28+$0xFFFFFEE0]  }
0x7a: {  	v7 =	vld [tilespmem:s28+$0xFFFFFEA0]  }
0x7b: {  	v8 =	vld [tilespmem:s28+$0xE0]  }
0x7c: {  	v9 =	vld [tilespmem:s28+$0xA0];
	v3 =	vadd.bf16 v3, v4  }
0x7d: {  	v4 =	vld [tilespmem:s28+$0xFFFFFF20]  }
0x7e: {  	v10 =	vld [tilespmem:s28+$0x120];
	_ =	sdelay $0x1  }
0x7f: {  	v6 =	vadd.bf16 v6, v7  }
0x80: {  	v1 =	vadd.bf16 v1, v2;
	v2 =	vadd.bf16 v8, v9  }
0x81: {  	v4 =	vadd.bf16 v5, v4  }
0x82: {  	v1 =	vadd.bf16 v1, v3;
	v2 =	vadd.bf16 v10, v2  }
0x83: {  	v3 =	vadd.bf16 v4, v6;
	_ =	sdelay $0x1  }
0x84: {  	v1 =	vadd.bf16 v1, v3;
	_ =	sdelay $0x1  }
0x85: {  	v1 =	vadd.bf16 v2, v1;
	_ =	sdelay $0x1  }
0x86: {  	v1 =	vmul.bf16 v0, v1  }
0x87: {  	s25 =	sshra.s32 s29, $0x2  }
0x88: {  	[tilespmem:s25+$0x12900] =	vst v1  }
0x89: {  	v1 =	vld [tilespmem:s28+$0xFFFFFEB0]  }
0x8a: {  	v2 =	vld [tilespmem:s28+$0x30]  }
0x8b: {  	v3 =	vld [tilespmem:s28+$0xFFFFFFF0]  }
0x8c: {  	v4 =	vld [tilespmem:s28+$0xFFFFFF70]  }
0x8d: {  	v5 =	vld [tilespmem:s28+$0xFFFFFFB0];
	_ =	sdelay $0x1  }
0x8e: {  	v6 =	vld [tilespmem:s28+$0xFFFFFF30]  }
0x8f: {  	v7 =	vld [tilespmem:s28+$0x70]  }
0x90: {  	v8 =	vld [tilespmem:s28+$0xFFFFFEF0]  }
0x91: {  	v9 =	vld [tilespmem:s28+$0xF0];
	v3 =	vadd.bf16 v3, v5  }
0x92: {  	v5 =	vld [tilespmem:s28+$0xB0];
	_ =	sdelay $0x1  }
0x93: {  	v10 =	vld [tilespmem:s28+$0x130];
	v2 =	vadd.bf16 v7, v2  }
0x94: {  	v4 =	vadd.bf16 v4, v6;
	v1 =	vadd.bf16 v8, v1  }
0x95: {  	v2 =	vadd.bf16 v2, v3  }
0x96: {  	v3 =	vadd.bf16 v9, v5;
	v1 =	vadd.bf16 v4, v1;
	_ =	sdelay $0x1  }
0x97: {  	v3 =	vadd.bf16 v10, v3;
	v1 =	vadd.bf16 v2, v1;
	_ =	sdelay $0x1  }
0x98: {  	v1 =	vadd.bf16 v3, v1;
	_ =	sdelay $0x1  }
0x99: {  	v1 =	vmul.bf16 v0, v1;
	_ =	sdelay $0x1  }
0x9a: {  	[tilespmem:s25+$0x12910] =	vst v1  }
0x9b: {  	v2 =	vld [tilespmem:s28+$0xFFFFFF00]  }
.Ltmp0:
0x9c: {  	v1 =	vld [tilespmem:s28+$0x80];
	(pc) =	sbr.rel @p2 .LBB2_3-.Ltmp0, $4  }
0x9d: {  	v4 =	vld [tilespmem:s28+$0xFFFFFF40]  }
0x9e: {  	v5 =	vld [tilespmem:s28+$0xFFFFFF80]  }
0x9f: {  	v3 =	vld [tilespmem:s28+$0x0]  }
0xa0: {  	v6 =	vld [tilespmem:s28+$0xFFFFFEC0]  }
0xa1: {  	v7 =	vld [tilespmem:s24+$0x40]  }
0xa2: {  	v8 =	vld [tilespmem:s24+$0xFFFFFFC0]  }
0xa3: {  	v9 =	vld [tilespmem:s24+$0x100]  }
0xa4: {  	v10 =	vld [tilespmem:s24+$0xC0];
	_ =	sdelay $0x1  }
0xa5: {  	v4 =	vadd.bf16 v5, v4;
	v5 =	vld [tilespmem:s24+$0x140];
	v2 =	vadd.bf16 v2, v6  }
0xa6: {  	v3 =	vadd.bf16 v3, v8;
	v1 =	vadd.bf16 v1, v7  }
0xa7: {  	v2 =	vadd.bf16 v4, v2  }
0xa8: {  	v4 =	vadd.bf16 v9, v10;
	v1 =	vadd.bf16 v1, v3;
	_ =	sdelay $0x1  }
0xa9: {  	v3 =	vadd.bf16 v5, v4;
	v1 =	vadd.bf16 v1, v2;
	_ =	sdelay $0x1  }
0xaa: {  	v1 =	vadd.bf16 v3, v1;
	_ =	sdelay $0x1  }
0xab: {  	v1 =	vmul.bf16 v0, v1;
	_ =	sdelay $0x1  }
0xac: {  	[tilespmem:s25+$0x12920] =	vst v1  }
0xad: {  	v1 =	vld [tilespmem:s24+$0xFFFFFED0]  }
0xae: {  	v2 =	vld [tilespmem:s24+$0xFFFFFF10]  }
0xaf: {  	v3 =	vld [tilespmem:s24+$0xFFFFFF50]  }
0xb0: {  	v4 =	vld [tilespmem:s24+$0xFFFFFFD0]  }
0xb1: {  	v5 =	vld [tilespmem:s24+$0x10]  }
0xb2: {  	v6 =	vld [tilespmem:s24+$0x50]  }
0xb3: {  	v7 =	vld [tilespmem:s24+$0x90]  }
0xb4: {  	v8 =	vld [tilespmem:s24+$0xD0]  }
0xb5: {  	v58 =	vld [tilespmem:s24+$0xFFFFFF90]  }
0xb6: {  	v59 =	vld [tilespmem:s24+$0x110];
	_ =	sdelay $0x2  }
0xb7: {  	v1 =	vadd.bf16 v2, v1;
	v2 =	vadd.bf16 v5, v4;
	v4 =	vld [tilespmem:s24+$0x150]  }
0xb8: {  	v3 =	vadd.bf16 v58, v3;
	v5 =	vadd.bf16 v7, v6  }
0xb9: {  	v6 =	vadd.bf16 v59, v8  }
0xba: {  	v1 =	vadd.bf16 v3, v1;
	v2 =	vadd.bf16 v5, v2;
	_ =	sdelay $0x1  }
0xbb: {  	v1 =	vadd.bf16 v2, v1;
	v3 =	vadd.bf16 v4, v6;
	_ =	sdelay $0x1  }
0xbc: {  	v1 =	vadd.bf16 v3, v1  }
0xbd: {  	s30 =	sshll.u32 s23, $0xC  }
0xbe: {  	s24 =	sadd.s32 s8, s30;
	v1 =	vmul.bf16 v0, v1  }
0xbf: {  	s24 =	sshrl.u32 s24, $0x3  }
0xc0: {  	s31 =	smul.u32 $0xB00, s23;
	s24 =	sadd.s32 s2, s24;
	[tilespmem:s25+$0x12930] =	vst v1  }
0xc1: {  	[hbm4b:s24+s3] =	stream.linear.scatter [tilespmem:s17], [sflag:$0x3], $0x800, $0x38;
	[tilespmem:$0x13900] =	vst v63  }
0xc2: {  	s24 =	sshra.s32 s31, $0x2  }
0xc3: {  	s25 =	sadd.s32 $0x2C0, s24  }
0xc4: {  	[tilespmem:s14], [sflag:$0x1] =	stream.indirect.gather [hbm4b:s4+s13], $0x40, s25, s13, $0xb8;
	[tilespmem:$0x13900] =	vst v63  }
0xc5: {  	_ =	swait.ge [sflag:s18], $0x5800  }
0xc6: {  	[sflag:s18] =	ssyncset.done $0x0  }
0xc7: {  	s25 =	simm.s32 @!p1 $0x4;
	[sflag:s18] =	ssyncadd.s32 $0xFFFFA800  }
0xc8: {  	_ =	swait.ge @!p1 [sflag:s25], $0x800  }
0xc9: {  	[sflag:s25] =	ssyncset.done @!p1 $0x0  }
0xca: {  	[sflag:s25] =	ssyncadd.s32 @!p1 $0xFFFFF800;
	s25 =	simm.s32 $0xD260  }
0xcb: {  	v1 =	vld [tilespmem:s25+$0x60]  }
0xcc: {  	v2 =	vld [tilespmem:s25+$0x20]  }
0xcd: {  	v3 =	vld [tilespmem:s25+$0xFFFFFFE0]  }
0xce: {  	v4 =	vld [tilespmem:s25+$0xFFFFFFA0]  }
0xcf: {  	v5 =	vld [tilespmem:s25+$0xFFFFFF60]  }
0xd0: {  	v6 =	vld [tilespmem:s25+$0xFFFFFEE0]  }
0xd1: {  	v7 =	vld [tilespmem:s25+$0xFFFFFEA0]  }
0xd2: {  	v8 =	vld [tilespmem:s25+$0xE0]  }
0xd3: {  	v60 =	vld [tilespmem:s25+$0xFFFFFF20]  }
0xd4: {  	v61 =	vld [tilespmem:s25+$0xA0];
	_ =	sdelay $0x2  }
0xd5: {  	v3 =	vadd.bf16 v3, v4;
	v4 =	vld [tilespmem:s25+$0x120];
	v6 =	vadd.bf16 v6, v7  }
0xd6: {  	v1 =	vadd.bf16 v1, v2;
	v2 =	vadd.bf16 v5, v60  }
0xd7: {  	v5 =	vadd.bf16 v8, v61  }
0xd8: {  	v1 =	vadd.bf16 v1, v3;
	v2 =	vadd.bf16 v2, v6;
	_ =	sdelay $0x1  }
0xd9: {  	v1 =	vadd.bf16 v1, v2;
	v3 =	vadd.bf16 v4, v5;
	_ =	sdelay $0x1  }
0xda: {  	v1 =	vadd.bf16 v3, v1;
	_ =	sdelay $0x1  }
0xdb: {  	v1 =	vmul.bf16 v0, v1  }
0xdc: {  	s26 =	simm.s32 $0x0  }
0xdd: {  	[tilespmem:s26+$0x13100] =	vst v1  }
0xde: {  	v1 =	vld [tilespmem:s25+$0xFFFFFEB0]  }
0xdf: {  	v2 =	vld [tilespmem:s25+$0x30]  }
0xe0: {  	v3 =	vld [tilespmem:s25+$0xFFFFFFF0]  }
0xe1: {  	v4 =	vld [tilespmem:s25+$0xFFFFFF70]  }
0xe2: {  	v5 =	vld [tilespmem:s25+$0xFFFFFFB0]  }
0xe3: {  	v6 =	vld [tilespmem:s25+$0xFFFFFF30]  }
0xe4: {  	v7 =	vld [tilespmem:s25+$0x70]  }
0xe5: {  	v8 =	vld [tilespmem:s25+$0xFFFFFEF0]  }
0xe6: {  	v62 =	vld [tilespmem:s25+$0xF0]  }
0xe7: {  	v63 =	vld [tilespmem:s25+$0xB0];
	_ =	sdelay $0x1  }
0xe8: {  	v3 =	vadd.bf16 v3, v5;
	v5 =	vld [tilespmem:s25+$0x130];
	v2 =	vadd.bf16 v7, v2  }
0xe9: {  	v1 =	vadd.bf16 v8, v1;
	v4 =	vadd.bf16 v4, v6  }
0xea: {  	v2 =	vadd.bf16 v2, v3  }
0xeb: {  	v3 =	vadd.bf16 v62, v63;
	v1 =	vadd.bf16 v4, v1;
	_ =	sdelay $0x1  }
0xec: {  	v1 =	vadd.bf16 v2, v1;
	v3 =	vadd.bf16 v5, v3;
	_ =	sdelay $0x1  }
0xed: {  	v1 =	vadd.bf16 v3, v1;
	_ =	sdelay $0x1  }
0xee: {  	v1 =	vmul.bf16 v0, v1;
	_ =	sdelay $0x1  }
0xef: {  	[tilespmem:s26+$0x13110] =	vst v1  }
0xf0: {  	v2 =	vld [tilespmem:s25+$0xFFFFFF00]  }
0xf1: {  	v1 =	vld [tilespmem:s25+$0x80]  }
0xf2: {  	v4 =	vld [tilespmem:s25+$0xFFFFFF40]  }
0xf3: {  	v5 =	vld [tilespmem:s25+$0xFFFFFF80]  }
0xf4: {  	v3 =	vld [tilespmem:s25+$0x0]  }
0xf5: {  	s28 =	simm.s32 $0x100;
	s29 =	simm.s32 $0xD260;
	v6 =	vld [tilespmem:s25+$0xFFFFFEC0]  }
.LBB2_5:
0xf6: {  	p1 =	sne.s32 s28, $0x1F00  }
0xf7: {  	v7 =	vld [tilespmem:s25+$0x40];
	s29 =	sadd.s32 $0x2C0, s29;
	s30 =	smov.u32 s28;
	s28 =	sadd.s32 $0x100, s28  }
0xf8: {  	v8 =	vld [tilespmem:s25+$0xFFFFFFC0]  }
0xf9: {  	v9 =	vld [tilespmem:s25+$0x100];
	v4 =	vadd.bf16 v5, v4  }
0xfa: {  	v5 =	vld [tilespmem:s25+$0xC0]  }
0xfb: {  	v2 =	vadd.bf16 v2, v6  }
0xfc: {  	v6 =	vld [tilespmem:s25+$0x140]  }
0xfd: {  	v1 =	vadd.bf16 v1, v7;
	v3 =	vadd.bf16 v3, v8  }
0xfe: {  	v2 =	vadd.bf16 v4, v2  }
0xff: {  	v4 =	vadd.bf16 v9, v5;
	v1 =	vadd.bf16 v1, v3;
	_ =	sdelay $0x1  }
0x100: {  	v3 =	vadd.bf16 v6, v4;
	v1 =	vadd.bf16 v1, v2;
	_ =	sdelay $0x1  }
0x101: {  	v1 =	vadd.bf16 v3, v1;
	_ =	sdelay $0x1  }
0x102: {  	v1 =	vmul.bf16 v0, v1;
	_ =	sdelay $0x1  }
0x103: {  	[tilespmem:s26+$0x13120] =	vst v1  }
0x104: {  	v1 =	vld [tilespmem:s25+$0xFFFFFED0]  }
0x105: {  	v2 =	vld [tilespmem:s25+$0xFFFFFF10]  }
0x106: {  	v3 =	vld [tilespmem:s25+$0xFFFFFF50]  }
0x107: {  	v4 =	vld [tilespmem:s25+$0xFFFFFFD0]  }
0x108: {  	v5 =	vld [tilespmem:s25+$0x10]  }
0x109: {  	v6 =	vld [tilespmem:s25+$0x50]  }
0x10a: {  	v7 =	vld [tilespmem:s25+$0x90];
	v1 =	vadd.bf16 v2, v1  }
0x10b: {  	v2 =	vld [tilespmem:s25+$0xD0]  }
0x10c: {  	v8 =	vld [tilespmem:s25+$0x110]  }
0x10d: {  	v9 =	vld [tilespmem:s25+$0xFFFFFF90];
	v4 =	vadd.bf16 v5, v4  }
0x10e: {  	v5 =	vld [tilespmem:s25+$0x150];
	s25 =	smov.u32 s29;
	_ =	sdelay $0x2  }
0x10f: {  	v2 =	vadd.bf16 v8, v2  }
0x110: {  	v6 =	vadd.bf16 v7, v6;
	v3 =	vadd.bf16 v9, v3;
	_ =	sdelay $0x1  }
0x111: {  	v1 =	vadd.bf16 v3, v1;
	v3 =	vadd.bf16 v6, v4;
	_ =	sdelay $0x1  }
0x112: {  	v2 =	vadd.bf16 v5, v2;
	v1 =	vadd.bf16 v3, v1;
	_ =	sdelay $0x1  }
0x113: {  	v1 =	vadd.bf16 v2, v1;
	_ =	sdelay $0x1  }
0x114: {  	v1 =	vmul.bf16 v0, v1;
	_ =	sdelay $0x1  }
0x115: {  	[tilespmem:s26+$0x13130] =	vst v1  }
0x116: {  	v1 =	vld [tilespmem:s29+$0x60]  }
0x117: {  	v2 =	vld [tilespmem:s29+$0x20]  }
0x118: {  	v3 =	vld [tilespmem:s29+$0xFFFFFFE0]  }
0x119: {  	v4 =	vld [tilespmem:s29+$0xFFFFFFA0]  }
0x11a: {  	v5 =	vld [tilespmem:s29+$0xFFFFFF60]  }
0x11b: {  	v6 =	vld [tilespmem:s29+$0xFFFFFEE0]  }
0x11c: {  	v7 =	vld [tilespmem:s29+$0xFFFFFEA0]  }
0x11d: {  	v8 =	vld [tilespmem:s29+$0xE0]  }
0x11e: {  	v9 =	vld [tilespmem:s29+$0xA0];
	v3 =	vadd.bf16 v3, v4  }
0x11f: {  	v4 =	vld [tilespmem:s29+$0xFFFFFF20]  }
0x120: {  	v10 =	vld [tilespmem:s29+$0x120];
	_ =	sdelay $0x1  }
0x121: {  	v6 =	vadd.bf16 v6, v7  }
0x122: {  	v1 =	vadd.bf16 v1, v2;
	v2 =	vadd.bf16 v8, v9  }
0x123: {  	v4 =	vadd.bf16 v5, v4  }
0x124: {  	v1 =	vadd.bf16 v1, v3;
	v2 =	vadd.bf16 v10, v2  }
0x125: {  	v3 =	vadd.bf16 v4, v6;
	_ =	sdelay $0x1  }
0x126: {  	v1 =	vadd.bf16 v1, v3;
	_ =	sdelay $0x1  }
0x127: {  	v1 =	vadd.bf16 v2, v1;
	_ =	sdelay $0x1  }
0x128: {  	v1 =	vmul.bf16 v0, v1  }
0x129: {  	s26 =	sshra.s32 s30, $0x2  }
0x12a: {  	[tilespmem:s26+$0x13100] =	vst v1  }
0x12b: {  	v1 =	vld [tilespmem:s29+$0xFFFFFEB0]  }
0x12c: {  	v2 =	vld [tilespmem:s29+$0x30]  }
0x12d: {  	v3 =	vld [tilespmem:s29+$0xFFFFFFF0]  }
0x12e: {  	v4 =	vld [tilespmem:s29+$0xFFFFFF70]  }
0x12f: {  	v5 =	vld [tilespmem:s29+$0xFFFFFFB0];
	_ =	sdelay $0x1  }
0x130: {  	v6 =	vld [tilespmem:s29+$0xFFFFFF30]  }
0x131: {  	v7 =	vld [tilespmem:s29+$0x70]  }
0x132: {  	v8 =	vld [tilespmem:s29+$0xFFFFFEF0]  }
0x133: {  	v9 =	vld [tilespmem:s29+$0xF0];
	v3 =	vadd.bf16 v3, v5  }
0x134: {  	v5 =	vld [tilespmem:s29+$0xB0];
	_ =	sdelay $0x1  }
0x135: {  	v10 =	vld [tilespmem:s29+$0x130];
	v2 =	vadd.bf16 v7, v2  }
0x136: {  	v4 =	vadd.bf16 v4, v6;
	v1 =	vadd.bf16 v8, v1  }
0x137: {  	v2 =	vadd.bf16 v2, v3  }
0x138: {  	v3 =	vadd.bf16 v9, v5;
	v1 =	vadd.bf16 v4, v1;
	_ =	sdelay $0x1  }
0x139: {  	v3 =	vadd.bf16 v10, v3;
	v1 =	vadd.bf16 v2, v1;
	_ =	sdelay $0x1  }
0x13a: {  	v1 =	vadd.bf16 v3, v1;
	_ =	sdelay $0x1  }
0x13b: {  	v1 =	vmul.bf16 v0, v1;
	_ =	sdelay $0x1  }
0x13c: {  	[tilespmem:s26+$0x13110] =	vst v1  }
0x13d: {  	v2 =	vld [tilespmem:s29+$0xFFFFFF00]  }
.Ltmp1:
0x13e: {  	v1 =	vld [tilespmem:s29+$0x80];
	(pc) =	sbr.rel @p1 .LBB2_5-.Ltmp1, $4  }
0x13f: {  	v4 =	vld [tilespmem:s29+$0xFFFFFF40]  }
0x140: {  	v5 =	vld [tilespmem:s29+$0xFFFFFF80]  }
0x141: {  	v3 =	vld [tilespmem:s29+$0x0]  }
0x142: {  	v6 =	vld [tilespmem:s29+$0xFFFFFEC0]  }
0x143: {  	v7 =	vld [tilespmem:s25+$0x40]  }
0x144: {  	v8 =	vld [tilespmem:s25+$0xFFFFFFC0]  }
0x145: {  	v9 =	vld [tilespmem:s25+$0x100]  }
0x146: {  	v10 =	vld [tilespmem:s25+$0xC0];
	_ =	sdelay $0x2  }
0x147: {  	v52 =	vld [tilespmem:s25+$0x140];
	v4 =	vadd.bf16 v5, v4;
	v2 =	vadd.bf16 v2, v6  }
0x148: {  	v3 =	vadd.bf16 v3, v8;
	v1 =	vadd.bf16 v1, v7  }
0x149: {  	v53 =	vadd.bf16 v9, v10  }
0x14a: {  	v2 =	vadd.bf16 v4, v2;
	v1 =	vadd.bf16 v1, v3;
	_ =	sdelay $0x1  }
0x14b: {  	v3 =	vadd.bf16 v52, v53;
	v1 =	vadd.bf16 v1, v2;
	_ =	sdelay $0x1  }
0x14c: {  	v1 =	vadd.bf16 v3, v1;
	_ =	sdelay $0x1  }
0x14d: {  	v1 =	vmul.bf16 v0, v1;
	_ =	sdelay $0x1  }
0x14e: {  	[tilespmem:s26+$0x13120] =	vst v1  }
0x14f: {  	v1 =	vld [tilespmem:s25+$0xFFFFFED0]  }
0x150: {  	v2 =	vld [tilespmem:s25+$0xFFFFFF10]  }
0x151: {  	v3 =	vld [tilespmem:s25+$0xFFFFFF50]  }
0x152: {  	v54 =	vld [tilespmem:s25+$0xFFFFFFD0]  }
0x153: {  	v55 =	vld [tilespmem:s25+$0x10]  }
0x154: {  	v56 =	vld [tilespmem:s25+$0x50]  }
0x155: {  	v57 =	vld [tilespmem:s25+$0x90]  }
0x156: {  	v58 =	vld [tilespmem:s25+$0xD0]  }
0x157: {  	v59 =	vld [tilespmem:s25+$0xFFFFFF90]  }
0x158: {  	v60 =	vld [tilespmem:s25+$0x110];
	_ =	sdelay $0x2  }
0x159: {  	v61 =	vld [tilespmem:s25+$0x150];
	v1 =	vadd.bf16 v2, v1;
	v2 =	vadd.bf16 v55, v54  }
0x15a: {  	v3 =	vadd.bf16 v59, v3;
	v62 =	vadd.bf16 v57, v56  }
0x15b: {  	v63 =	vadd.bf16 v60, v58  }
0x15c: {  	v1 =	vadd.bf16 v3, v1;
	v2 =	vadd.bf16 v62, v2;
	_ =	sdelay $0x1  }
0x15d: {  	v3 =	vadd.bf16 v61, v63;
	v1 =	vadd.bf16 v2, v1;
	_ =	sdelay $0x1  }
0x15e: {  	v1 =	vadd.bf16 v3, v1  }
0x15f: {  	s31 =	sshll.u32 s23, $0x9;
	s23 =	sadd.s32 $0x1, s23  }
0x160: {  	p1 =	sne.s32 s23, s7;
	v1 =	vmul.bf16 v0, v1  }
.Ltmp2:
0x161: {  	_ = 	snop;
	(pc) =	sbr.rel @p1 .LBB2_2-.Ltmp2, $4  }
0x162: {  	s25 =	sadd.s32 s12, s31;
	[tilespmem:s26+$0x13130] =	vst v1  }
0x163: {  	[hbm4b:s25+s3] =	stream.linear.scatter [tilespmem:s19], [sflag:$0x4], $0x800, $0x38;
	[tilespmem:$0x13900] =	vst v63  }
0x164: {  	s24 =	sadd.s32 $0x420, s24  }
0x165: {  	[tilespmem:s15], [sflag:$0x2] =	stream.indirect.gather [hbm4b:s4+s13], $0x40, s24, s13, $0xb8;
	[tilespmem:$0x13900] =	vst v63  }
0x166: {  	_ =	swait.ge [sflag:s16], $0x5800  }
0x167: {  	[sflag:s16] =	ssyncset.done $0x0  }
0x168: {  	[sflag:s16] =	ssyncadd.s32 $0xFFFFA800  }
0x169: {  	_ =	swait.ge [sflag:s20], $0x800  }
0x16a: {  	[sflag:s20] =	ssyncset.done $0x0  }
0x16b: {  	s23 =	simm.s32 $0x7A60;
	[sflag:s20] =	ssyncadd.s32 $0xFFFFF800  }
0x16c: {  	v1 =	vld [tilespmem:s23+$0x60]  }
0x16d: {  	v2 =	vld [tilespmem:s23+$0x20]  }
0x16e: {  	v3 =	vld [tilespmem:s23+$0xFFFFFFE0]  }
0x16f: {  	v4 =	vld [tilespmem:s23+$0xFFFFFFA0]  }
0x170: {  	v5 =	vld [tilespmem:s23+$0xFFFFFF60]  }
0x171: {  	v6 =	vld [tilespmem:s23+$0xFFFFFEE0]  }
0x172: {  	v7 =	vld [tilespmem:s23+$0xFFFFFEA0]  }
0x173: {  	v8 =	vld [tilespmem:s23+$0xE0]  }
0x174: {  	v9 =	vld [tilespmem:s23+$0xFFFFFF20]  }
0x175: {  	v10 =	vld [tilespmem:s23+$0xA0];
	_ =	sdelay $0x2  }
0x176: {  	v3 =	vadd.bf16 v3, v4;
	v4 =	vld [tilespmem:s23+$0x120];
	v6 =	vadd.bf16 v6, v7  }
0x177: {  	v1 =	vadd.bf16 v1, v2;
	v2 =	vadd.bf16 v5, v9  }
0x178: {  	v5 =	vadd.bf16 v8, v10  }
0x179: {  	v1 =	vadd.bf16 v1, v3;
	v2 =	vadd.bf16 v2, v6;
	_ =	sdelay $0x1  }
0x17a: {  	v1 =	vadd.bf16 v1, v2;
	v3 =	vadd.bf16 v4, v5;
	_ =	sdelay $0x1  }
0x17b: {  	v1 =	vadd.bf16 v3, v1;
	_ =	sdelay $0x1  }
0x17c: {  	v1 =	vmul.bf16 v0, v1  }
0x17d: {  	s24 =	simm.s32 $0x0  }
0x17e: {  	[tilespmem:s24+$0x12900] =	vst v1  }
0x17f: {  	v1 =	vld [tilespmem:s23+$0xFFFFFEB0]  }
0x180: {  	v2 =	vld [tilespmem:s23+$0x30]  }
0x181: {  	v3 =	vld [tilespmem:s23+$0xFFFFFFF0]  }
0x182: {  	v4 =	vld [tilespmem:s23+$0xFFFFFF70]  }
0x183: {  	v5 =	vld [tilespmem:s23+$0xFFFFFFB0]  }
0x184: {  	v6 =	vld [tilespmem:s23+$0xFFFFFF30]  }
0x185: {  	v7 =	vld [tilespmem:s23+$0x70]  }
0x186: {  	v8 =	vld [tilespmem:s23+$0xFFFFFEF0]  }
0x187: {  	v62 =	vld [tilespmem:s23+$0xF0]  }
0x188: {  	v63 =	vld [tilespmem:s23+$0xB0];
	_ =	sdelay $0x1  }
0x189: {  	v3 =	vadd.bf16 v3, v5;
	v5 =	vld [tilespmem:s23+$0x130];
	v2 =	vadd.bf16 v7, v2  }
0x18a: {  	v1 =	vadd.bf16 v8, v1;
	v4 =	vadd.bf16 v4, v6  }
0x18b: {  	v2 =	vadd.bf16 v2, v3  }
0x18c: {  	v3 =	vadd.bf16 v62, v63;
	v1 =	vadd.bf16 v4, v1;
	_ =	sdelay $0x1  }
0x18d: {  	v1 =	vadd.bf16 v2, v1;
	v3 =	vadd.bf16 v5, v3;
	_ =	sdelay $0x1  }
0x18e: {  	v1 =	vadd.bf16 v3, v1;
	_ =	sdelay $0x1  }
0x18f: {  	v1 =	vmul.bf16 v0, v1;
	_ =	sdelay $0x1  }
0x190: {  	[tilespmem:s24+$0x12910] =	vst v1  }
0x191: {  	v2 =	vld [tilespmem:s23+$0xFFFFFF00]  }
0x192: {  	v1 =	vld [tilespmem:s23+$0x80]  }
0x193: {  	v4 =	vld [tilespmem:s23+$0xFFFFFF40]  }
0x194: {  	v5 =	vld [tilespmem:s23+$0xFFFFFF80]  }
0x195: {  	v3 =	vld [tilespmem:s23+$0x0]  }
0x196: {  	s25 =	simm.s32 $0x100;
	s26 =	simm.s32 $0x7A60;
	v6 =	vld [tilespmem:s23+$0xFFFFFEC0]  }
.LBB2_8:
0x197: {  	p1 =	sne.s32 s25, $0x1F00  }
0x198: {  	v7 =	vld [tilespmem:s23+$0x40];
	s26 =	sadd.s32 $0x2C0, s26;
	s28 =	smov.u32 s25;
	s25 =	sadd.s32 $0x100, s25  }
0x199: {  	v8 =	vld [tilespmem:s23+$0xFFFFFFC0]  }
0x19a: {  	v9 =	vld [tilespmem:s23+$0x100];
	v4 =	vadd.bf16 v5, v4  }
0x19b: {  	v5 =	vld [tilespmem:s23+$0xC0]  }
0x19c: {  	v2 =	vadd.bf16 v2, v6  }
0x19d: {  	v6 =	vld [tilespmem:s23+$0x140]  }
0x19e: {  	v1 =	vadd.bf16 v1, v7;
	v3 =	vadd.bf16 v3, v8  }
0x19f: {  	v2 =	vadd.bf16 v4, v2  }
0x1a0: {  	v4 =	vadd.bf16 v9, v5;
	v1 =	vadd.bf16 v1, v3;
	_ =	sdelay $0x1  }
0x1a1: {  	v3 =	vadd.bf16 v6, v4;
	v1 =	vadd.bf16 v1, v2;
	_ =	sdelay $0x1  }
0x1a2: {  	v1 =	vadd.bf16 v3, v1;
	_ =	sdelay $0x1  }
0x1a3: {  	v1 =	vmul.bf16 v0, v1;
	_ =	sdelay $0x1  }
0x1a4: {  	[tilespmem:s24+$0x12920] =	vst v1  }
0x1a5: {  	v1 =	vld [tilespmem:s23+$0xFFFFFED0]  }
0x1a6: {  	v2 =	vld [tilespmem:s23+$0xFFFFFF10]  }
0x1a7: {  	v3 =	vld [tilespmem:s23+$0xFFFFFF50]  }
0x1a8: {  	v4 =	vld [tilespmem:s23+$0xFFFFFFD0]  }
0x1a9: {  	v5 =	vld [tilespmem:s23+$0x10]  }
0x1aa: {  	v6 =	vld [tilespmem:s23+$0x50]  }
0x1ab: {  	v7 =	vld [tilespmem:s23+$0x90];
	v1 =	vadd.bf16 v2, v1  }
0x1ac: {  	v2 =	vld [tilespmem:s23+$0xD0]  }
0x1ad: {  	v8 =	vld [tilespmem:s23+$0x110]  }
0x1ae: {  	v9 =	vld [tilespmem:s23+$0xFFFFFF90];
	v4 =	vadd.bf16 v5, v4  }
0x1af: {  	v5 =	vld [tilespmem:s23+$0x150];
	s23 =	smov.u32 s26;
	_ =	sdelay $0x2  }
0x1b0: {  	v2 =	vadd.bf16 v8, v2  }
0x1b1: {  	v6 =	vadd.bf16 v7, v6;
	v3 =	vadd.bf16 v9, v3;
	_ =	sdelay $0x1  }
0x1b2: {  	v1 =	vadd.bf16 v3, v1;
	v3 =	vadd.bf16 v6, v4;
	_ =	sdelay $0x1  }
0x1b3: {  	v2 =	vadd.bf16 v5, v2;
	v1 =	vadd.bf16 v3, v1;
	_ =	sdelay $0x1  }
0x1b4: {  	v1 =	vadd.bf16 v2, v1;
	_ =	sdelay $0x1  }
0x1b5: {  	v1 =	vmul.bf16 v0, v1;
	_ =	sdelay $0x1  }
0x1b6: {  	[tilespmem:s24+$0x12930] =	vst v1  }
0x1b7: {  	v1 =	vld [tilespmem:s26+$0x60]  }
0x1b8: {  	v2 =	vld [tilespmem:s26+$0x20]  }
0x1b9: {  	v3 =	vld [tilespmem:s26+$0xFFFFFFE0]  }
0x1ba: {  	v4 =	vld [tilespmem:s26+$0xFFFFFFA0]  }
0x1bb: {  	v5 =	vld [tilespmem:s26+$0xFFFFFF60]  }
0x1bc: {  	v6 =	vld [tilespmem:s26+$0xFFFFFEE0]  }
0x1bd: {  	v7 =	vld [tilespmem:s26+$0xFFFFFEA0]  }
0x1be: {  	v8 =	vld [tilespmem:s26+$0xE0]  }
0x1bf: {  	v9 =	vld [tilespmem:s26+$0xA0];
	v3 =	vadd.bf16 v3, v4  }
0x1c0: {  	v4 =	vld [tilespmem:s26+$0xFFFFFF20]  }
0x1c1: {  	v10 =	vld [tilespmem:s26+$0x120];
	_ =	sdelay $0x1  }
0x1c2: {  	v6 =	vadd.bf16 v6, v7  }
0x1c3: {  	v1 =	vadd.bf16 v1, v2;
	v2 =	vadd.bf16 v8, v9  }
0x1c4: {  	v4 =	vadd.bf16 v5, v4  }
0x1c5: {  	v1 =	vadd.bf16 v1, v3;
	v2 =	vadd.bf16 v10, v2  }
0x1c6: {  	v3 =	vadd.bf16 v4, v6;
	_ =	sdelay $0x1  }
0x1c7: {  	v1 =	vadd.bf16 v1, v3;
	_ =	sdelay $0x1  }
0x1c8: {  	v1 =	vadd.bf16 v2, v1;
	_ =	sdelay $0x1  }
0x1c9: {  	v1 =	vmul.bf16 v0, v1  }
0x1ca: {  	s24 =	sshra.s32 s28, $0x2  }
0x1cb: {  	[tilespmem:s24+$0x12900] =	vst v1  }
0x1cc: {  	v1 =	vld [tilespmem:s26+$0xFFFFFEB0]  }
0x1cd: {  	v2 =	vld [tilespmem:s26+$0x30]  }
0x1ce: {  	v3 =	vld [tilespmem:s26+$0xFFFFFFF0]  }
0x1cf: {  	v4 =	vld [tilespmem:s26+$0xFFFFFF70]  }
0x1d0: {  	v5 =	vld [tilespmem:s26+$0xFFFFFFB0];
	_ =	sdelay $0x1  }
0x1d1: {  	v6 =	vld [tilespmem:s26+$0xFFFFFF30]  }
0x1d2: {  	v7 =	vld [tilespmem:s26+$0x70]  }
0x1d3: {  	v8 =	vld [tilespmem:s26+$0xFFFFFEF0]  }
0x1d4: {  	v9 =	vld [tilespmem:s26+$0xF0];
	v3 =	vadd.bf16 v3, v5  }
0x1d5: {  	v5 =	vld [tilespmem:s26+$0xB0];
	_ =	sdelay $0x1  }
0x1d6: {  	v10 =	vld [tilespmem:s26+$0x130];
	v2 =	vadd.bf16 v7, v2  }
0x1d7: {  	v4 =	vadd.bf16 v4, v6;
	v1 =	vadd.bf16 v8, v1  }
0x1d8: {  	v2 =	vadd.bf16 v2, v3  }
0x1d9: {  	v3 =	vadd.bf16 v9, v5;
	v1 =	vadd.bf16 v4, v1;
	_ =	sdelay $0x1  }
0x1da: {  	v3 =	vadd.bf16 v10, v3;
	v1 =	vadd.bf16 v2, v1;
	_ =	sdelay $0x1  }
0x1db: {  	v1 =	vadd.bf16 v3, v1;
	_ =	sdelay $0x1  }
0x1dc: {  	v1 =	vmul.bf16 v0, v1;
	_ =	sdelay $0x1  }
0x1dd: {  	[tilespmem:s24+$0x12910] =	vst v1  }
0x1de: {  	v2 =	vld [tilespmem:s26+$0xFFFFFF00]  }
.Ltmp3:
0x1df: {  	v1 =	vld [tilespmem:s26+$0x80];
	(pc) =	sbr.rel @p1 .LBB2_8-.Ltmp3, $4  }
0x1e0: {  	v4 =	vld [tilespmem:s26+$0xFFFFFF40]  }
0x1e1: {  	v5 =	vld [tilespmem:s26+$0xFFFFFF80]  }
0x1e2: {  	v3 =	vld [tilespmem:s26+$0x0]  }
0x1e3: {  	v6 =	vld [tilespmem:s26+$0xFFFFFEC0]  }
0x1e4: {  	v7 =	vld [tilespmem:s23+$0x40]  }
0x1e5: {  	v8 =	vld [tilespmem:s23+$0xFFFFFFC0]  }
0x1e6: {  	v9 =	vld [tilespmem:s23+$0x100]  }
0x1e7: {  	v10 =	vld [tilespmem:s23+$0xC0];
	_ =	sdelay $0x1  }
0x1e8: {  	v4 =	vadd.bf16 v5, v4;
	v5 =	vld [tilespmem:s23+$0x140];
	v2 =	vadd.bf16 v2, v6  }
0x1e9: {  	v3 =	vadd.bf16 v3, v8;
	v1 =	vadd.bf16 v1, v7  }
0x1ea: {  	v2 =	vadd.bf16 v4, v2  }
0x1eb: {  	v4 =	vadd.bf16 v9, v10;
	v1 =	vadd.bf16 v1, v3;
	_ =	sdelay $0x1  }
0x1ec: {  	v3 =	vadd.bf16 v5, v4;
	v1 =	vadd.bf16 v1, v2;
	_ =	sdelay $0x1  }
0x1ed: {  	v1 =	vadd.bf16 v3, v1;
	_ =	sdelay $0x1  }
0x1ee: {  	v1 =	vmul.bf16 v0, v1;
	_ =	sdelay $0x1  }
0x1ef: {  	[tilespmem:s24+$0x12920] =	vst v1  }
0x1f0: {  	v1 =	vld [tilespmem:s23+$0xFFFFFED0]  }
0x1f1: {  	v2 =	vld [tilespmem:s23+$0xFFFFFF10]  }
0x1f2: {  	v3 =	vld [tilespmem:s23+$0xFFFFFF50]  }
0x1f3: {  	v4 =	vld [tilespmem:s23+$0xFFFFFFD0]  }
0x1f4: {  	v5 =	vld [tilespmem:s23+$0x10]  }
0x1f5: {  	v6 =	vld [tilespmem:s23+$0x50]  }
0x1f6: {  	v7 =	vld [tilespmem:s23+$0x90]  }
0x1f7: {  	v8 =	vld [tilespmem:s23+$0xD0]  }
0x1f8: {  	v58 =	vld [tilespmem:s23+$0xFFFFFF90]  }
0x1f9: {  	v59 =	vld [tilespmem:s23+$0x110];
	_ =	sdelay $0x2  }
0x1fa: {  	v1 =	vadd.bf16 v2, v1;
	v2 =	vadd.bf16 v5, v4;
	v4 =	vld [tilespmem:s23+$0x150]  }
0x1fb: {  	v3 =	vadd.bf16 v58, v3;
	v5 =	vadd.bf16 v7, v6  }
0x1fc: {  	v6 =	vadd.bf16 v59, v8  }
0x1fd: {  	v1 =	vadd.bf16 v3, v1;
	v2 =	vadd.bf16 v5, v2;
	_ =	sdelay $0x1  }
0x1fe: {  	v1 =	vadd.bf16 v2, v1;
	v3 =	vadd.bf16 v4, v6;
	_ =	sdelay $0x1  }
0x1ff: {  	v1 =	vadd.bf16 v3, v1;
	_ =	sdelay $0x1  }
0x200: {  	v1 =	vmul.bf16 v0, v1;
	_ =	sdelay $0x1  }
0x201: {  	s31 =	simm.s32 $0x0;
	[tilespmem:s24+$0x12930] =	vst v1  }
0x202: {  	[hbm4b:s9+s31] =	stream.linear.scatter [tilespmem:s17], [sflag:$0x3], $0x800, $0x38;
	[tilespmem:$0x13900] =	vst v63  }
0x203: {  	_ =	swait.ge [sflag:s18], $0x5800  }
0x204: {  	[sflag:s18] =	ssyncset.done $0x0  }
0x205: {  	[sflag:s18] =	ssyncadd.s32 $0xFFFFA800  }
0x206: {  	_ =	swait.ge [sflag:s21], $0x800  }
0x207: {  	[sflag:s21] =	ssyncset.done $0x0  }
0x208: {  	s23 =	simm.s32 $0xD260;
	[sflag:s21] =	ssyncadd.s32 $0xFFFFF800  }
0x209: {  	v1 =	vld [tilespmem:s23+$0x60]  }
0x20a: {  	v2 =	vld [tilespmem:s23+$0x20]  }
0x20b: {  	v3 =	vld [tilespmem:s23+$0xFFFFFFE0]  }
0x20c: {  	v4 =	vld [tilespmem:s23+$0xFFFFFFA0]  }
0x20d: {  	v5 =	vld [tilespmem:s23+$0xFFFFFF60]  }
0x20e: {  	v6 =	vld [tilespmem:s23+$0xFFFFFEE0]  }
0x20f: {  	v7 =	vld [tilespmem:s23+$0xFFFFFEA0]  }
0x210: {  	v8 =	vld [tilespmem:s23+$0xE0]  }
0x211: {  	v60 =	vld [tilespmem:s23+$0xFFFFFF20]  }
0x212: {  	v61 =	vld [tilespmem:s23+$0xA0];
	_ =	sdelay $0x2  }
0x213: {  	v3 =	vadd.bf16 v3, v4;
	v4 =	vld [tilespmem:s23+$0x120];
	v6 =	vadd.bf16 v6, v7  }
0x214: {  	v1 =	vadd.bf16 v1, v2;
	v2 =	vadd.bf16 v5, v60  }
0x215: {  	v5 =	vadd.bf16 v8, v61  }
0x216: {  	v1 =	vadd.bf16 v1, v3;
	v2 =	vadd.bf16 v2, v6;
	_ =	sdelay $0x1  }
0x217: {  	v1 =	vadd.bf16 v1, v2;
	v3 =	vadd.bf16 v4, v5;
	_ =	sdelay $0x1  }
0x218: {  	v1 =	vadd.bf16 v3, v1;
	_ =	sdelay $0x1  }
0x219: {  	v1 =	vmul.bf16 v0, v1  }
0x21a: {  	s24 =	simm.s32 $0x0  }
0x21b: {  	[tilespmem:s24+$0x13100] =	vst v1  }
0x21c: {  	v1 =	vld [tilespmem:s23+$0xFFFFFEB0]  }
0x21d: {  	v2 =	vld [tilespmem:s23+$0x30]  }
0x21e: {  	v3 =	vld [tilespmem:s23+$0xFFFFFFF0]  }
0x21f: {  	v4 =	vld [tilespmem:s23+$0xFFFFFF70]  }
0x220: {  	v5 =	vld [tilespmem:s23+$0xFFFFFFB0]  }
0x221: {  	v6 =	vld [tilespmem:s23+$0xFFFFFF30]  }
0x222: {  	v7 =	vld [tilespmem:s23+$0x70]  }
0x223: {  	v8 =	vld [tilespmem:s23+$0xFFFFFEF0]  }
0x224: {  	v62 =	vld [tilespmem:s23+$0xF0]  }
0x225: {  	v63 =	vld [tilespmem:s23+$0xB0];
	_ =	sdelay $0x1  }
0x226: {  	v3 =	vadd.bf16 v3, v5;
	v5 =	vld [tilespmem:s23+$0x130];
	v2 =	vadd.bf16 v7, v2  }
0x227: {  	v1 =	vadd.bf16 v8, v1;
	v4 =	vadd.bf16 v4, v6  }
0x228: {  	v2 =	vadd.bf16 v2, v3  }
0x229: {  	v3 =	vadd.bf16 v62, v63;
	v1 =	vadd.bf16 v4, v1;
	_ =	sdelay $0x1  }
0x22a: {  	v1 =	vadd.bf16 v2, v1;
	v3 =	vadd.bf16 v5, v3;
	_ =	sdelay $0x1  }
0x22b: {  	v1 =	vadd.bf16 v3, v1;
	_ =	sdelay $0x1  }
0x22c: {  	v1 =	vmul.bf16 v0, v1;
	_ =	sdelay $0x1  }
0x22d: {  	[tilespmem:s24+$0x13110] =	vst v1  }
0x22e: {  	v2 =	vld [tilespmem:s23+$0xFFFFFF00]  }
0x22f: {  	v1 =	vld [tilespmem:s23+$0x80]  }
0x230: {  	v4 =	vld [tilespmem:s23+$0xFFFFFF40]  }
0x231: {  	v5 =	vld [tilespmem:s23+$0xFFFFFF80]  }
0x232: {  	v3 =	vld [tilespmem:s23+$0x0]  }
0x233: {  	s25 =	simm.s32 $0x100;
	s26 =	simm.s32 $0xD260;
	v6 =	vld [tilespmem:s23+$0xFFFFFEC0]  }
.LBB2_10:
0x234: {  	p1 =	sne.s32 s25, $0x1F00  }
0x235: {  	v7 =	vld [tilespmem:s23+$0x40];
	s26 =	sadd.s32 $0x2C0, s26;
	s28 =	smov.u32 s25;
	s25 =	sadd.s32 $0x100, s25  }
0x236: {  	v8 =	vld [tilespmem:s23+$0xFFFFFFC0]  }
0x237: {  	v9 =	vld [tilespmem:s23+$0x100];
	v4 =	vadd.bf16 v5, v4  }
0x238: {  	v5 =	vld [tilespmem:s23+$0xC0]  }
0x239: {  	v2 =	vadd.bf16 v2, v6  }
0x23a: {  	v6 =	vld [tilespmem:s23+$0x140]  }
0x23b: {  	v1 =	vadd.bf16 v1, v7;
	v3 =	vadd.bf16 v3, v8  }
0x23c: {  	v2 =	vadd.bf16 v4, v2  }
0x23d: {  	v4 =	vadd.bf16 v9, v5;
	v1 =	vadd.bf16 v1, v3;
	_ =	sdelay $0x1  }
0x23e: {  	v3 =	vadd.bf16 v6, v4;
	v1 =	vadd.bf16 v1, v2;
	_ =	sdelay $0x1  }
0x23f: {  	v1 =	vadd.bf16 v3, v1;
	_ =	sdelay $0x1  }
0x240: {  	v1 =	vmul.bf16 v0, v1;
	_ =	sdelay $0x1  }
0x241: {  	[tilespmem:s24+$0x13120] =	vst v1  }
0x242: {  	v1 =	vld [tilespmem:s23+$0xFFFFFED0]  }
0x243: {  	v2 =	vld [tilespmem:s23+$0xFFFFFF10]  }
0x244: {  	v3 =	vld [tilespmem:s23+$0xFFFFFF50]  }
0x245: {  	v4 =	vld [tilespmem:s23+$0xFFFFFFD0]  }
0x246: {  	v5 =	vld [tilespmem:s23+$0x10]  }
0x247: {  	v6 =	vld [tilespmem:s23+$0x50]  }
0x248: {  	v7 =	vld [tilespmem:s23+$0x90];
	v1 =	vadd.bf16 v2, v1  }
0x249: {  	v2 =	vld [tilespmem:s23+$0xD0]  }
0x24a: {  	v8 =	vld [tilespmem:s23+$0x110]  }
0x24b: {  	v9 =	vld [tilespmem:s23+$0xFFFFFF90];
	v4 =	vadd.bf16 v5, v4  }
0x24c: {  	v5 =	vld [tilespmem:s23+$0x150];
	s23 =	smov.u32 s26;
	_ =	sdelay $0x2  }
0x24d: {  	v2 =	vadd.bf16 v8, v2  }
0x24e: {  	v6 =	vadd.bf16 v7, v6;
	v3 =	vadd.bf16 v9, v3;
	_ =	sdelay $0x1  }
0x24f: {  	v1 =	vadd.bf16 v3, v1;
	v3 =	vadd.bf16 v6, v4;
	_ =	sdelay $0x1  }
0x250: {  	v2 =	vadd.bf16 v5, v2;
	v1 =	vadd.bf16 v3, v1;
	_ =	sdelay $0x1  }
0x251: {  	v1 =	vadd.bf16 v2, v1;
	_ =	sdelay $0x1  }
0x252: {  	v1 =	vmul.bf16 v0, v1;
	_ =	sdelay $0x1  }
0x253: {  	[tilespmem:s24+$0x13130] =	vst v1  }
0x254: {  	v1 =	vld [tilespmem:s26+$0x60]  }
0x255: {  	v2 =	vld [tilespmem:s26+$0x20]  }
0x256: {  	v3 =	vld [tilespmem:s26+$0xFFFFFFE0]  }
0x257: {  	v4 =	vld [tilespmem:s26+$0xFFFFFFA0]  }
0x258: {  	v5 =	vld [tilespmem:s26+$0xFFFFFF60]  }
0x259: {  	v6 =	vld [tilespmem:s26+$0xFFFFFEE0]  }
0x25a: {  	v7 =	vld [tilespmem:s26+$0xFFFFFEA0]  }
0x25b: {  	v8 =	vld [tilespmem:s26+$0xE0]  }
0x25c: {  	v9 =	vld [tilespmem:s26+$0xA0];
	v3 =	vadd.bf16 v3, v4  }
0x25d: {  	v4 =	vld [tilespmem:s26+$0xFFFFFF20]  }
0x25e: {  	v10 =	vld [tilespmem:s26+$0x120];
	_ =	sdelay $0x1  }
0x25f: {  	v6 =	vadd.bf16 v6, v7  }
0x260: {  	v1 =	vadd.bf16 v1, v2;
	v2 =	vadd.bf16 v8, v9  }
0x261: {  	v4 =	vadd.bf16 v5, v4  }
0x262: {  	v1 =	vadd.bf16 v1, v3;
	v2 =	vadd.bf16 v10, v2  }
0x263: {  	v3 =	vadd.bf16 v4, v6;
	_ =	sdelay $0x1  }
0x264: {  	v1 =	vadd.bf16 v1, v3;
	_ =	sdelay $0x1  }
0x265: {  	v1 =	vadd.bf16 v2, v1;
	_ =	sdelay $0x1  }
0x266: {  	v1 =	vmul.bf16 v0, v1  }
0x267: {  	s24 =	sshra.s32 s28, $0x2  }
0x268: {  	[tilespmem:s24+$0x13100] =	vst v1  }
0x269: {  	v1 =	vld [tilespmem:s26+$0xFFFFFEB0]  }
0x26a: {  	v2 =	vld [tilespmem:s26+$0x30]  }
0x26b: {  	v3 =	vld [tilespmem:s26+$0xFFFFFFF0]  }
0x26c: {  	v4 =	vld [tilespmem:s26+$0xFFFFFF70]  }
0x26d: {  	v5 =	vld [tilespmem:s26+$0xFFFFFFB0];
	_ =	sdelay $0x1  }
0x26e: {  	v6 =	vld [tilespmem:s26+$0xFFFFFF30]  }
0x26f: {  	v7 =	vld [tilespmem:s26+$0x70]  }
0x270: {  	v8 =	vld [tilespmem:s26+$0xFFFFFEF0]  }
0x271: {  	v9 =	vld [tilespmem:s26+$0xF0];
	v3 =	vadd.bf16 v3, v5  }
0x272: {  	v5 =	vld [tilespmem:s26+$0xB0];
	_ =	sdelay $0x1  }
0x273: {  	v10 =	vld [tilespmem:s26+$0x130];
	v2 =	vadd.bf16 v7, v2  }
0x274: {  	v4 =	vadd.bf16 v4, v6;
	v1 =	vadd.bf16 v8, v1  }
0x275: {  	v2 =	vadd.bf16 v2, v3  }
0x276: {  	v3 =	vadd.bf16 v9, v5;
	v1 =	vadd.bf16 v4, v1;
	_ =	sdelay $0x1  }
0x277: {  	v3 =	vadd.bf16 v10, v3;
	v1 =	vadd.bf16 v2, v1;
	_ =	sdelay $0x1  }
0x278: {  	v1 =	vadd.bf16 v3, v1;
	_ =	sdelay $0x1  }
0x279: {  	v1 =	vmul.bf16 v0, v1;
	_ =	sdelay $0x1  }
0x27a: {  	[tilespmem:s24+$0x13110] =	vst v1  }
0x27b: {  	v2 =	vld [tilespmem:s26+$0xFFFFFF00]  }
.Ltmp4:
0x27c: {  	v1 =	vld [tilespmem:s26+$0x80];
	(pc) =	sbr.rel @p1 .LBB2_10-.Ltmp4, $4  }
0x27d: {  	v4 =	vld [tilespmem:s26+$0xFFFFFF40]  }
0x27e: {  	v5 =	vld [tilespmem:s26+$0xFFFFFF80]  }
0x27f: {  	v3 =	vld [tilespmem:s26+$0x0]  }
0x280: {  	v6 =	vld [tilespmem:s26+$0xFFFFFEC0]  }
0x281: {  	v7 =	vld [tilespmem:s23+$0x40]  }
0x282: {  	v8 =	vld [tilespmem:s23+$0xFFFFFFC0]  }
0x283: {  	v9 =	vld [tilespmem:s23+$0x100]  }
0x284: {  	v10 =	vld [tilespmem:s23+$0xC0];
	_ =	sdelay $0x2  }
0x285: {  	v52 =	vld [tilespmem:s23+$0x140];
	v4 =	vadd.bf16 v5, v4;
	v2 =	vadd.bf16 v2, v6  }
0x286: {  	v3 =	vadd.bf16 v3, v8;
	v1 =	vadd.bf16 v1, v7  }
0x287: {  	v53 =	vadd.bf16 v9, v10  }
0x288: {  	v2 =	vadd.bf16 v4, v2;
	v1 =	vadd.bf16 v1, v3;
	_ =	sdelay $0x1  }
0x289: {  	v3 =	vadd.bf16 v52, v53;
	v1 =	vadd.bf16 v1, v2;
	_ =	sdelay $0x1  }
0x28a: {  	v1 =	vadd.bf16 v3, v1;
	_ =	sdelay $0x1  }
0x28b: {  	v1 =	vmul.bf16 v0, v1;
	_ =	sdelay $0x1  }
0x28c: {  	[tilespmem:s24+$0x13120] =	vst v1  }
0x28d: {  	v1 =	vld [tilespmem:s23+$0xFFFFFED0]  }
0x28e: {  	v2 =	vld [tilespmem:s23+$0xFFFFFF10]  }
0x28f: {  	v3 =	vld [tilespmem:s23+$0xFFFFFF50]  }
0x290: {  	v54 =	vld [tilespmem:s23+$0xFFFFFFD0]  }
0x291: {  	v55 =	vld [tilespmem:s23+$0x10]  }
0x292: {  	v56 =	vld [tilespmem:s23+$0x50]  }
0x293: {  	v57 =	vld [tilespmem:s23+$0x90]  }
0x294: {  	v58 =	vld [tilespmem:s23+$0xD0]  }
0x295: {  	v59 =	vld [tilespmem:s23+$0xFFFFFF90]  }
0x296: {  	v60 =	vld [tilespmem:s23+$0x110];
	_ =	sdelay $0x2  }
0x297: {  	v61 =	vld [tilespmem:s23+$0x150];
	v1 =	vadd.bf16 v2, v1;
	v2 =	vadd.bf16 v55, v54  }
0x298: {  	v3 =	vadd.bf16 v59, v3;
	v62 =	vadd.bf16 v57, v56  }
0x299: {  	v63 =	vadd.bf16 v60, v58  }
0x29a: {  	v1 =	vadd.bf16 v3, v1;
	v2 =	vadd.bf16 v62, v2;
	_ =	sdelay $0x1  }
0x29b: {  	v3 =	vadd.bf16 v61, v63;
	v1 =	vadd.bf16 v2, v1;
	_ =	sdelay $0x1  }
0x29c: {  	v1 =	vadd.bf16 v3, v1;
	_ =	sdelay $0x1  }
0x29d: {  	v1 =	vmul.bf16 v0, v1;
	_ =	sdelay $0x1  }
0x29e: {  	s22 =	sadd.s32 $0x1, s22;
	[tilespmem:s24+$0x13130] =	vst v1  }
0x29f: {  	[hbm4b:s10+s3] =	stream.linear.scatter [tilespmem:s19], [sflag:$0x4], $0x800, $0x38;
	[tilespmem:$0x13900] =	vst v63  }
0x2a0: {  	p1 =	sne.s32 s22, s11;
	_ =	swait.ge [sflag:s20], $0x800  }
.Ltmp5:
0x2a1: {  	[sflag:s20] =	ssyncset.done $0x0;
	(pc) =	sbr.rel @p1 .LBB2_1-.Ltmp5, $4  }
0x2a2: {  	[sflag:s20] =	ssyncadd.s32 $0xFFFFF800  }
0x2a3: {  	_ =	swait.ge [sflag:s21], $0x800  }
0x2a4: {  	[sflag:s21] =	ssyncset.done $0x0  }
0x2a5: {  	[sflag:s21] =	ssyncadd.s32 $0xFFFFF800  }
0x2a6: {  	_ =	sfence.sel $0x180000  }
0x2a7: {  	[bflag:$0x0] =	sbarrier.arrive $0xFFFF  }
0x2a8: {  	p0 =	sne.s32 s1, $0x0;
	_ =	strace $0x90000047  }
0x2a9: {  	s0 =	sadd.s32 @!p0 $0x100000, s0;
	[bflag:$0x2] =	sbarrier.arrive $0xFFFF  }
0x2aa: {  	[sflag:s0] =	ssyncadd.tile.s32 @!p0 $0x1;
	_ =	shalt  }
.Lfunc_end2:
_tile_overlayer_lowered:
.L_overlay_start_2:
0x2ab: {  	(tag) =	ssettag $0x2  }
0x2ac: {  	s0 =	rddreg [dreg:$0x0];
	s2 =	stileid.u32  }
0x2ad: {  	s1 =	rddreg [dreg:$0x1];
	p0 =	sne.s32 s2, $0x0  }
0x2ae: {  	s3 =	rddreg [dreg:$0x2];
	[bflag:$0x3] =	sbarrier.arrive $0xFFFF;
	s2 =	simm.s32 @!p0 $0x1C05  }
0x2af: {  	[timem:s3], [sflag:s2] =	dma.local @!p0 [hbm:s0], s1  }
0x2b0: {  	s0 =	simm.s32 @!p0 $0x5  }
0x2b1: {  	_ =	swait.ge @!p0 [sflag:s0], s1  }
0x2b2: {  	s1 =	ssub.s32 @!p0 $0x0, s1;
	[sflag:s0] =	ssyncset.done @!p0 $0x0  }
0x2b3: {  	[sflag:s0] =	ssyncadd.s32 @!p0 s1  }
0x2b4: {  	[bflag:$0x3] =	sbarrier.arrive $0xFFFF  }
0x2b5: {  	_ =	shalt  }

</sc_bundles>
